<compile_context>
chip_gen: v7x
topology: tpu7x:2x2x1
jax: 0.10.2.dev20260603
libtpu: 0.0.44.dev20260713+nightly
codegen_flags: <defaults>
</compile_context>

<pallas_src>
import functools

import jax
import jax.numpy as jnp
from jax import lax
from jax.experimental import pallas as pl
from jax.experimental.pallas import tpu as pltpu
from jax.experimental.pallas import tpu_sc as plsc

N_NODES = 10000
D_FEAT = 128
N_EDGES = 320000

NS = 16
NC = 2
LANES = 16
E_TILE = N_EDGES // NS
E_HALF = E_TILE // NC
E_COVER = 20096
NP = 10240
STRIPE = NP // NS
U = 25


def _edge_body(edge_hbm, dinv_hbm, tpart_hbm,
               edges_v, cnt_v, t_v, dinv_loc, blk_v, acc_v, dinv_v,
               stage_sh, dinv_sh, sem):
    c = lax.axis_index("c")
    s = lax.axis_index("s")
    ebase = s * E_TILE
    ebase_al = (ebase // 128) * 128
    boff = ebase - ebase_al
    nbase = s * STRIPE

    edge_cp = pltpu.async_copy(
        edge_hbm.at[:, pl.ds(ebase_al, E_COVER)], edges_v, sem)

    zeros16 = jnp.zeros((LANES,), jnp.float32)

    def zero_body(i, _):
        for u in range(8):
            off = i * 8 * LANES + u * LANES
            cnt_v[pl.ds(off, LANES)] = zeros16
            t_v[pl.ds(off, LANES)] = zeros16
        return _
    lax.fori_loop(0, NP // (8 * LANES), zero_body, None)
    edge_cp.wait()

    ones16 = jnp.ones((LANES,), jnp.float32)

    def cnt_body(i, _):
        for u in range(U):
            off = boff + i * U * LANES + u * LANES
            sv = edges_v[0, pl.ds(off, LANES)]
            dv = edges_v[1, pl.ds(off, LANES)]
            plsc.addupdate_scatter(cnt_v, [dv], ones16, mask=sv != dv)
        return _
    lax.fori_loop(0, E_TILE // (U * LANES), cnt_body, None)

    pl.delay(20)
    pltpu.sync_copy(cnt_v, stage_sh.at[s])
    plsc.subcore_barrier()
    pltpu.sync_copy(stage_sh.at[:, pl.ds(nbase, STRIPE)], blk_v)

    def red_body(i, _):
        for u in range(4):
            off = i * 4 * LANES + u * LANES
            a = blk_v[0, pl.ds(off, LANES)]
            for r in range(1, NS):
                a = a + blk_v[r, pl.ds(off, LANES)]
            acc_v[pl.ds(off, LANES)] = a
        return _
    lax.fori_loop(0, STRIPE // (4 * LANES), red_body, None)

    def dinv_body(i, _):
        for u in range(8):
            off = i * 8 * LANES + u * LANES
            xdeg = acc_v[pl.ds(off, LANES)] + jnp.float32(1.0)
            ii = lax.bitcast_convert_type(xdeg, jnp.int32)
            ii = jnp.int32(0x5F3759DF) - (ii >> 1)
            y = lax.bitcast_convert_type(ii, jnp.float32)
            for _unused in range(3):
                y = y * (jnp.float32(1.5) - jnp.float32(0.5) * xdeg * y * y)
            dinv_v[pl.ds(off, LANES)] = y
        return _
    lax.fori_loop(0, STRIPE // (8 * LANES), dinv_body, None)
    pltpu.sync_copy(dinv_v, dinv_sh.at[pl.ds(nbase, STRIPE)])

    @pl.when(c == 0)
    def _write_dinv():
        pltpu.sync_copy(dinv_v, dinv_hbm.at[pl.ds(nbase, STRIPE)])

    plsc.subcore_barrier()
    pltpu.sync_copy(dinv_sh, dinv_loc)

    hoff = boff + c * E_HALF

    UT = 25
    def t_body(i, _):
        for u in range(UT):
            off = hoff + i * UT * LANES + u * LANES
            sv = edges_v[0, pl.ds(off, LANES)]
            dv = edges_v[1, pl.ds(off, LANES)]
            g = plsc.load_gather(dinv_loc, [dv])
            plsc.addupdate_scatter(t_v, [sv], g, mask=sv != dv)
        return _
    lax.fori_loop(0, E_HALF // (UT * LANES), t_body, None)

    pl.delay(20)
    pltpu.sync_copy(t_v, stage_sh.at[s])
    plsc.subcore_barrier()
    pltpu.sync_copy(stage_sh.at[:, pl.ds(nbase, STRIPE)], blk_v)

    def red2_body(i, _):
        for u in range(4):
            off = i * 4 * LANES + u * LANES
            a = blk_v[0, pl.ds(off, LANES)]
            for r in range(1, NS):
                a = a + blk_v[r, pl.ds(off, LANES)]
            acc_v[pl.ds(off, LANES)] = a
        return _
    lax.fori_loop(0, STRIPE // (4 * LANES), red2_body, None)

    pltpu.sync_copy(acc_v, tpart_hbm.at[pl.ds(c * NP + nbase, STRIPE)])


_edge_kernel = pl.kernel(
    _edge_body,
    out_type=(
        jax.ShapeDtypeStruct((NP,), jnp.float32),
        jax.ShapeDtypeStruct((NC * NP,), jnp.float32),
    ),
    mesh=plsc.VectorSubcoreMesh(
        core_axis_name="c", subcore_axis_name="s", num_cores=NC),
    compiler_params=pltpu.CompilerParams(needs_layout_passes=False),
    scratch_types=[
        pltpu.VMEM((2, E_COVER), jnp.int32),
        pltpu.VMEM((NP,), jnp.float32),
        pltpu.VMEM((NP,), jnp.float32),
        pltpu.VMEM((NP,), jnp.float32),
        pltpu.VMEM((NS, STRIPE), jnp.float32),
        pltpu.VMEM((STRIPE,), jnp.float32),
        pltpu.VMEM((STRIPE,), jnp.float32),
        pltpu.VMEM_SHARED((NS, NP), jnp.float32),
        pltpu.VMEM_SHARED((NP,), jnp.float32),
        pltpu.SemaphoreType.DMA,
    ],
)


def _dense_body(x_ref, w0_ref, w1_ref, b1_ref, dinv_ref, tp_ref,
                out_ref):
    dv = dinv_ref[0:1, 0:N_NODES]
    t = tp_ref[0:1, 0:N_NODES] + tp_ref[0:1, NP:NP + N_NODES]
    coef = dv * (t + dv)
    h1t = lax.dot_general(
        w0_ref[...], x_ref[...], (((1,), (1,)), ((), ())),
        preferred_element_type=jnp.float32)
    h1t = h1t * coef
    mean = jnp.mean(h1t, axis=1, keepdims=True)
    m2 = jnp.mean(h1t * h1t, axis=1, keepdims=True)
    var = m2 - mean * mean
    rs = lax.rsqrt(var + jnp.float32(1e-5))
    hn = (h1t - mean) * rs
    hrt = jnp.maximum(hn, jnp.float32(0.0)) * coef
    out_ref[...] = lax.dot_general(
        hrt, w1_ref[...], (((0,), (1,)), ((), ())),
        preferred_element_type=jnp.float32) + b1_ref[...]


@functools.partial(jax.jit, static_argnames=())
def kernel(x, edge_index, W0, b0, W1, b1):
    dinv_full, t_part = _edge_kernel(edge_index)

    out = pl.pallas_call(
        _dense_body,
        out_shape=jax.ShapeDtypeStruct((N_NODES, D_FEAT), jnp.float32),
    )(x, W0, W1, b1.reshape(1, D_FEAT),
      dinv_full.reshape(1, NP), t_part.reshape(1, NC * NP))
    return out

# --- scband reference (transcript-rebuilt; emitter-appended) ---
"""Pipeline reference for scband-mpnn-44349832298684 (READ-ONLY COPY).

The authoritative reference and input builder live on the scoring server;
editing this copy changes nothing except your own understanding.
"""

import jax, jax.numpy as jnp
import numpy as np

N_NODES = 10000
D_FEAT = 128
N_EDGES = 320000


def gcn_conv(h, src, dst, mask_f):
    # Faithful port of the torch gcn_conv: remove self loops (via zero-weight mask),
    # add self loops, symmetric degree normalization, then index_add into rows (src).
    N = h.shape[0]
    deg = jnp.zeros((N,), dtype=h.dtype).at[dst].add(mask_f) + 1.0  # +1 from added self loops
    dinv = deg ** -0.5
    ew = dinv[src] * dinv[dst] * mask_f
    out = jnp.zeros_like(h).at[src].add(h[src] * ew[:, None])
    # self-loop contribution: weight = deg^-0.5 * deg^-0.5 = 1/deg, scattered to same node
    out = out + h * (1.0 / deg)[:, None]
    return out


def setup_inputs(seed: int = 0):
    key = jax.random.key(seed)
    k0, k1, k2, k3, k4, k5 = jax.random.split(key, 6)
    x = jax.random.normal(k0, (N_NODES, D_FEAT), dtype=jnp.float32)
    edge_index = jax.random.randint(k1, (2, N_EDGES), 0, N_NODES, dtype=jnp.int32)
    gain = 1.414
    s01 = gain * np.sqrt(6.0 / (D_FEAT + D_FEAT)) / np.sqrt(3.0)  # xavier_uniform-like scale
    W0 = jax.random.uniform(k2, (D_FEAT, D_FEAT), dtype=jnp.float32, minval=-1.0, maxval=1.0) * s01 * np.sqrt(3.0)
    b0 = jax.random.normal(k3, (D_FEAT,), dtype=jnp.float32) * 0.01
    W1 = jax.random.uniform(k4, (D_FEAT, D_FEAT), dtype=jnp.float32, minval=-1.0, maxval=1.0) * s01 * np.sqrt(3.0)
    b1 = jax.random.normal(k5, (D_FEAT,), dtype=jnp.float32) * 0.01
    return {"x": x, "edge_index": edge_index, "W0": W0, "b0": b0, "W1": W1, "b1": b1}


def reference(x, edge_index, W0, b0, W1, b1):
    # MPNN.forward with num_layers=2, use_conv=True, eval mode (dropout inactive).
    src = edge_index[0]
    dst = edge_index[1]
    mask_f = (src != dst).astype(x.dtype)
    # layer 0
    h = x @ W0.T
    h = gcn_conv(h, src, dst, mask_f)
    h = h + b0
    # BatchNorm1d(affine=False, track_running_stats=False): batch stats, biased var
    mean = jnp.mean(h, axis=0)
    var = jnp.var(h, axis=0)
    h = (h - mean) * jax.lax.rsqrt(var + 1e-5)
    h = jax.nn.relu(h)
    # final layer
    h = h @ W1.T
    h = gcn_conv(h, src, dst, mask_f)
    h = h + b1
    return h

if __name__ == "__main__":
    import jax
    _d = setup_inputs()
    print(jax.jit(kernel)(*tuple(_d.values())))

</pallas_src>

<mosaic_0001>
#map = affine_map<(d0, d1) -> (0, 0)>
#map1 = affine_map<(d0, d1) -> (0)>
module attributes {stable_mosaic.version = 14 : i64} {
  func.func @_edge_body(%arg0: i32, %arg1: i32, %arg2: memref<2x320000xi32, #tpu.memory_space<hbm>>, %arg3: memref<10240xf32, #tpu.memory_space<hbm>>, %arg4: memref<20480xf32, #tpu.memory_space<hbm>>, %arg5: memref<2x20096xi32, #tpu.memory_space<vmem>>, %arg6: memref<10240xf32, #tpu.memory_space<vmem>>, %arg7: memref<10240xf32, #tpu.memory_space<vmem>>, %arg8: memref<10240xf32, #tpu.memory_space<vmem>>, %arg9: memref<16x640xf32, #tpu.memory_space<vmem>>, %arg10: memref<640xf32, #tpu.memory_space<vmem>>, %arg11: memref<640xf32, #tpu.memory_space<vmem>>, %arg12: memref<16x10240xf32, #tpu.memory_space<vmem_shared>>, %arg13: memref<10240xf32, #tpu.memory_space<vmem_shared>>, %arg14: memref<!tpu.dma_semaphore, #tpu.memory_space<semaphore_mem>>) attributes {dimension_semantics = [#tpu.dimension_semantics<core_parallel>, #tpu.dimension_semantics<subcore_parallel>], iteration_bounds = array<i64: 2, 16>, scalar_prefetch = 0 : i64, scratch_operands = 10 : i64, tpu.core_type = #tpu.core_type<sc_vector_subcore>, window_params = [{transform_indices = #map}, {transform_indices = #map1}, {transform_indices = #map1}]} {
    %mul3A = arith.constant 20000 : i32
    %mul3A_0 = arith.muli %arg1, %mul3A : i32
    %jit3A = arith.constant 128 : i32
    %div3A = arith.divsi %mul3A_0, %jit3A : i32
    %sign3A = arith.constant 0 : i32
    %sign3A_1 = arith.cmpi sgt, %mul3A_0, %sign3A : i32
    %sign3A_2 = arith.extui %sign3A_1 : i1 to i32
    %sign3A_3 = arith.constant 0 : i32
    %sign3A_4 = arith.cmpi slt, %mul3A_0, %sign3A_3 : i32
    %sign3A_5 = arith.extui %sign3A_4 : i1 to i32
    %sign3A_6 = arith.subi %sign3A_2, %sign3A_5 : i32
    %sign3A_7 = arith.constant 0 : i32
    %sign3A_8 = arith.cmpi sgt, %jit3A, %sign3A_7 : i32
    %sign3A_9 = arith.extui %sign3A_8 : i1 to i32
    %sign3A_10 = arith.constant 0 : i32
    %sign3A_11 = arith.cmpi slt, %jit3A, %sign3A_10 : i32
    %sign3A_12 = arith.extui %sign3A_11 : i1 to i32
    %sign3A_13 = arith.subi %sign3A_9, %sign3A_12 : i32
    %ne3A = arith.cmpi ne, %sign3A_6, %sign3A_13 : i32
    %rem3A = arith.remsi %mul3A_0, %jit3A : i32
    %ne3A_14 = arith.constant 0 : i32
    %ne3A_15 = arith.cmpi ne, %rem3A, %ne3A_14 : i32
    %and3A = arith.andi %ne3A, %ne3A_15 : i1
    %sub3A = arith.constant 1 : i32
    %sub3A_16 = arith.subi %div3A, %sub3A : i32
    %select_n3A = arith.select %and3A, %sub3A_16, %div3A : i32
    %mul3A_17 = arith.constant 128 : i32
    %mul3A_18 = arith.muli %select_n3A, %mul3A_17 : i32
    %sub3A_19 = arith.subi %mul3A_0, %mul3A_18 : i32
    %mul3A_20 = arith.constant 640 : i32
    %mul3A_21 = arith.muli %arg1, %mul3A_20 : i32
    %dma_start3A = arith.constant 0 : i32
    %dma_start3A_22 = tpu.memref_slice %arg2[%dma_start3A, %mul3A_18] : memref<2x320000xi32, #tpu.memory_space<hbm>> -> memref<2x20096xi32, #tpu.memory_space<hbm>>
    %dma_start3A_23 = arith.constant 0 : i32
    %dma_start3A_24 = tpu.memref_slice %arg2[%dma_start3A_23, %mul3A_18] : memref<2x320000xi32, #tpu.memory_space<hbm>> -> memref<2x20096xi32, #tpu.memory_space<hbm>>
    tpu.enqueue_dma source(%dma_start3A_24 : memref<2x20096xi32, #tpu.memory_space<hbm>>) target(%arg5 : memref<2x20096xi32, #tpu.memory_space<vmem>>) target_semaphore(%arg14 : memref<!tpu.dma_semaphore, #tpu.memory_space<semaphore_mem>>)
    %broadcast_in_dim3A = arith.constant 0.000000e+00 : f32
    %broadcast_in_dim3A_25 = vector.broadcast %broadcast_in_dim3A : f32 to vector<16xf32>
    %scan3A = arith.constant 0 : i32
    %scan3A_26 = arith.constant 80 : i32
    %scan3A_27 = arith.addi %scan3A, %scan3A_26 : i32
    %scan3A_28 = arith.constant 1 : i32
    scf.for %scan3A_70 = %scan3A to %scan3A_27 step %scan3A_28  : i32 {
      %mul3A_71 = arith.constant 8 : i32
      %mul3A_72 = arith.muli %scan3A_70, %mul3A_71 : i32
      %mul3A_73 = arith.constant 16 : i32
      %mul3A_74 = arith.muli %mul3A_72, %mul3A_73 : i32
      %add3A_75 = arith.constant 0 : i32
      %add3A_76 = arith.addi %mul3A_74, %add3A_75 : i32
      %swap3A = arith.index_cast %add3A_76 : i32 to index
      %swap3A_77 = tpu.vector_load %arg6[%swap3A] {strides = array<i32>} : memref<10240xf32, #tpu.memory_space<vmem>>, vector<16xf32>,
      tpu.vector_store %arg6[%swap3A], %broadcast_in_dim3A_25 {strides = array<i32>} : memref<10240xf32, #tpu.memory_space<vmem>>, vector<16xf32>,
      %swap3A_78 = arith.index_cast %add3A_76 : i32 to index
      %swap3A_79 = tpu.vector_load %arg7[%swap3A_78] {strides = array<i32>} : memref<10240xf32, #tpu.memory_space<vmem>>, vector<16xf32>,
      tpu.vector_store %arg7[%swap3A_78], %broadcast_in_dim3A_25 {strides = array<i32>} : memref<10240xf32, #tpu.memory_space<vmem>>, vector<16xf32>,
      %mul3A_80 = arith.constant 8 : i32
      %mul3A_81 = arith.muli %scan3A_70, %mul3A_80 : i32
      %mul3A_82 = arith.constant 16 : i32
      %mul3A_83 = arith.muli %mul3A_81, %mul3A_82 : i32
      %add3A_84 = arith.constant 16 : i32
      %add3A_85 = arith.addi %mul3A_83, %add3A_84 : i32
      %swap3A_86 = arith.index_cast %add3A_85 : i32 to index
      %swap3A_87 = tpu.vector_load %arg6[%swap3A_86] {strides = array<i32>} : memref<10240xf32, #tpu.memory_space<vmem>>, vector<16xf32>,
      tpu.vector_store %arg6[%swap3A_86], %broadcast_in_dim3A_25 {strides = array<i32>} : memref<10240xf32, #tpu.memory_space<vmem>>, vector<16xf32>,
      %swap3A_88 = arith.index_cast %add3A_85 : i32 to index
      %swap3A_89 = tpu.vector_load %arg7[%swap3A_88] {strides = array<i32>} : memref<10240xf32, #tpu.memory_space<vmem>>, vector<16xf32>,
      tpu.vector_store %arg7[%swap3A_88], %broadcast_in_dim3A_25 {strides = array<i32>} : memref<10240xf32, #tpu.memory_space<vmem>>, vector<16xf32>,
      %mul3A_90 = arith.constant 8 : i32
      %mul3A_91 = arith.muli %scan3A_70, %mul3A_90 : i32
      %mul3A_92 = arith.constant 16 : i32
      %mul3A_93 = arith.muli %mul3A_91, %mul3A_92 : i32
      %add3A_94 = arith.constant 32 : i32
      %add3A_95 = arith.addi %mul3A_93, %add3A_94 : i32
      %swap3A_96 = arith.index_cast %add3A_95 : i32 to index
      %swap3A_97 = tpu.vector_load %arg6[%swap3A_96] {strides = array<i32>} : memref<10240xf32, #tpu.memory_space<vmem>>, vector<16xf32>,
      tpu.vector_store %arg6[%swap3A_96], %broadcast_in_dim3A_25 {strides = array<i32>} : memref<10240xf32, #tpu.memory_space<vmem>>, vector<16xf32>,
      %swap3A_98 = arith.index_cast %add3A_95 : i32 to index
      %swap3A_99 = tpu.vector_load %arg7[%swap3A_98] {strides = array<i32>} : memref<10240xf32, #tpu.memory_space<vmem>>, vector<16xf32>,
      tpu.vector_store %arg7[%swap3A_98], %broadcast_in_dim3A_25 {strides = array<i32>} : memref<10240xf32, #tpu.memory_space<vmem>>, vector<16xf32>,
      %mul3A_100 = arith.constant 8 : i32
      %mul3A_101 = arith.muli %scan3A_70, %mul3A_100 : i32
      %mul3A_102 = arith.constant 16 : i32
      %mul3A_103 = arith.muli %mul3A_101, %mul3A_102 : i32
      %add3A_104 = arith.constant 48 : i32
      %add3A_105 = arith.addi %mul3A_103, %add3A_104 : i32
      %swap3A_106 = arith.index_cast %add3A_105 : i32 to index
      %swap3A_107 = tpu.vector_load %arg6[%swap3A_106] {strides = array<i32>} : memref<10240xf32, #tpu.memory_space<vmem>>, vector<16xf32>,
      tpu.vector_store %arg6[%swap3A_106], %broadcast_in_dim3A_25 {strides = array<i32>} : memref<10240xf32, #tpu.memory_space<vmem>>, vector<16xf32>,
      %swap3A_108 = arith.index_cast %add3A_105 : i32 to index
      %swap3A_109 = tpu.vector_load %arg7[%swap3A_108] {strides = array<i32>} : memref<10240xf32, #tpu.memory_space<vmem>>, vector<16xf32>,
      tpu.vector_store %arg7[%swap3A_108], %broadcast_in_dim3A_25 {strides = array<i32>} : memref<10240xf32, #tpu.memory_space<vmem>>, vector<16xf32>,
      %mul3A_110 = arith.constant 8 : i32
      %mul3A_111 = arith.muli %scan3A_70, %mul3A_110 : i32
      %mul3A_112 = arith.constant 16 : i32
      %mul3A_113 = arith.muli %mul3A_111, %mul3A_112 : i32
      %add3A_114 = arith.constant 64 : i32
      %add3A_115 = arith.addi %mul3A_113, %add3A_114 : i32
      %swap3A_116 = arith.index_cast %add3A_115 : i32 to index
      %swap3A_117 = tpu.vector_load %arg6[%swap3A_116] {strides = array<i32>} : memref<10240xf32, #tpu.memory_space<vmem>>, vector<16xf32>,
      tpu.vector_store %arg6[%swap3A_116], %broadcast_in_dim3A_25 {strides = array<i32>} : memref<10240xf32, #tpu.memory_space<vmem>>, vector<16xf32>,
      %swap3A_118 = arith.index_cast %add3A_115 : i32 to index
      %swap3A_119 = tpu.vector_load %arg7[%swap3A_118] {strides = array<i32>} : memref<10240xf32, #tpu.memory_space<vmem>>, vector<16xf32>,
      tpu.vector_store %arg7[%swap3A_118], %broadcast_in_dim3A_25 {strides = array<i32>} : memref<10240xf32, #tpu.memory_space<vmem>>, vector<16xf32>,
      %mul3A_120 = arith.constant 8 : i32
      %mul3A_121 = arith.muli %scan3A_70, %mul3A_120 : i32
      %mul3A_122 = arith.constant 16 : i32
      %mul3A_123 = arith.muli %mul3A_121, %mul3A_122 : i32
      %add3A_124 = arith.constant 80 : i32
      %add3A_125 = arith.addi %mul3A_123, %add3A_124 : i32
      %swap3A_126 = arith.index_cast %add3A_125 : i32 to index
      %swap3A_127 = tpu.vector_load %arg6[%swap3A_126] {strides = array<i32>} : memref<10240xf32, #tpu.memory_space<vmem>>, vector<16xf32>,
      tpu.vector_store %arg6[%swap3A_126], %broadcast_in_dim3A_25 {strides = array<i32>} : memref<10240xf32, #tpu.memory_space<vmem>>, vector<16xf32>,
      %swap3A_128 = arith.index_cast %add3A_125 : i32 to index
      %swap3A_129 = tpu.vector_load %arg7[%swap3A_128] {strides = array<i32>} : memref<10240xf32, #tpu.memory_space<vmem>>, vector<16xf32>,
      tpu.vector_store %arg7[%swap3A_128], %broadcast_in_dim3A_25 {strides = array<i32>} : memref<10240xf32, #tpu.memory_space<vmem>>, vector<16xf32>,
      %mul3A_130 = arith.constant 8 : i32
      %mul3A_131 = arith.muli %scan3A_70, %mul3A_130 : i32
      %mul3A_132 = arith.constant 16 : i32
      %mul3A_133 = arith.muli %mul3A_131, %mul3A_132 : i32
      %add3A_134 = arith.constant 96 : i32
      %add3A_135 = arith.addi %mul3A_133, %add3A_134 : i32
      %swap3A_136 = arith.index_cast %add3A_135 : i32 to index
      %swap3A_137 = tpu.vector_load %arg6[%swap3A_136] {strides = array<i32>} : memref<10240xf32, #tpu.memory_space<vmem>>, vector<16xf32>,
      tpu.vector_store %arg6[%swap3A_136], %broadcast_in_dim3A_25 {strides = array<i32>} : memref<10240xf32, #tpu.memory_space<vmem>>, vector<16xf32>,
      %swap3A_138 = arith.index_cast %add3A_135 : i32 to index
      %swap3A_139 = tpu.vector_load %arg7[%swap3A_138] {strides = array<i32>} : memref<10240xf32, #tpu.memory_space<vmem>>, vector<16xf32>,
      tpu.vector_store %arg7[%swap3A_138], %broadcast_in_dim3A_25 {strides = array<i32>} : memref<10240xf32, #tpu.memory_space<vmem>>, vector<16xf32>,
      %mul3A_140 = arith.constant 8 : i32
      %mul3A_141 = arith.muli %scan3A_70, %mul3A_140 : i32
      %mul3A_142 = arith.constant 16 : i32
      %mul3A_143 = arith.muli %mul3A_141, %mul3A_142 : i32
      %add3A_144 = arith.constant 112 : i32
      %add3A_145 = arith.addi %mul3A_143, %add3A_144 : i32
      %swap3A_146 = arith.index_cast %add3A_145 : i32 to index
      %swap3A_147 = tpu.vector_load %arg6[%swap3A_146] {strides = array<i32>} : memref<10240xf32, #tpu.memory_space<vmem>>, vector<16xf32>,
      tpu.vector_store %arg6[%swap3A_146], %broadcast_in_dim3A_25 {strides = array<i32>} : memref<10240xf32, #tpu.memory_space<vmem>>, vector<16xf32>,
      %swap3A_148 = arith.index_cast %add3A_145 : i32 to index
      %swap3A_149 = tpu.vector_load %arg7[%swap3A_148] {strides = array<i32>} : memref<10240xf32, #tpu.memory_space<vmem>>, vector<16xf32>,
      tpu.vector_store %arg7[%swap3A_148], %broadcast_in_dim3A_25 {strides = array<i32>} : memref<10240xf32, #tpu.memory_space<vmem>>, vector<16xf32>,
    }
    %scan3A_29 = arith.constant 80 : i32
    %dma_wait3A = arith.constant 0 : i32
    %dma_wait3A_30 = tpu.memref_slice %arg2[%dma_wait3A, %mul3A_18] : memref<2x320000xi32, #tpu.memory_space<hbm>> -> memref<2x20096xi32, #tpu.memory_space<hbm>>
    %dma_wait3A_31 = arith.constant 0 : i32
    %dma_wait3A_32 = tpu.memref_slice %arg2[%dma_wait3A_31, %mul3A_18] : memref<2x320000xi32, #tpu.memory_space<hbm>> -> memref<2x20096xi32, #tpu.memory_space<hbm>>
    tpu.wait_dma2 semaphore(%arg14 : memref<!tpu.dma_semaphore, #tpu.memory_space<semaphore_mem>>) src(%dma_wait3A_32 : memref<2x20096xi32, #tpu.memory_space<hbm>>) dst(%arg5 : memref<2x20096xi32, #tpu.memory_space<vmem>>)
    %broadcast_in_dim3A_33 = arith.constant 1.000000e+00 : f32
    %broadcast_in_dim3A_34 = vector.broadcast %broadcast_in_dim3A_33 : f32 to vector<16xf32>
    %scan3A_35 = arith.constant 0 : i32
    %scan3A_36 = arith.constant 50 : i32
    %scan3A_37 = arith.addi %scan3A_35, %scan3A_36 : i32
    %scan3A_38 = arith.constant 1 : i32
    scf.for %scan3A_70 = %scan3A_35 to %scan3A_37 step %scan3A_38  : i32 {
      %mul3A_71 = arith.constant 25 : i32
      %mul3A_72 = arith.muli %scan3A_70, %mul3A_71 : i32
      %mul3A_73 = arith.constant 16 : i32
      %mul3A_74 = arith.muli %mul3A_72, %mul3A_73 : i32
      %add3A_75 = arith.addi %sub3A_19, %mul3A_74 : i32
      %add3A_76 = arith.constant 0 : i32
      %add3A_77 = arith.addi %add3A_75, %add3A_76 : i32
      %get3A = arith.constant 0 : i32
      %get3A_78 = arith.index_cast %get3A : i32 to index
      %get3A_79 = arith.index_cast %add3A_77 : i32 to index
      %get3A_80 = tpu.vector_load %arg5[%get3A_78, %get3A_79] {strides = array<i32>} : memref<2x20096xi32, #tpu.memory_space<vmem>>, vector<16xi32>,
      %get3A_81 = arith.constant 1 : i32
      %get3A_82 = arith.index_cast %get3A_81 : i32 to index
      %get3A_83 = arith.index_cast %add3A_77 : i32 to index
      %get3A_84 = tpu.vector_load %arg5[%get3A_82, %get3A_83] {strides = array<i32>} : memref<2x20096xi32, #tpu.memory_space<vmem>>, vector<16xi32>,
      %ne3A_85 = arith.cmpi ne, %get3A_80, %get3A_84 : vector<16xi32>
      tpu.vector_store_idx %arg6[%get3A_84], %broadcast_in_dim3A_34 masked %ne3A_85 {add = true} : memref<10240xf32, #tpu.memory_space<vmem>>[vector<16xi32>], vector<16xf32>, vector<16xi1>
      %mul3A_86 = arith.constant 25 : i32
      %mul3A_87 = arith.muli %scan3A_70, %mul3A_86 : i32
      %mul3A_88 = arith.constant 16 : i32
      %mul3A_89 = arith.muli %mul3A_87, %mul3A_88 : i32
      %add3A_90 = arith.addi %sub3A_19, %mul3A_89 : i32
      %add3A_91 = arith.constant 16 : i32
      %add3A_92 = arith.addi %add3A_90, %add3A_91 : i32
      %get3A_93 = arith.constant 0 : i32
      %get3A_94 = arith.index_cast %get3A_93 : i32 to index
      %get3A_95 = arith.index_cast %add3A_92 : i32 to index
      %get3A_96 = tpu.vector_load %arg5[%get3A_94, %get3A_95] {strides = array<i32>} : memref<2x20096xi32, #tpu.memory_space<vmem>>, vector<16xi32>,
      %get3A_97 = arith.constant 1 : i32
      %get3A_98 = arith.index_cast %get3A_97 : i32 to index
      %get3A_99 = arith.index_cast %add3A_92 : i32 to index
      %get3A_100 = tpu.vector_load %arg5[%get3A_98, %get3A_99] {strides = array<i32>} : memref<2x20096xi32, #tpu.memory_space<vmem>>, vector<16xi32>,
      %ne3A_101 = arith.cmpi ne, %get3A_96, %get3A_100 : vector<16xi32>
      tpu.vector_store_idx %arg6[%get3A_100], %broadcast_in_dim3A_34 masked %ne3A_101 {add = true} : memref<10240xf32, #tpu.memory_space<vmem>>[vector<16xi32>], vector<16xf32>, vector<16xi1>
      %mul3A_102 = arith.constant 25 : i32
      %mul3A_103 = arith.muli %scan3A_70, %mul3A_102 : i32
      %mul3A_104 = arith.constant 16 : i32
      %mul3A_105 = arith.muli %mul3A_103, %mul3A_104 : i32
      %add3A_106 = arith.addi %sub3A_19, %mul3A_105 : i32
      %add3A_107 = arith.constant 32 : i32
      %add3A_108 = arith.addi %add3A_106, %add3A_107 : i32
      %get3A_109 = arith.constant 0 : i32
      %get3A_110 = arith.index_cast %get3A_109 : i32 to index
      %get3A_111 = arith.index_cast %add3A_108 : i32 to index
      %get3A_112 = tpu.vector_load %arg5[%get3A_110, %get3A_111] {strides = array<i32>} : memref<2x20096xi32, #tpu.memory_space<vmem>>, vector<16xi32>,
      %get3A_113 = arith.constant 1 : i32
      %get3A_114 = arith.index_cast %get3A_113 : i32 to index
      %get3A_115 = arith.index_cast %add3A_108 : i32 to index
      %get3A_116 = tpu.vector_load %arg5[%get3A_114, %get3A_115] {strides = array<i32>} : memref<2x20096xi32, #tpu.memory_space<vmem>>, vector<16xi32>,
      %ne3A_117 = arith.cmpi ne, %get3A_112, %get3A_116 : vector<16xi32>
      tpu.vector_store_idx %arg6[%get3A_116], %broadcast_in_dim3A_34 masked %ne3A_117 {add = true} : memref<10240xf32, #tpu.memory_space<vmem>>[vector<16xi32>], vector<16xf32>, vector<16xi1>
      %mul3A_118 = arith.constant 25 : i32
      %mul3A_119 = arith.muli %scan3A_70, %mul3A_118 : i32
      %mul3A_120 = arith.constant 16 : i32
      %mul3A_121 = arith.muli %mul3A_119, %mul3A_120 : i32
      %add3A_122 = arith.addi %sub3A_19, %mul3A_121 : i32
      %add3A_123 = arith.constant 48 : i32
      %add3A_124 = arith.addi %add3A_122, %add3A_123 : i32
      %get3A_125 = arith.constant 0 : i32
      %get3A_126 = arith.index_cast %get3A_125 : i32 to index
      %get3A_127 = arith.index_cast %add3A_124 : i32 to index
      %get3A_128 = tpu.vector_load %arg5[%get3A_126, %get3A_127] {strides = array<i32>} : memref<2x20096xi32, #tpu.memory_space<vmem>>, vector<16xi32>,
      %get3A_129 = arith.constant 1 : i32
      %get3A_130 = arith.index_cast %get3A_129 : i32 to index
      %get3A_131 = arith.index_cast %add3A_124 : i32 to index
      %get3A_132 = tpu.vector_load %arg5[%get3A_130, %get3A_131] {strides = array<i32>} : memref<2x20096xi32, #tpu.memory_space<vmem>>, vector<16xi32>,
      %ne3A_133 = arith.cmpi ne, %get3A_128, %get3A_132 : vector<16xi32>
      tpu.vector_store_idx %arg6[%get3A_132], %broadcast_in_dim3A_34 masked %ne3A_133 {add = true} : memref<10240xf32, #tpu.memory_space<vmem>>[vector<16xi32>], vector<16xf32>, vector<16xi1>
      %mul3A_134 = arith.constant 25 : i32
      %mul3A_135 = arith.muli %scan3A_70, %mul3A_134 : i32
      %mul3A_136 = arith.constant 16 : i32
      %mul3A_137 = arith.muli %mul3A_135, %mul3A_136 : i32
      %add3A_138 = arith.addi %sub3A_19, %mul3A_137 : i32
      %add3A_139 = arith.constant 64 : i32
      %add3A_140 = arith.addi %add3A_138, %add3A_139 : i32
      %get3A_141 = arith.constant 0 : i32
      %get3A_142 = arith.index_cast %get3A_141 : i32 to index
      %get3A_143 = arith.index_cast %add3A_140 : i32 to index
      %get3A_144 = tpu.vector_load %arg5[%get3A_142, %get3A_143] {strides = array<i32>} : memref<2x20096xi32, #tpu.memory_space<vmem>>, vector<16xi32>,
      %get3A_145 = arith.constant 1 : i32
      %get3A_146 = arith.index_cast %get3A_145 : i32 to index
      %get3A_147 = arith.index_cast %add3A_140 : i32 to index
      %get3A_148 = tpu.vector_load %arg5[%get3A_146, %get3A_147] {strides = array<i32>} : memref<2x20096xi32, #tpu.memory_space<vmem>>, vector<16xi32>,
      %ne3A_149 = arith.cmpi ne, %get3A_144, %get3A_148 : vector<16xi32>
      tpu.vector_store_idx %arg6[%get3A_148], %broadcast_in_dim3A_34 masked %ne3A_149 {add = true} : memref<10240xf32, #tpu.memory_space<vmem>>[vector<16xi32>], vector<16xf32>, vector<16xi1>
      %mul3A_150 = arith.constant 25 : i32
      %mul3A_151 = arith.muli %scan3A_70, %mul3A_150 : i32
      %mul3A_152 = arith.constant 16 : i32
      %mul3A_153 = arith.muli %mul3A_151, %mul3A_152 : i32
      %add3A_154 = arith.addi %sub3A_19, %mul3A_153 : i32
      %add3A_155 = arith.constant 80 : i32
      %add3A_156 = arith.addi %add3A_154, %add3A_155 : i32
      %get3A_157 = arith.constant 0 : i32
      %get3A_158 = arith.index_cast %get3A_157 : i32 to index
      %get3A_159 = arith.index_cast %add3A_156 : i32 to index
      %get3A_160 = tpu.vector_load %arg5[%get3A_158, %get3A_159] {strides = array<i32>} : memref<2x20096xi32, #tpu.memory_space<vmem>>, vector<16xi32>,
      %get3A_161 = arith.constant 1 : i32
      %get3A_162 = arith.index_cast %get3A_161 : i32 to index
      %get3A_163 = arith.index_cast %add3A_156 : i32 to index
      %get3A_164 = tpu.vector_load %arg5[%get3A_162, %get3A_163] {strides = array<i32>} : memref<2x20096xi32, #tpu.memory_space<vmem>>, vector<16xi32>,
      %ne3A_165 = arith.cmpi ne, %get3A_160, %get3A_164 : vector<16xi32>
      tpu.vector_store_idx %arg6[%get3A_164], %broadcast_in_dim3A_34 masked %ne3A_165 {add = true} : memref<10240xf32, #tpu.memory_space<vmem>>[vector<16xi32>], vector<16xf32>, vector<16xi1>
      %mul3A_166 = arith.constant 25 : i32
      %mul3A_167 = arith.muli %scan3A_70, %mul3A_166 : i32
      %mul3A_168 = arith.constant 16 : i32
      %mul3A_169 = arith.muli %mul3A_167, %mul3A_168 : i32
      %add3A_170 = arith.addi %sub3A_19, %mul3A_169 : i32
      %add3A_171 = arith.constant 96 : i32
      %add3A_172 = arith.addi %add3A_170, %add3A_171 : i32
      %get3A_173 = arith.constant 0 : i32
      %get3A_174 = arith.index_cast %get3A_173 : i32 to index
      %get3A_175 = arith.index_cast %add3A_172 : i32 to index
      %get3A_176 = tpu.vector_load %arg5[%get3A_174, %get3A_175] {strides = array<i32>} : memref<2x20096xi32, #tpu.memory_space<vmem>>, vector<16xi32>,
      %get3A_177 = arith.constant 1 : i32
      %get3A_178 = arith.index_cast %get3A_177 : i32 to index
      %get3A_179 = arith.index_cast %add3A_172 : i32 to index
      %get3A_180 = tpu.vector_load %arg5[%get3A_178, %get3A_179] {strides = array<i32>} : memref<2x20096xi32, #tpu.memory_space<vmem>>, vector<16xi32>,
      %ne3A_181 = arith.cmpi ne, %get3A_176, %get3A_180 : vector<16xi32>
      tpu.vector_store_idx %arg6[%get3A_180], %broadcast_in_dim3A_34 masked %ne3A_181 {add = true} : memref<10240xf32, #tpu.memory_space<vmem>>[vector<16xi32>], vector<16xf32>, vector<16xi1>
      %mul3A_182 = arith.constant 25 : i32
      %mul3A_183 = arith.muli %scan3A_70, %mul3A_182 : i32
      %mul3A_184 = arith.constant 16 : i32
      %mul3A_185 = arith.muli %mul3A_183, %mul3A_184 : i32
      %add3A_186 = arith.addi %sub3A_19, %mul3A_185 : i32
      %add3A_187 = arith.constant 112 : i32
      %add3A_188 = arith.addi %add3A_186, %add3A_187 : i32
      %get3A_189 = arith.constant 0 : i32
      %get3A_190 = arith.index_cast %get3A_189 : i32 to index
      %get3A_191 = arith.index_cast %add3A_188 : i32 to index
      %get3A_192 = tpu.vector_load %arg5[%get3A_190, %get3A_191] {strides = array<i32>} : memref<2x20096xi32, #tpu.memory_space<vmem>>, vector<16xi32>,
      %get3A_193 = arith.constant 1 : i32
      %get3A_194 = arith.index_cast %get3A_193 : i32 to index
      %get3A_195 = arith.index_cast %add3A_188 : i32 to index
      %get3A_196 = tpu.vector_load %arg5[%get3A_194, %get3A_195] {strides = array<i32>} : memref<2x20096xi32, #tpu.memory_space<vmem>>, vector<16xi32>,
      %ne3A_197 = arith.cmpi ne, %get3A_192, %get3A_196 : vector<16xi32>
      tpu.vector_store_idx %arg6[%get3A_196], %broadcast_in_dim3A_34 masked %ne3A_197 {add = true} : memref<10240xf32, #tpu.memory_space<vmem>>[vector<16xi32>], vector<16xf32>, vector<16xi1>
      %mul3A_198 = arith.constant 25 : i32
      %mul3A_199 = arith.muli %scan3A_70, %mul3A_198 : i32
      %mul3A_200 = arith.constant 16 : i32
      %mul3A_201 = arith.muli %mul3A_199, %mul3A_200 : i32
      %add3A_202 = arith.addi %sub3A_19, %mul3A_201 : i32
      %add3A_203 = arith.constant 128 : i32
      %add3A_204 = arith.addi %add3A_202, %add3A_203 : i32
      %get3A_205 = arith.constant 0 : i32
      %get3A_206 = arith.index_cast %get3A_205 : i32 to index
      %get3A_207 = arith.index_cast %add3A_204 : i32 to index
      %get3A_208 = tpu.vector_load %arg5[%get3A_206, %get3A_207] {strides = array<i32>} : memref<2x20096xi32, #tpu.memory_space<vmem>>, vector<16xi32>,
      %get3A_209 = arith.constant 1 : i32
      %get3A_210 = arith.index_cast %get3A_209 : i32 to index
      %get3A_211 = arith.index_cast %add3A_204 : i32 to index
      %get3A_212 = tpu.vector_load %arg5[%get3A_210, %get3A_211] {strides = array<i32>} : memref<2x20096xi32, #tpu.memory_space<vmem>>, vector<16xi32>,
      %ne3A_213 = arith.cmpi ne, %get3A_208, %get3A_212 : vector<16xi32>
      tpu.vector_store_idx %arg6[%get3A_212], %broadcast_in_dim3A_34 masked %ne3A_213 {add = true} : memref<10240xf32, #tpu.memory_space<vmem>>[vector<16xi32>], vector<16xf32>, vector<16xi1>
      %mul3A_214 = arith.constant 25 : i32
      %mul3A_215 = arith.muli %scan3A_70, %mul3A_214 : i32
      %mul3A_216 = arith.constant 16 : i32
      %mul3A_217 = arith.muli %mul3A_215, %mul3A_216 : i32
      %add3A_218 = arith.addi %sub3A_19, %mul3A_217 : i32
      %add3A_219 = arith.constant 144 : i32
      %add3A_220 = arith.addi %add3A_218, %add3A_219 : i32
      %get3A_221 = arith.constant 0 : i32
      %get3A_222 = arith.index_cast %get3A_221 : i32 to index
      %get3A_223 = arith.index_cast %add3A_220 : i32 to index
      %get3A_224 = tpu.vector_load %arg5[%get3A_222, %get3A_223] {strides = array<i32>} : memref<2x20096xi32, #tpu.memory_space<vmem>>, vector<16xi32>,
      %get3A_225 = arith.constant 1 : i32
      %get3A_226 = arith.index_cast %get3A_225 : i32 to index
      %get3A_227 = arith.index_cast %add3A_220 : i32 to index
      %get3A_228 = tpu.vector_load %arg5[%get3A_226, %get3A_227] {strides = array<i32>} : memref<2x20096xi32, #tpu.memory_space<vmem>>, vector<16xi32>,
      %ne3A_229 = arith.cmpi ne, %get3A_224, %get3A_228 : vector<16xi32>
      tpu.vector_store_idx %arg6[%get3A_228], %broadcast_in_dim3A_34 masked %ne3A_229 {add = true} : memref<10240xf32, #tpu.memory_space<vmem>>[vector<16xi32>], vector<16xf32>, vector<16xi1>
      %mul3A_230 = arith.constant 25 : i32
      %mul3A_231 = arith.muli %scan3A_70, %mul3A_230 : i32
      %mul3A_232 = arith.constant 16 : i32
      %mul3A_233 = arith.muli %mul3A_231, %mul3A_232 : i32
      %add3A_234 = arith.addi %sub3A_19, %mul3A_233 : i32
      %add3A_235 = arith.constant 160 : i32
      %add3A_236 = arith.addi %add3A_234, %add3A_235 : i32
      %get3A_237 = arith.constant 0 : i32
      %get3A_238 = arith.index_cast %get3A_237 : i32 to index
      %get3A_239 = arith.index_cast %add3A_236 : i32 to index
      %get3A_240 = tpu.vector_load %arg5[%get3A_238, %get3A_239] {strides = array<i32>} : memref<2x20096xi32, #tpu.memory_space<vmem>>, vector<16xi32>,
      %get3A_241 = arith.constant 1 : i32
      %get3A_242 = arith.index_cast %get3A_241 : i32 to index
      %get3A_243 = arith.index_cast %add3A_236 : i32 to index
      %get3A_244 = tpu.vector_load %arg5[%get3A_242, %get3A_243] {strides = array<i32>} : memref<2x20096xi32, #tpu.memory_space<vmem>>, vector<16xi32>,
      %ne3A_245 = arith.cmpi ne, %get3A_240, %get3A_244 : vector<16xi32>
      tpu.vector_store_idx %arg6[%get3A_244], %broadcast_in_dim3A_34 masked %ne3A_245 {add = true} : memref<10240xf32, #tpu.memory_space<vmem>>[vector<16xi32>], vector<16xf32>, vector<16xi1>
      %mul3A_246 = arith.constant 25 : i32
      %mul3A_247 = arith.muli %scan3A_70, %mul3A_246 : i32
      %mul3A_248 = arith.constant 16 : i32
      %mul3A_249 = arith.muli %mul3A_247, %mul3A_248 : i32
      %add3A_250 = arith.addi %sub3A_19, %mul3A_249 : i32
      %add3A_251 = arith.constant 176 : i32
      %add3A_252 = arith.addi %add3A_250, %add3A_251 : i32
      %get3A_253 = arith.constant 0 : i32
      %get3A_254 = arith.index_cast %get3A_253 : i32 to index
      %get3A_255 = arith.index_cast %add3A_252 : i32 to index
      %get3A_256 = tpu.vector_load %arg5[%get3A_254, %get3A_255] {strides = array<i32>} : memref<2x20096xi32, #tpu.memory_space<vmem>>, vector<16xi32>,
      %get3A_257 = arith.constant 1 : i32
      %get3A_258 = arith.index_cast %get3A_257 : i32 to index
      %get3A_259 = arith.index_cast %add3A_252 : i32 to index
      %get3A_260 = tpu.vector_load %arg5[%get3A_258, %get3A_259] {strides = array<i32>} : memref<2x20096xi32, #tpu.memory_space<vmem>>, vector<16xi32>,
      %ne3A_261 = arith.cmpi ne, %get3A_256, %get3A_260 : vector<16xi32>
      tpu.vector_store_idx %arg6[%get3A_260], %broadcast_in_dim3A_34 masked %ne3A_261 {add = true} : memref<10240xf32, #tpu.memory_space<vmem>>[vector<16xi32>], vector<16xf32>, vector<16xi1>
      %mul3A_262 = arith.constant 25 : i32
      %mul3A_263 = arith.muli %scan3A_70, %mul3A_262 : i32
      %mul3A_264 = arith.constant 16 : i32
      %mul3A_265 = arith.muli %mul3A_263, %mul3A_264 : i32
      %add3A_266 = arith.addi %sub3A_19, %mul3A_265 : i32
      %add3A_267 = arith.constant 192 : i32
      %add3A_268 = arith.addi %add3A_266, %add3A_267 : i32
      %get3A_269 = arith.constant 0 : i32
      %get3A_270 = arith.index_cast %get3A_269 : i32 to index
      %get3A_271 = arith.index_cast %add3A_268 : i32 to index
      %get3A_272 = tpu.vector_load %arg5[%get3A_270, %get3A_271] {strides = array<i32>} : memref<2x20096xi32, #tpu.memory_space<vmem>>, vector<16xi32>,
      %get3A_273 = arith.constant 1 : i32
      %get3A_274 = arith.index_cast %get3A_273 : i32 to index
      %get3A_275 = arith.index_cast %add3A_268 : i32 to index
      %get3A_276 = tpu.vector_load %arg5[%get3A_274, %get3A_275] {strides = array<i32>} : memref<2x20096xi32, #tpu.memory_space<vmem>>, vector<16xi32>,
      %ne3A_277 = arith.cmpi ne, %get3A_272, %get3A_276 : vector<16xi32>
      tpu.vector_store_idx %arg6[%get3A_276], %broadcast_in_dim3A_34 masked %ne3A_277 {add = true} : memref<10240xf32, #tpu.memory_space<vmem>>[vector<16xi32>], vector<16xf32>, vector<16xi1>
      %mul3A_278 = arith.constant 25 : i32
      %mul3A_279 = arith.muli %scan3A_70, %mul3A_278 : i32
      %mul3A_280 = arith.constant 16 : i32
      %mul3A_281 = arith.muli %mul3A_279, %mul3A_280 : i32
      %add3A_282 = arith.addi %sub3A_19, %mul3A_281 : i32
      %add3A_283 = arith.constant 208 : i32
      %add3A_284 = arith.addi %add3A_282, %add3A_283 : i32
      %get3A_285 = arith.constant 0 : i32
      %get3A_286 = arith.index_cast %get3A_285 : i32 to index
      %get3A_287 = arith.index_cast %add3A_284 : i32 to index
      %get3A_288 = tpu.vector_load %arg5[%get3A_286, %get3A_287] {strides = array<i32>} : memref<2x20096xi32, #tpu.memory_space<vmem>>, vector<16xi32>,
      %get3A_289 = arith.constant 1 : i32
      %get3A_290 = arith.index_cast %get3A_289 : i32 to index
      %get3A_291 = arith.index_cast %add3A_284 : i32 to index
      %get3A_292 = tpu.vector_load %arg5[%get3A_290, %get3A_291] {strides = array<i32>} : memref<2x20096xi32, #tpu.memory_space<vmem>>, vector<16xi32>,
      %ne3A_293 = arith.cmpi ne, %get3A_288, %get3A_292 : vector<16xi32>
      tpu.vector_store_idx %arg6[%get3A_292], %broadcast_in_dim3A_34 masked %ne3A_293 {add = true} : memref<10240xf32, #tpu.memory_space<vmem>>[vector<16xi32>], vector<16xf32>, vector<16xi1>
      %mul3A_294 = arith.constant 25 : i32
      %mul3A_295 = arith.muli %scan3A_70, %mul3A_294 : i32
      %mul3A_296 = arith.constant 16 : i32
      %mul3A_297 = arith.muli %mul3A_295, %mul3A_296 : i32
      %add3A_298 = arith.addi %sub3A_19, %mul3A_297 : i32
      %add3A_299 = arith.constant 224 : i32
      %add3A_300 = arith.addi %add3A_298, %add3A_299 : i32
      %get3A_301 = arith.constant 0 : i32
      %get3A_302 = arith.index_cast %get3A_301 : i32 to index
      %get3A_303 = arith.index_cast %add3A_300 : i32 to index
      %get3A_304 = tpu.vector_load %arg5[%get3A_302, %get3A_303] {strides = array<i32>} : memref<2x20096xi32, #tpu.memory_space<vmem>>, vector<16xi32>,
      %get3A_305 = arith.constant 1 : i32
      %get3A_306 = arith.index_cast %get3A_305 : i32 to index
      %get3A_307 = arith.index_cast %add3A_300 : i32 to index
      %get3A_308 = tpu.vector_load %arg5[%get3A_306, %get3A_307] {strides = array<i32>} : memref<2x20096xi32, #tpu.memory_space<vmem>>, vector<16xi32>,
      %ne3A_309 = arith.cmpi ne, %get3A_304, %get3A_308 : vector<16xi32>
      tpu.vector_store_idx %arg6[%get3A_308], %broadcast_in_dim3A_34 masked %ne3A_309 {add = true} : memref<10240xf32, #tpu.memory_space<vmem>>[vector<16xi32>], vector<16xf32>, vector<16xi1>
      %mul3A_310 = arith.constant 25 : i32
      %mul3A_311 = arith.muli %scan3A_70, %mul3A_310 : i32
      %mul3A_312 = arith.constant 16 : i32
      %mul3A_313 = arith.muli %mul3A_311, %mul3A_312 : i32
      %add3A_314 = arith.addi %sub3A_19, %mul3A_313 : i32
      %add3A_315 = arith.constant 240 : i32
      %add3A_316 = arith.addi %add3A_314, %add3A_315 : i32
      %get3A_317 = arith.constant 0 : i32
      %get3A_318 = arith.index_cast %get3A_317 : i32 to index
      %get3A_319 = arith.index_cast %add3A_316 : i32 to index
      %get3A_320 = tpu.vector_load %arg5[%get3A_318, %get3A_319] {strides = array<i32>} : memref<2x20096xi32, #tpu.memory_space<vmem>>, vector<16xi32>,
      %get3A_321 = arith.constant 1 : i32
      %get3A_322 = arith.index_cast %get3A_321 : i32 to index
      %get3A_323 = arith.index_cast %add3A_316 : i32 to index
      %get3A_324 = tpu.vector_load %arg5[%get3A_322, %get3A_323] {strides = array<i32>} : memref<2x20096xi32, #tpu.memory_space<vmem>>, vector<16xi32>,
      %ne3A_325 = arith.cmpi ne, %get3A_320, %get3A_324 : vector<16xi32>
      tpu.vector_store_idx %arg6[%get3A_324], %broadcast_in_dim3A_34 masked %ne3A_325 {add = true} : memref<10240xf32, #tpu.memory_space<vmem>>[vector<16xi32>], vector<16xf32>, vector<16xi1>
      %mul3A_326 = arith.constant 25 : i32
      %mul3A_327 = arith.muli %scan3A_70, %mul3A_326 : i32
      %mul3A_328 = arith.constant 16 : i32
      %mul3A_329 = arith.muli %mul3A_327, %mul3A_328 : i32
      %add3A_330 = arith.addi %sub3A_19, %mul3A_329 : i32
      %add3A_331 = arith.constant 256 : i32
      %add3A_332 = arith.addi %add3A_330, %add3A_331 : i32
      %get3A_333 = arith.constant 0 : i32
      %get3A_334 = arith.index_cast %get3A_333 : i32 to index
      %get3A_335 = arith.index_cast %add3A_332 : i32 to index
      %get3A_336 = tpu.vector_load %arg5[%get3A_334, %get3A_335] {strides = array<i32>} : memref<2x20096xi32, #tpu.memory_space<vmem>>, vector<16xi32>,
      %get3A_337 = arith.constant 1 : i32
      %get3A_338 = arith.index_cast %get3A_337 : i32 to index
      %get3A_339 = arith.index_cast %add3A_332 : i32 to index
      %get3A_340 = tpu.vector_load %arg5[%get3A_338, %get3A_339] {strides = array<i32>} : memref<2x20096xi32, #tpu.memory_space<vmem>>, vector<16xi32>,
      %ne3A_341 = arith.cmpi ne, %get3A_336, %get3A_340 : vector<16xi32>
      tpu.vector_store_idx %arg6[%get3A_340], %broadcast_in_dim3A_34 masked %ne3A_341 {add = true} : memref<10240xf32, #tpu.memory_space<vmem>>[vector<16xi32>], vector<16xf32>, vector<16xi1>
      %mul3A_342 = arith.constant 25 : i32
      %mul3A_343 = arith.muli %scan3A_70, %mul3A_342 : i32
      %mul3A_344 = arith.constant 16 : i32
      %mul3A_345 = arith.muli %mul3A_343, %mul3A_344 : i32
      %add3A_346 = arith.addi %sub3A_19, %mul3A_345 : i32
      %add3A_347 = arith.constant 272 : i32
      %add3A_348 = arith.addi %add3A_346, %add3A_347 : i32
      %get3A_349 = arith.constant 0 : i32
      %get3A_350 = arith.index_cast %get3A_349 : i32 to index
      %get3A_351 = arith.index_cast %add3A_348 : i32 to index
      %get3A_352 = tpu.vector_load %arg5[%get3A_350, %get3A_351] {strides = array<i32>} : memref<2x20096xi32, #tpu.memory_space<vmem>>, vector<16xi32>,
      %get3A_353 = arith.constant 1 : i32
      %get3A_354 = arith.index_cast %get3A_353 : i32 to index
      %get3A_355 = arith.index_cast %add3A_348 : i32 to index
      %get3A_356 = tpu.vector_load %arg5[%get3A_354, %get3A_355] {strides = array<i32>} : memref<2x20096xi32, #tpu.memory_space<vmem>>, vector<16xi32>,
      %ne3A_357 = arith.cmpi ne, %get3A_352, %get3A_356 : vector<16xi32>
      tpu.vector_store_idx %arg6[%get3A_356], %broadcast_in_dim3A_34 masked %ne3A_357 {add = true} : memref<10240xf32, #tpu.memory_space<vmem>>[vector<16xi32>], vector<16xf32>, vector<16xi1>
      %mul3A_358 = arith.constant 25 : i32
      %mul3A_359 = arith.muli %scan3A_70, %mul3A_358 : i32
      %mul3A_360 = arith.constant 16 : i32
      %mul3A_361 = arith.muli %mul3A_359, %mul3A_360 : i32
      %add3A_362 = arith.addi %sub3A_19, %mul3A_361 : i32
      %add3A_363 = arith.constant 288 : i32
      %add3A_364 = arith.addi %add3A_362, %add3A_363 : i32
      %get3A_365 = arith.constant 0 : i32
      %get3A_366 = arith.index_cast %get3A_365 : i32 to index
      %get3A_367 = arith.index_cast %add3A_364 : i32 to index
      %get3A_368 = tpu.vector_load %arg5[%get3A_366, %get3A_367] {strides = array<i32>} : memref<2x20096xi32, #tpu.memory_space<vmem>>, vector<16xi32>,
      %get3A_369 = arith.constant 1 : i32
      %get3A_370 = arith.index_cast %get3A_369 : i32 to index
      %get3A_371 = arith.index_cast %add3A_364 : i32 to index
      %get3A_372 = tpu.vector_load %arg5[%get3A_370, %get3A_371] {strides = array<i32>} : memref<2x20096xi32, #tpu.memory_space<vmem>>, vector<16xi32>,
      %ne3A_373 = arith.cmpi ne, %get3A_368, %get3A_372 : vector<16xi32>
      tpu.vector_store_idx %arg6[%get3A_372], %broadcast_in_dim3A_34 masked %ne3A_373 {add = true} : memref<10240xf32, #tpu.memory_space<vmem>>[vector<16xi32>], vector<16xf32>, vector<16xi1>
      %mul3A_374 = arith.constant 25 : i32
      %mul3A_375 = arith.muli %scan3A_70, %mul3A_374 : i32
      %mul3A_376 = arith.constant 16 : i32
      %mul3A_377 = arith.muli %mul3A_375, %mul3A_376 : i32
      %add3A_378 = arith.addi %sub3A_19, %mul3A_377 : i32
      %add3A_379 = arith.constant 304 : i32
      %add3A_380 = arith.addi %add3A_378, %add3A_379 : i32
      %get3A_381 = arith.constant 0 : i32
      %get3A_382 = arith.index_cast %get3A_381 : i32 to index
      %get3A_383 = arith.index_cast %add3A_380 : i32 to index
      %get3A_384 = tpu.vector_load %arg5[%get3A_382, %get3A_383] {strides = array<i32>} : memref<2x20096xi32, #tpu.memory_space<vmem>>, vector<16xi32>,
      %get3A_385 = arith.constant 1 : i32
      %get3A_386 = arith.index_cast %get3A_385 : i32 to index
      %get3A_387 = arith.index_cast %add3A_380 : i32 to index
      %get3A_388 = tpu.vector_load %arg5[%get3A_386, %get3A_387] {strides = array<i32>} : memref<2x20096xi32, #tpu.memory_space<vmem>>, vector<16xi32>,
      %ne3A_389 = arith.cmpi ne, %get3A_384, %get3A_388 : vector<16xi32>
      tpu.vector_store_idx %arg6[%get3A_388], %broadcast_in_dim3A_34 masked %ne3A_389 {add = true} : memref<10240xf32, #tpu.memory_space<vmem>>[vector<16xi32>], vector<16xf32>, vector<16xi1>
      %mul3A_390 = arith.constant 25 : i32
      %mul3A_391 = arith.muli %scan3A_70, %mul3A_390 : i32
      %mul3A_392 = arith.constant 16 : i32
      %mul3A_393 = arith.muli %mul3A_391, %mul3A_392 : i32
      %add3A_394 = arith.addi %sub3A_19, %mul3A_393 : i32
      %add3A_395 = arith.constant 320 : i32
      %add3A_396 = arith.addi %add3A_394, %add3A_395 : i32
      %get3A_397 = arith.constant 0 : i32
      %get3A_398 = arith.index_cast %get3A_397 : i32 to index
      %get3A_399 = arith.index_cast %add3A_396 : i32 to index
      %get3A_400 = tpu.vector_load %arg5[%get3A_398, %get3A_399] {strides = array<i32>} : memref<2x20096xi32, #tpu.memory_space<vmem>>, vector<16xi32>,
      %get3A_401 = arith.constant 1 : i32
      %get3A_402 = arith.index_cast %get3A_401 : i32 to index
      %get3A_403 = arith.index_cast %add3A_396 : i32 to index
      %get3A_404 = tpu.vector_load %arg5[%get3A_402, %get3A_403] {strides = array<i32>} : memref<2x20096xi32, #tpu.memory_space<vmem>>, vector<16xi32>,
      %ne3A_405 = arith.cmpi ne, %get3A_400, %get3A_404 : vector<16xi32>
      tpu.vector_store_idx %arg6[%get3A_404], %broadcast_in_dim3A_34 masked %ne3A_405 {add = true} : memref<10240xf32, #tpu.memory_space<vmem>>[vector<16xi32>], vector<16xf32>, vector<16xi1>
      %mul3A_406 = arith.constant 25 : i32
      %mul3A_407 = arith.muli %scan3A_70, %mul3A_406 : i32
      %mul3A_408 = arith.constant 16 : i32
      %mul3A_409 = arith.muli %mul3A_407, %mul3A_408 : i32
      %add3A_410 = arith.addi %sub3A_19, %mul3A_409 : i32
      %add3A_411 = arith.constant 336 : i32
      %add3A_412 = arith.addi %add3A_410, %add3A_411 : i32
      %get3A_413 = arith.constant 0 : i32
      %get3A_414 = arith.index_cast %get3A_413 : i32 to index
      %get3A_415 = arith.index_cast %add3A_412 : i32 to index
      %get3A_416 = tpu.vector_load %arg5[%get3A_414, %get3A_415] {strides = array<i32>} : memref<2x20096xi32, #tpu.memory_space<vmem>>, vector<16xi32>,
      %get3A_417 = arith.constant 1 : i32
      %get3A_418 = arith.index_cast %get3A_417 : i32 to index
      %get3A_419 = arith.index_cast %add3A_412 : i32 to index
      %get3A_420 = tpu.vector_load %arg5[%get3A_418, %get3A_419] {strides = array<i32>} : memref<2x20096xi32, #tpu.memory_space<vmem>>, vector<16xi32>,
      %ne3A_421 = arith.cmpi ne, %get3A_416, %get3A_420 : vector<16xi32>
      tpu.vector_store_idx %arg6[%get3A_420], %broadcast_in_dim3A_34 masked %ne3A_421 {add = true} : memref<10240xf32, #tpu.memory_space<vmem>>[vector<16xi32>], vector<16xf32>, vector<16xi1>
      %mul3A_422 = arith.constant 25 : i32
      %mul3A_423 = arith.muli %scan3A_70, %mul3A_422 : i32
      %mul3A_424 = arith.constant 16 : i32
      %mul3A_425 = arith.muli %mul3A_423, %mul3A_424 : i32
      %add3A_426 = arith.addi %sub3A_19, %mul3A_425 : i32
      %add3A_427 = arith.constant 352 : i32
      %add3A_428 = arith.addi %add3A_426, %add3A_427 : i32
      %get3A_429 = arith.constant 0 : i32
      %get3A_430 = arith.index_cast %get3A_429 : i32 to index
      %get3A_431 = arith.index_cast %add3A_428 : i32 to index
      %get3A_432 = tpu.vector_load %arg5[%get3A_430, %get3A_431] {strides = array<i32>} : memref<2x20096xi32, #tpu.memory_space<vmem>>, vector<16xi32>,
      %get3A_433 = arith.constant 1 : i32
      %get3A_434 = arith.index_cast %get3A_433 : i32 to index
      %get3A_435 = arith.index_cast %add3A_428 : i32 to index
      %get3A_436 = tpu.vector_load %arg5[%get3A_434, %get3A_435] {strides = array<i32>} : memref<2x20096xi32, #tpu.memory_space<vmem>>, vector<16xi32>,
      %ne3A_437 = arith.cmpi ne, %get3A_432, %get3A_436 : vector<16xi32>
      tpu.vector_store_idx %arg6[%get3A_436], %broadcast_in_dim3A_34 masked %ne3A_437 {add = true} : memref<10240xf32, #tpu.memory_space<vmem>>[vector<16xi32>], vector<16xf32>, vector<16xi1>
      %mul3A_438 = arith.constant 25 : i32
      %mul3A_439 = arith.muli %scan3A_70, %mul3A_438 : i32
      %mul3A_440 = arith.constant 16 : i32
      %mul3A_441 = arith.muli %mul3A_439, %mul3A_440 : i32
      %add3A_442 = arith.addi %sub3A_19, %mul3A_441 : i32
      %add3A_443 = arith.constant 368 : i32
      %add3A_444 = arith.addi %add3A_442, %add3A_443 : i32
      %get3A_445 = arith.constant 0 : i32
      %get3A_446 = arith.index_cast %get3A_445 : i32 to index
      %get3A_447 = arith.index_cast %add3A_444 : i32 to index
      %get3A_448 = tpu.vector_load %arg5[%get3A_446, %get3A_447] {strides = array<i32>} : memref<2x20096xi32, #tpu.memory_space<vmem>>, vector<16xi32>,
      %get3A_449 = arith.constant 1 : i32
      %get3A_450 = arith.index_cast %get3A_449 : i32 to index
      %get3A_451 = arith.index_cast %add3A_444 : i32 to index
      %get3A_452 = tpu.vector_load %arg5[%get3A_450, %get3A_451] {strides = array<i32>} : memref<2x20096xi32, #tpu.memory_space<vmem>>, vector<16xi32>,
      %ne3A_453 = arith.cmpi ne, %get3A_448, %get3A_452 : vector<16xi32>
      tpu.vector_store_idx %arg6[%get3A_452], %broadcast_in_dim3A_34 masked %ne3A_453 {add = true} : memref<10240xf32, #tpu.memory_space<vmem>>[vector<16xi32>], vector<16xf32>, vector<16xi1>
      %mul3A_454 = arith.constant 25 : i32
      %mul3A_455 = arith.muli %scan3A_70, %mul3A_454 : i32
      %mul3A_456 = arith.constant 16 : i32
      %mul3A_457 = arith.muli %mul3A_455, %mul3A_456 : i32
      %add3A_458 = arith.addi %sub3A_19, %mul3A_457 : i32
      %add3A_459 = arith.constant 384 : i32
      %add3A_460 = arith.addi %add3A_458, %add3A_459 : i32
      %get3A_461 = arith.constant 0 : i32
      %get3A_462 = arith.index_cast %get3A_461 : i32 to index
      %get3A_463 = arith.index_cast %add3A_460 : i32 to index
      %get3A_464 = tpu.vector_load %arg5[%get3A_462, %get3A_463] {strides = array<i32>} : memref<2x20096xi32, #tpu.memory_space<vmem>>, vector<16xi32>,
      %get3A_465 = arith.constant 1 : i32
      %get3A_466 = arith.index_cast %get3A_465 : i32 to index
      %get3A_467 = arith.index_cast %add3A_460 : i32 to index
      %get3A_468 = tpu.vector_load %arg5[%get3A_466, %get3A_467] {strides = array<i32>} : memref<2x20096xi32, #tpu.memory_space<vmem>>, vector<16xi32>,
      %ne3A_469 = arith.cmpi ne, %get3A_464, %get3A_468 : vector<16xi32>
      tpu.vector_store_idx %arg6[%get3A_468], %broadcast_in_dim3A_34 masked %ne3A_469 {add = true} : memref<10240xf32, #tpu.memory_space<vmem>>[vector<16xi32>], vector<16xf32>, vector<16xi1>
    }
    %scan3A_39 = arith.constant 50 : i32
    %delay3A = arith.constant 20 : i32
    tpu.delay %delay3A
    "tpu.region"() ({
      %run_scoped3A = tpu.sem_alloc : memref<!tpu.dma_semaphore, #tpu.memory_space<semaphore_mem>>
      %dma_start3A_70 = arith.constant 0 : i32
      %dma_start3A_71 = tpu.memref_slice %arg12[%arg1, %dma_start3A_70] : memref<16x10240xf32, #tpu.memory_space<vmem_shared>> -> memref<1x10240xf32, #tpu.memory_space<vmem_shared>>
      %dma_start3A_72 = tpu.memref_squeeze %dma_start3A_71 : memref<1x10240xf32, #tpu.memory_space<vmem_shared>> -> memref<10240xf32, #tpu.memory_space<vmem_shared>>
      %dma_start3A_73 = arith.constant 0 : i32
      %dma_start3A_74 = tpu.memref_slice %arg12[%arg1, %dma_start3A_73] : memref<16x10240xf32, #tpu.memory_space<vmem_shared>> -> memref<1x10240xf32, #tpu.memory_space<vmem_shared>>
      %dma_start3A_75 = tpu.memref_squeeze %dma_start3A_74 : memref<1x10240xf32, #tpu.memory_space<vmem_shared>> -> memref<10240xf32, #tpu.memory_space<vmem_shared>>
      tpu.enqueue_dma source(%arg6 : memref<10240xf32, #tpu.memory_space<vmem>>) target(%dma_start3A_75 : memref<10240xf32, #tpu.memory_space<vmem_shared>>) target_semaphore(%run_scoped3A : memref<!tpu.dma_semaphore, #tpu.memory_space<semaphore_mem>>)
      %dma_wait3A_76 = arith.constant 0 : i32
      %dma_wait3A_77 = tpu.memref_slice %arg12[%arg1, %dma_wait3A_76] : memref<16x10240xf32, #tpu.memory_space<vmem_shared>> -> memref<1x10240xf32, #tpu.memory_space<vmem_shared>>
      %dma_wait3A_78 = tpu.memref_squeeze %dma_wait3A_77 : memref<1x10240xf32, #tpu.memory_space<vmem_shared>> -> memref<10240xf32, #tpu.memory_space<vmem_shared>>
      %dma_wait3A_79 = arith.constant 0 : i32
      %dma_wait3A_80 = tpu.memref_slice %arg12[%arg1, %dma_wait3A_79] : memref<16x10240xf32, #tpu.memory_space<vmem_shared>> -> memref<1x10240xf32, #tpu.memory_space<vmem_shared>>
      %dma_wait3A_81 = tpu.memref_squeeze %dma_wait3A_80 : memref<1x10240xf32, #tpu.memory_space<vmem_shared>> -> memref<10240xf32, #tpu.memory_space<vmem_shared>>
      tpu.wait_dma2 semaphore(%run_scoped3A : memref<!tpu.dma_semaphore, #tpu.memory_space<semaphore_mem>>) src(%arg6 : memref<10240xf32, #tpu.memory_space<vmem>>) dst(%dma_wait3A_81 : memref<10240xf32, #tpu.memory_space<vmem_shared>>)
      tpu.yield
    }) : () -> ()
    %barrier3A = arith.constant 0 : index
    tpu.barrier barrier_id(%barrier3A)
    "tpu.region"() ({
      %run_scoped3A = tpu.sem_alloc : memref<!tpu.dma_semaphore, #tpu.memory_space<semaphore_mem>>
      %dma_start3A_70 = arith.constant 0 : i32
      %dma_start3A_71 = tpu.memref_slice %arg12[%dma_start3A_70, %mul3A_21] : memref<16x10240xf32, #tpu.memory_space<vmem_shared>> -> memref<16x640xf32, #tpu.memory_space<vmem_shared>>
      %dma_start3A_72 = arith.constant 0 : i32
      %dma_start3A_73 = tpu.memref_slice %arg12[%dma_start3A_72, %mul3A_21] : memref<16x10240xf32, #tpu.memory_space<vmem_shared>> -> memref<16x640xf32, #tpu.memory_space<vmem_shared>>
      tpu.enqueue_dma source(%dma_start3A_73 : memref<16x640xf32, #tpu.memory_space<vmem_shared>>) target(%arg9 : memref<16x640xf32, #tpu.memory_space<vmem>>) target_semaphore(%run_scoped3A : memref<!tpu.dma_semaphore, #tpu.memory_space<semaphore_mem>>)
      %dma_wait3A_74 = arith.constant 0 : i32
      %dma_wait3A_75 = tpu.memref_slice %arg12[%dma_wait3A_74, %mul3A_21] : memref<16x10240xf32, #tpu.memory_space<vmem_shared>> -> memref<16x640xf32, #tpu.memory_space<vmem_shared>>
      %dma_wait3A_76 = arith.constant 0 : i32
      %dma_wait3A_77 = tpu.memref_slice %arg12[%dma_wait3A_76, %mul3A_21] : memref<16x10240xf32, #tpu.memory_space<vmem_shared>> -> memref<16x640xf32, #tpu.memory_space<vmem_shared>>
      tpu.wait_dma2 semaphore(%run_scoped3A : memref<!tpu.dma_semaphore, #tpu.memory_space<semaphore_mem>>) src(%dma_wait3A_77 : memref<16x640xf32, #tpu.memory_space<vmem_shared>>) dst(%arg9 : memref<16x640xf32, #tpu.memory_space<vmem>>)
      tpu.yield
    }) : () -> ()
    %scan3A_40 = arith.constant 0 : i32
    %scan3A_41 = arith.constant 10 : i32
    %scan3A_42 = arith.addi %scan3A_40, %scan3A_41 : i32
    %scan3A_43 = arith.constant 1 : i32
    scf.for %scan3A_70 = %scan3A_40 to %scan3A_42 step %scan3A_43  : i32 {
      %mul3A_71 = arith.constant 4 : i32
      %mul3A_72 = arith.muli %scan3A_70, %mul3A_71 : i32
      %mul3A_73 = arith.constant 16 : i32
      %mul3A_74 = arith.muli %mul3A_72, %mul3A_73 : i32
      %add3A_75 = arith.constant 0 : i32
      %add3A_76 = arith.addi %mul3A_74, %add3A_75 : i32
      %get3A = arith.constant 0 : i32
      %get3A_77 = arith.index_cast %get3A : i32 to index
      %get3A_78 = arith.index_cast %add3A_76 : i32 to index
      %get3A_79 = tpu.vector_load %arg9[%get3A_77, %get3A_78] {strides = array<i32>} : memref<16x640xf32, #tpu.memory_space<vmem>>, vector<16xf32>,
      %get3A_80 = arith.constant 1 : i32
      %get3A_81 = arith.index_cast %get3A_80 : i32 to index
      %get3A_82 = arith.index_cast %add3A_76 : i32 to index
      %get3A_83 = tpu.vector_load %arg9[%get3A_81, %get3A_82] {strides = array<i32>} : memref<16x640xf32, #tpu.memory_space<vmem>>, vector<16xf32>,
      %add3A_84 = arith.addf %get3A_79, %get3A_83 : vector<16xf32>
      %get3A_85 = arith.constant 2 : i32
      %get3A_86 = arith.index_cast %get3A_85 : i32 to index
      %get3A_87 = arith.index_cast %add3A_76 : i32 to index
      %get3A_88 = tpu.vector_load %arg9[%get3A_86, %get3A_87] {strides = array<i32>} : memref<16x640xf32, #tpu.memory_space<vmem>>, vector<16xf32>,
      %add3A_89 = arith.addf %add3A_84, %get3A_88 : vector<16xf32>
      %get3A_90 = arith.constant 3 : i32
      %get3A_91 = arith.index_cast %get3A_90 : i32 to index
      %get3A_92 = arith.index_cast %add3A_76 : i32 to index
      %get3A_93 = tpu.vector_load %arg9[%get3A_91, %get3A_92] {strides = array<i32>} : memref<16x640xf32, #tpu.memory_space<vmem>>, vector<16xf32>,
      %add3A_94 = arith.addf %add3A_89, %get3A_93 : vector<16xf32>
      %get3A_95 = arith.constant 4 : i32
      %get3A_96 = arith.index_cast %get3A_95 : i32 to index
      %get3A_97 = arith.index_cast %add3A_76 : i32 to index
      %get3A_98 = tpu.vector_load %arg9[%get3A_96, %get3A_97] {strides = array<i32>} : memref<16x640xf32, #tpu.memory_space<vmem>>, vector<16xf32>,
      %add3A_99 = arith.addf %add3A_94, %get3A_98 : vector<16xf32>
      %get3A_100 = arith.constant 5 : i32
      %get3A_101 = arith.index_cast %get3A_100 : i32 to index
      %get3A_102 = arith.index_cast %add3A_76 : i32 to index
      %get3A_103 = tpu.vector_load %arg9[%get3A_101, %get3A_102] {strides = array<i32>} : memref<16x640xf32, #tpu.memory_space<vmem>>, vector<16xf32>,
      %add3A_104 = arith.addf %add3A_99, %get3A_103 : vector<16xf32>
      %get3A_105 = arith.constant 6 : i32
      %get3A_106 = arith.index_cast %get3A_105 : i32 to index
      %get3A_107 = arith.index_cast %add3A_76 : i32 to index
      %get3A_108 = tpu.vector_load %arg9[%get3A_106, %get3A_107] {strides = array<i32>} : memref<16x640xf32, #tpu.memory_space<vmem>>, vector<16xf32>,
      %add3A_109 = arith.addf %add3A_104, %get3A_108 : vector<16xf32>
      %get3A_110 = arith.constant 7 : i32
      %get3A_111 = arith.index_cast %get3A_110 : i32 to index
      %get3A_112 = arith.index_cast %add3A_76 : i32 to index
      %get3A_113 = tpu.vector_load %arg9[%get3A_111, %get3A_112] {strides = array<i32>} : memref<16x640xf32, #tpu.memory_space<vmem>>, vector<16xf32>,
      %add3A_114 = arith.addf %add3A_109, %get3A_113 : vector<16xf32>
      %get3A_115 = arith.constant 8 : i32
      %get3A_116 = arith.index_cast %get3A_115 : i32 to index
      %get3A_117 = arith.index_cast %add3A_76 : i32 to index
      %get3A_118 = tpu.vector_load %arg9[%get3A_116, %get3A_117] {strides = array<i32>} : memref<16x640xf32, #tpu.memory_space<vmem>>, vector<16xf32>,
      %add3A_119 = arith.addf %add3A_114, %get3A_118 : vector<16xf32>
      %get3A_120 = arith.constant 9 : i32
      %get3A_121 = arith.index_cast %get3A_120 : i32 to index
      %get3A_122 = arith.index_cast %add3A_76 : i32 to index
      %get3A_123 = tpu.vector_load %arg9[%get3A_121, %get3A_122] {strides = array<i32>} : memref<16x640xf32, #tpu.memory_space<vmem>>, vector<16xf32>,
      %add3A_124 = arith.addf %add3A_119, %get3A_123 : vector<16xf32>
      %get3A_125 = arith.constant 10 : i32
      %get3A_126 = arith.index_cast %get3A_125 : i32 to index
      %get3A_127 = arith.index_cast %add3A_76 : i32 to index
      %get3A_128 = tpu.vector_load %arg9[%get3A_126, %get3A_127] {strides = array<i32>} : memref<16x640xf32, #tpu.memory_space<vmem>>, vector<16xf32>,
      %add3A_129 = arith.addf %add3A_124, %get3A_128 : vector<16xf32>
      %get3A_130 = arith.constant 11 : i32
      %get3A_131 = arith.index_cast %get3A_130 : i32 to index
      %get3A_132 = arith.index_cast %add3A_76 : i32 to index
      %get3A_133 = tpu.vector_load %arg9[%get3A_131, %get3A_132] {strides = array<i32>} : memref<16x640xf32, #tpu.memory_space<vmem>>, vector<16xf32>,
      %add3A_134 = arith.addf %add3A_129, %get3A_133 : vector<16xf32>
      %get3A_135 = arith.constant 12 : i32
      %get3A_136 = arith.index_cast %get3A_135 : i32 to index
      %get3A_137 = arith.index_cast %add3A_76 : i32 to index
      %get3A_138 = tpu.vector_load %arg9[%get3A_136, %get3A_137] {strides = array<i32>} : memref<16x640xf32, #tpu.memory_space<vmem>>, vector<16xf32>,
      %add3A_139 = arith.addf %add3A_134, %get3A_138 : vector<16xf32>
      %get3A_140 = arith.constant 13 : i32
      %get3A_141 = arith.index_cast %get3A_140 : i32 to index
      %get3A_142 = arith.index_cast %add3A_76 : i32 to index
      %get3A_143 = tpu.vector_load %arg9[%get3A_141, %get3A_142] {strides = array<i32>} : memref<16x640xf32, #tpu.memory_space<vmem>>, vector<16xf32>,
      %add3A_144 = arith.addf %add3A_139, %get3A_143 : vector<16xf32>
      %get3A_145 = arith.constant 14 : i32
      %get3A_146 = arith.index_cast %get3A_145 : i32 to index
      %get3A_147 = arith.index_cast %add3A_76 : i32 to index
      %get3A_148 = tpu.vector_load %arg9[%get3A_146, %get3A_147] {strides = array<i32>} : memref<16x640xf32, #tpu.memory_space<vmem>>, vector<16xf32>,
      %add3A_149 = arith.addf %add3A_144, %get3A_148 : vector<16xf32>
      %get3A_150 = arith.constant 15 : i32
      %get3A_151 = arith.index_cast %get3A_150 : i32 to index
      %get3A_152 = arith.index_cast %add3A_76 : i32 to index
      %get3A_153 = tpu.vector_load %arg9[%get3A_151, %get3A_152] {strides = array<i32>} : memref<16x640xf32, #tpu.memory_space<vmem>>, vector<16xf32>,
      %add3A_154 = arith.addf %add3A_149, %get3A_153 : vector<16xf32>
      %swap3A = arith.index_cast %add3A_76 : i32 to index
      %swap3A_155 = tpu.vector_load %arg10[%swap3A] {strides = array<i32>} : memref<640xf32, #tpu.memory_space<vmem>>, vector<16xf32>,
      tpu.vector_store %arg10[%swap3A], %add3A_154 {strides = array<i32>} : memref<640xf32, #tpu.memory_space<vmem>>, vector<16xf32>,
      %mul3A_156 = arith.constant 4 : i32
      %mul3A_157 = arith.muli %scan3A_70, %mul3A_156 : i32
      %mul3A_158 = arith.constant 16 : i32
      %mul3A_159 = arith.muli %mul3A_157, %mul3A_158 : i32
      %add3A_160 = arith.constant 16 : i32
      %add3A_161 = arith.addi %mul3A_159, %add3A_160 : i32
      %get3A_162 = arith.constant 0 : i32
      %get3A_163 = arith.index_cast %get3A_162 : i32 to index
      %get3A_164 = arith.index_cast %add3A_161 : i32 to index
      %get3A_165 = tpu.vector_load %arg9[%get3A_163, %get3A_164] {strides = array<i32>} : memref<16x640xf32, #tpu.memory_space<vmem>>, vector<16xf32>,
      %get3A_166 = arith.constant 1 : i32
      %get3A_167 = arith.index_cast %get3A_166 : i32 to index
      %get3A_168 = arith.index_cast %add3A_161 : i32 to index
      %get3A_169 = tpu.vector_load %arg9[%get3A_167, %get3A_168] {strides = array<i32>} : memref<16x640xf32, #tpu.memory_space<vmem>>, vector<16xf32>,
      %add3A_170 = arith.addf %get3A_165, %get3A_169 : vector<16xf32>
      %get3A_171 = arith.constant 2 : i32
      %get3A_172 = arith.index_cast %get3A_171 : i32 to index
      %get3A_173 = arith.index_cast %add3A_161 : i32 to index
      %get3A_174 = tpu.vector_load %arg9[%get3A_172, %get3A_173] {strides = array<i32>} : memref<16x640xf32, #tpu.memory_space<vmem>>, vector<16xf32>,
      %add3A_175 = arith.addf %add3A_170, %get3A_174 : vector<16xf32>
      %get3A_176 = arith.constant 3 : i32
      %get3A_177 = arith.index_cast %get3A_176 : i32 to index
      %get3A_178 = arith.index_cast %add3A_161 : i32 to index
      %get3A_179 = tpu.vector_load %arg9[%get3A_177, %get3A_178] {strides = array<i32>} : memref<16x640xf32, #tpu.memory_space<vmem>>, vector<16xf32>,
      %add3A_180 = arith.addf %add3A_175, %get3A_179 : vector<16xf32>
      %get3A_181 = arith.constant 4 : i32
      %get3A_182 = arith.index_cast %get3A_181 : i32 to index
      %get3A_183 = arith.index_cast %add3A_161 : i32 to index
      %get3A_184 = tpu.vector_load %arg9[%get3A_182, %get3A_183] {strides = array<i32>} : memref<16x640xf32, #tpu.memory_space<vmem>>, vector<16xf32>,
      %add3A_185 = arith.addf %add3A_180, %get3A_184 : vector<16xf32>
      %get3A_186 = arith.constant 5 : i32
      %get3A_187 = arith.index_cast %get3A_186 : i32 to index
      %get3A_188 = arith.index_cast %add3A_161 : i32 to index
      %get3A_189 = tpu.vector_load %arg9[%get3A_187, %get3A_188] {strides = array<i32>} : memref<16x640xf32, #tpu.memory_space<vmem>>, vector<16xf32>,
      %add3A_190 = arith.addf %add3A_185, %get3A_189 : vector<16xf32>
      %get3A_191 = arith.constant 6 : i32
      %get3A_192 = arith.index_cast %get3A_191 : i32 to index
      %get3A_193 = arith.index_cast %add3A_161 : i32 to index
      %get3A_194 = tpu.vector_load %arg9[%get3A_192, %get3A_193] {strides = array<i32>} : memref<16x640xf32, #tpu.memory_space<vmem>>, vector<16xf32>,
      %add3A_195 = arith.addf %add3A_190, %get3A_194 : vector<16xf32>
      %get3A_196 = arith.constant 7 : i32
      %get3A_197 = arith.index_cast %get3A_196 : i32 to index
      %get3A_198 = arith.index_cast %add3A_161 : i32 to index
      %get3A_199 = tpu.vector_load %arg9[%get3A_197, %get3A_198] {strides = array<i32>} : memref<16x640xf32, #tpu.memory_space<vmem>>, vector<16xf32>,
      %add3A_200 = arith.addf %add3A_195, %get3A_199 : vector<16xf32>
      %get3A_201 = arith.constant 8 : i32
      %get3A_202 = arith.index_cast %get3A_201 : i32 to index
      %get3A_203 = arith.index_cast %add3A_161 : i32 to index
      %get3A_204 = tpu.vector_load %arg9[%get3A_202, %get3A_203] {strides = array<i32>} : memref<16x640xf32, #tpu.memory_space<vmem>>, vector<16xf32>,
      %add3A_205 = arith.addf %add3A_200, %get3A_204 : vector<16xf32>
      %get3A_206 = arith.constant 9 : i32
      %get3A_207 = arith.index_cast %get3A_206 : i32 to index
      %get3A_208 = arith.index_cast %add3A_161 : i32 to index
      %get3A_209 = tpu.vector_load %arg9[%get3A_207, %get3A_208] {strides = array<i32>} : memref<16x640xf32, #tpu.memory_space<vmem>>, vector<16xf32>,
      %add3A_210 = arith.addf %add3A_205, %get3A_209 : vector<16xf32>
      %get3A_211 = arith.constant 10 : i32
      %get3A_212 = arith.index_cast %get3A_211 : i32 to index
      %get3A_213 = arith.index_cast %add3A_161 : i32 to index
      %get3A_214 = tpu.vector_load %arg9[%get3A_212, %get3A_213] {strides = array<i32>} : memref<16x640xf32, #tpu.memory_space<vmem>>, vector<16xf32>,
      %add3A_215 = arith.addf %add3A_210, %get3A_214 : vector<16xf32>
      %get3A_216 = arith.constant 11 : i32
      %get3A_217 = arith.index_cast %get3A_216 : i32 to index
      %get3A_218 = arith.index_cast %add3A_161 : i32 to index
      %get3A_219 = tpu.vector_load %arg9[%get3A_217, %get3A_218] {strides = array<i32>} : memref<16x640xf32, #tpu.memory_space<vmem>>, vector<16xf32>,
      %add3A_220 = arith.addf %add3A_215, %get3A_219 : vector<16xf32>
      %get3A_221 = arith.constant 12 : i32
      %get3A_222 = arith.index_cast %get3A_221 : i32 to index
      %get3A_223 = arith.index_cast %add3A_161 : i32 to index
      %get3A_224 = tpu.vector_load %arg9[%get3A_222, %get3A_223] {strides = array<i32>} : memref<16x640xf32, #tpu.memory_space<vmem>>, vector<16xf32>,
      %add3A_225 = arith.addf %add3A_220, %get3A_224 : vector<16xf32>
      %get3A_226 = arith.constant 13 : i32
      %get3A_227 = arith.index_cast %get3A_226 : i32 to index
      %get3A_228 = arith.index_cast %add3A_161 : i32 to index
      %get3A_229 = tpu.vector_load %arg9[%get3A_227, %get3A_228] {strides = array<i32>} : memref<16x640xf32, #tpu.memory_space<vmem>>, vector<16xf32>,
      %add3A_230 = arith.addf %add3A_225, %get3A_229 : vector<16xf32>
      %get3A_231 = arith.constant 14 : i32
      %get3A_232 = arith.index_cast %get3A_231 : i32 to index
      %get3A_233 = arith.index_cast %add3A_161 : i32 to index
      %get3A_234 = tpu.vector_load %arg9[%get3A_232, %get3A_233] {strides = array<i32>} : memref<16x640xf32, #tpu.memory_space<vmem>>, vector<16xf32>,
      %add3A_235 = arith.addf %add3A_230, %get3A_234 : vector<16xf32>
      %get3A_236 = arith.constant 15 : i32
      %get3A_237 = arith.index_cast %get3A_236 : i32 to index
      %get3A_238 = arith.index_cast %add3A_161 : i32 to index
      %get3A_239 = tpu.vector_load %arg9[%get3A_237, %get3A_238] {strides = array<i32>} : memref<16x640xf32, #tpu.memory_space<vmem>>, vector<16xf32>,
      %add3A_240 = arith.addf %add3A_235, %get3A_239 : vector<16xf32>
      %swap3A_241 = arith.index_cast %add3A_161 : i32 to index
      %swap3A_242 = tpu.vector_load %arg10[%swap3A_241] {strides = array<i32>} : memref<640xf32, #tpu.memory_space<vmem>>, vector<16xf32>,
      tpu.vector_store %arg10[%swap3A_241], %add3A_240 {strides = array<i32>} : memref<640xf32, #tpu.memory_space<vmem>>, vector<16xf32>,
      %mul3A_243 = arith.constant 4 : i32
      %mul3A_244 = arith.muli %scan3A_70, %mul3A_243 : i32
      %mul3A_245 = arith.constant 16 : i32
      %mul3A_246 = arith.muli %mul3A_244, %mul3A_245 : i32
      %add3A_247 = arith.constant 32 : i32
      %add3A_248 = arith.addi %mul3A_246, %add3A_247 : i32
      %get3A_249 = arith.constant 0 : i32
      %get3A_250 = arith.index_cast %get3A_249 : i32 to index
      %get3A_251 = arith.index_cast %add3A_248 : i32 to index
      %get3A_252 = tpu.vector_load %arg9[%get3A_250, %get3A_251] {strides = array<i32>} : memref<16x640xf32, #tpu.memory_space<vmem>>, vector<16xf32>,
      %get3A_253 = arith.constant 1 : i32
      %get3A_254 = arith.index_cast %get3A_253 : i32 to index
      %get3A_255 = arith.index_cast %add3A_248 : i32 to index
      %get3A_256 = tpu.vector_load %arg9[%get3A_254, %get3A_255] {strides = array<i32>} : memref<16x640xf32, #tpu.memory_space<vmem>>, vector<16xf32>,
      %add3A_257 = arith.addf %get3A_252, %get3A_256 : vector<16xf32>
      %get3A_258 = arith.constant 2 : i32
      %get3A_259 = arith.index_cast %get3A_258 : i32 to index
      %get3A_260 = arith.index_cast %add3A_248 : i32 to index
      %get3A_261 = tpu.vector_load %arg9[%get3A_259, %get3A_260] {strides = array<i32>} : memref<16x640xf32, #tpu.memory_space<vmem>>, vector<16xf32>,
      %add3A_262 = arith.addf %add3A_257, %get3A_261 : vector<16xf32>
      %get3A_263 = arith.constant 3 : i32
      %get3A_264 = arith.index_cast %get3A_263 : i32 to index
      %get3A_265 = arith.index_cast %add3A_248 : i32 to index
      %get3A_266 = tpu.vector_load %arg9[%get3A_264, %get3A_265] {strides = array<i32>} : memref<16x640xf32, #tpu.memory_space<vmem>>, vector<16xf32>,
      %add3A_267 = arith.addf %add3A_262, %get3A_266 : vector<16xf32>
      %get3A_268 = arith.constant 4 : i32
      %get3A_269 = arith.index_cast %get3A_268 : i32 to index
      %get3A_270 = arith.index_cast %add3A_248 : i32 to index
      %get3A_271 = tpu.vector_load %arg9[%get3A_269, %get3A_270] {strides = array<i32>} : memref<16x640xf32, #tpu.memory_space<vmem>>, vector<16xf32>,
      %add3A_272 = arith.addf %add3A_267, %get3A_271 : vector<16xf32>
      %get3A_273 = arith.constant 5 : i32
      %get3A_274 = arith.index_cast %get3A_273 : i32 to index
      %get3A_275 = arith.index_cast %add3A_248 : i32 to index
      %get3A_276 = tpu.vector_load %arg9[%get3A_274, %get3A_275] {strides = array<i32>} : memref<16x640xf32, #tpu.memory_space<vmem>>, vector<16xf32>,
      %add3A_277 = arith.addf %add3A_272, %get3A_276 : vector<16xf32>
      %get3A_278 = arith.constant 6 : i32
      %get3A_279 = arith.index_cast %get3A_278 : i32 to index
      %get3A_280 = arith.index_cast %add3A_248 : i32 to index
      %get3A_281 = tpu.vector_load %arg9[%get3A_279, %get3A_280] {strides = array<i32>} : memref<16x640xf32, #tpu.memory_space<vmem>>, vector<16xf32>,
      %add3A_282 = arith.addf %add3A_277, %get3A_281 : vector<16xf32>
      %get3A_283 = arith.constant 7 : i32
      %get3A_284 = arith.index_cast %get3A_283 : i32 to index
      %get3A_285 = arith.index_cast %add3A_248 : i32 to index
      %get3A_286 = tpu.vector_load %arg9[%get3A_284, %get3A_285] {strides = array<i32>} : memref<16x640xf32, #tpu.memory_space<vmem>>, vector<16xf32>,
      %add3A_287 = arith.addf %add3A_282, %get3A_286 : vector<16xf32>
      %get3A_288 = arith.constant 8 : i32
      %get3A_289 = arith.index_cast %get3A_288 : i32 to index
      %get3A_290 = arith.index_cast %add3A_248 : i32 to index
      %get3A_291 = tpu.vector_load %arg9[%get3A_289, %get3A_290] {strides = array<i32>} : memref<16x640xf32, #tpu.memory_space<vmem>>, vector<16xf32>,
      %add3A_292 = arith.addf %add3A_287, %get3A_291 : vector<16xf32>
      %get3A_293 = arith.constant 9 : i32
      %get3A_294 = arith.index_cast %get3A_293 : i32 to index
      %get3A_295 = arith.index_cast %add3A_248 : i32 to index
      %get3A_296 = tpu.vector_load %arg9[%get3A_294, %get3A_295] {strides = array<i32>} : memref<16x640xf32, #tpu.memory_space<vmem>>, vector<16xf32>,
      %add3A_297 = arith.addf %add3A_292, %get3A_296 : vector<16xf32>
      %get3A_298 = arith.constant 10 : i32
      %get3A_299 = arith.index_cast %get3A_298 : i32 to index
      %get3A_300 = arith.index_cast %add3A_248 : i32 to index
      %get3A_301 = tpu.vector_load %arg9[%get3A_299, %get3A_300] {strides = array<i32>} : memref<16x640xf32, #tpu.memory_space<vmem>>, vector<16xf32>,
      %add3A_302 = arith.addf %add3A_297, %get3A_301 : vector<16xf32>
      %get3A_303 = arith.constant 11 : i32
      %get3A_304 = arith.index_cast %get3A_303 : i32 to index
      %get3A_305 = arith.index_cast %add3A_248 : i32 to index
      %get3A_306 = tpu.vector_load %arg9[%get3A_304, %get3A_305] {strides = array<i32>} : memref<16x640xf32, #tpu.memory_space<vmem>>, vector<16xf32>,
      %add3A_307 = arith.addf %add3A_302, %get3A_306 : vector<16xf32>
      %get3A_308 = arith.constant 12 : i32
      %get3A_309 = arith.index_cast %get3A_308 : i32 to index
      %get3A_310 = arith.index_cast %add3A_248 : i32 to index
      %get3A_311 = tpu.vector_load %arg9[%get3A_309, %get3A_310] {strides = array<i32>} : memref<16x640xf32, #tpu.memory_space<vmem>>, vector<16xf32>,
      %add3A_312 = arith.addf %add3A_307, %get3A_311 : vector<16xf32>
      %get3A_313 = arith.constant 13 : i32
      %get3A_314 = arith.index_cast %get3A_313 : i32 to index
      %get3A_315 = arith.index_cast %add3A_248 : i32 to index
      %get3A_316 = tpu.vector_load %arg9[%get3A_314, %get3A_315] {strides = array<i32>} : memref<16x640xf32, #tpu.memory_space<vmem>>, vector<16xf32>,
      %add3A_317 = arith.addf %add3A_312, %get3A_316 : vector<16xf32>
      %get3A_318 = arith.constant 14 : i32
      %get3A_319 = arith.index_cast %get3A_318 : i32 to index
      %get3A_320 = arith.index_cast %add3A_248 : i32 to index
      %get3A_321 = tpu.vector_load %arg9[%get3A_319, %get3A_320] {strides = array<i32>} : memref<16x640xf32, #tpu.memory_space<vmem>>, vector<16xf32>,
      %add3A_322 = arith.addf %add3A_317, %get3A_321 : vector<16xf32>
      %get3A_323 = arith.constant 15 : i32
      %get3A_324 = arith.index_cast %get3A_323 : i32 to index
      %get3A_325 = arith.index_cast %add3A_248 : i32 to index
      %get3A_326 = tpu.vector_load %arg9[%get3A_324, %get3A_325] {strides = array<i32>} : memref<16x640xf32, #tpu.memory_space<vmem>>, vector<16xf32>,
      %add3A_327 = arith.addf %add3A_322, %get3A_326 : vector<16xf32>
      %swap3A_328 = arith.index_cast %add3A_248 : i32 to index
      %swap3A_329 = tpu.vector_load %arg10[%swap3A_328] {strides = array<i32>} : memref<640xf32, #tpu.memory_space<vmem>>, vector<16xf32>,
      tpu.vector_store %arg10[%swap3A_328], %add3A_327 {strides = array<i32>} : memref<640xf32, #tpu.memory_space<vmem>>, vector<16xf32>,
      %mul3A_330 = arith.constant 4 : i32
      %mul3A_331 = arith.muli %scan3A_70, %mul3A_330 : i32
      %mul3A_332 = arith.constant 16 : i32
      %mul3A_333 = arith.muli %mul3A_331, %mul3A_332 : i32
      %add3A_334 = arith.constant 48 : i32
      %add3A_335 = arith.addi %mul3A_333, %add3A_334 : i32
      %get3A_336 = arith.constant 0 : i32
      %get3A_337 = arith.index_cast %get3A_336 : i32 to index
      %get3A_338 = arith.index_cast %add3A_335 : i32 to index
      %get3A_339 = tpu.vector_load %arg9[%get3A_337, %get3A_338] {strides = array<i32>} : memref<16x640xf32, #tpu.memory_space<vmem>>, vector<16xf32>,
      %get3A_340 = arith.constant 1 : i32
      %get3A_341 = arith.index_cast %get3A_340 : i32 to index
      %get3A_342 = arith.index_cast %add3A_335 : i32 to index
      %get3A_343 = tpu.vector_load %arg9[%get3A_341, %get3A_342] {strides = array<i32>} : memref<16x640xf32, #tpu.memory_space<vmem>>, vector<16xf32>,
      %add3A_344 = arith.addf %get3A_339, %get3A_343 : vector<16xf32>
      %get3A_345 = arith.constant 2 : i32
      %get3A_346 = arith.index_cast %get3A_345 : i32 to index
      %get3A_347 = arith.index_cast %add3A_335 : i32 to index
      %get3A_348 = tpu.vector_load %arg9[%get3A_346, %get3A_347] {strides = array<i32>} : memref<16x640xf32, #tpu.memory_space<vmem>>, vector<16xf32>,
      %add3A_349 = arith.addf %add3A_344, %get3A_348 : vector<16xf32>
      %get3A_350 = arith.constant 3 : i32
      %get3A_351 = arith.index_cast %get3A_350 : i32 to index
      %get3A_352 = arith.index_cast %add3A_335 : i32 to index
      %get3A_353 = tpu.vector_load %arg9[%get3A_351, %get3A_352] {strides = array<i32>} : memref<16x640xf32, #tpu.memory_space<vmem>>, vector<16xf32>,
      %add3A_354 = arith.addf %add3A_349, %get3A_353 : vector<16xf32>
      %get3A_355 = arith.constant 4 : i32
      %get3A_356 = arith.index_cast %get3A_355 : i32 to index
      %get3A_357 = arith.index_cast %add3A_335 : i32 to index
      %get3A_358 = tpu.vector_load %arg9[%get3A_356, %get3A_357] {strides = array<i32>} : memref<16x640xf32, #tpu.memory_space<vmem>>, vector<16xf32>,
      %add3A_359 = arith.addf %add3A_354, %get3A_358 : vector<16xf32>
      %get3A_360 = arith.constant 5 : i32
      %get3A_361 = arith.index_cast %get3A_360 : i32 to index
      %get3A_362 = arith.index_cast %add3A_335 : i32 to index
      %get3A_363 = tpu.vector_load %arg9[%get3A_361, %get3A_362] {strides = array<i32>} : memref<16x640xf32, #tpu.memory_space<vmem>>, vector<16xf32>,
      %add3A_364 = arith.addf %add3A_359, %get3A_363 : vector<16xf32>
      %get3A_365 = arith.constant 6 : i32
      %get3A_366 = arith.index_cast %get3A_365 : i32 to index
      %get3A_367 = arith.index_cast %add3A_335 : i32 to index
      %get3A_368 = tpu.vector_load %arg9[%get3A_366, %get3A_367] {strides = array<i32>} : memref<16x640xf32, #tpu.memory_space<vmem>>, vector<16xf32>,
      %add3A_369 = arith.addf %add3A_364, %get3A_368 : vector<16xf32>
      %get3A_370 = arith.constant 7 : i32
      %get3A_371 = arith.index_cast %get3A_370 : i32 to index
      %get3A_372 = arith.index_cast %add3A_335 : i32 to index
      %get3A_373 = tpu.vector_load %arg9[%get3A_371, %get3A_372] {strides = array<i32>} : memref<16x640xf32, #tpu.memory_space<vmem>>, vector<16xf32>,
      %add3A_374 = arith.addf %add3A_369, %get3A_373 : vector<16xf32>
      %get3A_375 = arith.constant 8 : i32
      %get3A_376 = arith.index_cast %get3A_375 : i32 to index
      %get3A_377 = arith.index_cast %add3A_335 : i32 to index
      %get3A_378 = tpu.vector_load %arg9[%get3A_376, %get3A_377] {strides = array<i32>} : memref<16x640xf32, #tpu.memory_space<vmem>>, vector<16xf32>,
      %add3A_379 = arith.addf %add3A_374, %get3A_378 : vector<16xf32>
      %get3A_380 = arith.constant 9 : i32
      %get3A_381 = arith.index_cast %get3A_380 : i32 to index
      %get3A_382 = arith.index_cast %add3A_335 : i32 to index
      %get3A_383 = tpu.vector_load %arg9[%get3A_381, %get3A_382] {strides = array<i32>} : memref<16x640xf32, #tpu.memory_space<vmem>>, vector<16xf32>,
      %add3A_384 = arith.addf %add3A_379, %get3A_383 : vector<16xf32>
      %get3A_385 = arith.constant 10 : i32
      %get3A_386 = arith.index_cast %get3A_385 : i32 to index
      %get3A_387 = arith.index_cast %add3A_335 : i32 to index
      %get3A_388 = tpu.vector_load %arg9[%get3A_386, %get3A_387] {strides = array<i32>} : memref<16x640xf32, #tpu.memory_space<vmem>>, vector<16xf32>,
      %add3A_389 = arith.addf %add3A_384, %get3A_388 : vector<16xf32>
      %get3A_390 = arith.constant 11 : i32
      %get3A_391 = arith.index_cast %get3A_390 : i32 to index
      %get3A_392 = arith.index_cast %add3A_335 : i32 to index
      %get3A_393 = tpu.vector_load %arg9[%get3A_391, %get3A_392] {strides = array<i32>} : memref<16x640xf32, #tpu.memory_space<vmem>>, vector<16xf32>,
      %add3A_394 = arith.addf %add3A_389, %get3A_393 : vector<16xf32>
      %get3A_395 = arith.constant 12 : i32
      %get3A_396 = arith.index_cast %get3A_395 : i32 to index
      %get3A_397 = arith.index_cast %add3A_335 : i32 to index
      %get3A_398 = tpu.vector_load %arg9[%get3A_396, %get3A_397] {strides = array<i32>} : memref<16x640xf32, #tpu.memory_space<vmem>>, vector<16xf32>,
      %add3A_399 = arith.addf %add3A_394, %get3A_398 : vector<16xf32>
      %get3A_400 = arith.constant 13 : i32
      %get3A_401 = arith.index_cast %get3A_400 : i32 to index
      %get3A_402 = arith.index_cast %add3A_335 : i32 to index
      %get3A_403 = tpu.vector_load %arg9[%get3A_401, %get3A_402] {strides = array<i32>} : memref<16x640xf32, #tpu.memory_space<vmem>>, vector<16xf32>,
      %add3A_404 = arith.addf %add3A_399, %get3A_403 : vector<16xf32>
      %get3A_405 = arith.constant 14 : i32
      %get3A_406 = arith.index_cast %get3A_405 : i32 to index
      %get3A_407 = arith.index_cast %add3A_335 : i32 to index
      %get3A_408 = tpu.vector_load %arg9[%get3A_406, %get3A_407] {strides = array<i32>} : memref<16x640xf32, #tpu.memory_space<vmem>>, vector<16xf32>,
      %add3A_409 = arith.addf %add3A_404, %get3A_408 : vector<16xf32>
      %get3A_410 = arith.constant 15 : i32
      %get3A_411 = arith.index_cast %get3A_410 : i32 to index
      %get3A_412 = arith.index_cast %add3A_335 : i32 to index
      %get3A_413 = tpu.vector_load %arg9[%get3A_411, %get3A_412] {strides = array<i32>} : memref<16x640xf32, #tpu.memory_space<vmem>>, vector<16xf32>,
      %add3A_414 = arith.addf %add3A_409, %get3A_413 : vector<16xf32>
      %swap3A_415 = arith.index_cast %add3A_335 : i32 to index
      %swap3A_416 = tpu.vector_load %arg10[%swap3A_415] {strides = array<i32>} : memref<640xf32, #tpu.memory_space<vmem>>, vector<16xf32>,
      tpu.vector_store %arg10[%swap3A_415], %add3A_414 {strides = array<i32>} : memref<640xf32, #tpu.memory_space<vmem>>, vector<16xf32>,
    }
    %scan3A_44 = arith.constant 10 : i32
    %scan3A_45 = arith.constant 0 : i32
    %scan3A_46 = arith.constant 5 : i32
    %scan3A_47 = arith.addi %scan3A_45, %scan3A_46 : i32
    %scan3A_48 = arith.constant 1 : i32
    scf.for %scan3A_70 = %scan3A_45 to %scan3A_47 step %scan3A_48  : i32 {
      %mul3A_71 = arith.constant 8 : i32
      %mul3A_72 = arith.muli %scan3A_70, %mul3A_71 : i32
      %mul3A_73 = arith.constant 16 : i32
      %mul3A_74 = arith.muli %mul3A_72, %mul3A_73 : i32
      %add3A_75 = arith.constant 0 : i32
      %add3A_76 = arith.addi %mul3A_74, %add3A_75 : i32
      %get3A = arith.index_cast %add3A_76 : i32 to index
      %get3A_77 = tpu.vector_load %arg10[%get3A] {strides = array<i32>} : memref<640xf32, #tpu.memory_space<vmem>>, vector<16xf32>,
      %add3A_78 = arith.constant 1.000000e+00 : f32
      %add3A_79 = vector.broadcast %add3A_78 : f32 to vector<16xf32>
      %add3A_80 = arith.addf %get3A_77, %add3A_79 : vector<16xf32>
      %bitcast_convert_type3A = tpu.bitcast %add3A_80 : vector<16xf32> -> vector<16xi32>
      %shift_right_arithmetic3A = arith.constant 1 : i32
      %shift_right_arithmetic3A_81 = vector.broadcast %shift_right_arithmetic3A : i32 to vector<16xi32>
      %shift_right_arithmetic3A_82 = arith.shrsi %bitcast_convert_type3A, %shift_right_arithmetic3A_81 : vector<16xi32>
      %sub3A_83 = arith.constant 1597463007 : i32
      %sub3A_84 = vector.broadcast %sub3A_83 : i32 to vector<16xi32>
      %sub3A_85 = arith.subi %sub3A_84, %shift_right_arithmetic3A_82 : vector<16xi32>
      %bitcast_convert_type3A_86 = tpu.bitcast %sub3A_85 : vector<16xi32> -> vector<16xf32>
      %mul3A_87 = arith.constant 5.000000e-01 : f32
      %mul3A_88 = vector.broadcast %mul3A_87 : f32 to vector<16xf32>
      %mul3A_89 = arith.mulf %mul3A_88, %add3A_80 : vector<16xf32>
      %mul3A_90 = arith.mulf %mul3A_89, %bitcast_convert_type3A_86 : vector<16xf32>
      %mul3A_91 = arith.mulf %mul3A_90, %bitcast_convert_type3A_86 : vector<16xf32>
      %sub3A_92 = arith.constant 1.500000e+00 : f32
      %sub3A_93 = vector.broadcast %sub3A_92 : f32 to vector<16xf32>
      %sub3A_94 = arith.subf %sub3A_93, %mul3A_91 : vector<16xf32>
      %mul3A_95 = arith.mulf %bitcast_convert_type3A_86, %sub3A_94 : vector<16xf32>
      %mul3A_96 = arith.constant 5.000000e-01 : f32
      %mul3A_97 = vector.broadcast %mul3A_96 : f32 to vector<16xf32>
      %mul3A_98 = arith.mulf %mul3A_97, %add3A_80 : vector<16xf32>
      %mul3A_99 = arith.mulf %mul3A_98, %mul3A_95 : vector<16xf32>
      %mul3A_100 = arith.mulf %mul3A_99, %mul3A_95 : vector<16xf32>
      %sub3A_101 = arith.constant 1.500000e+00 : f32
      %sub3A_102 = vector.broadcast %sub3A_101 : f32 to vector<16xf32>
      %sub3A_103 = arith.subf %sub3A_102, %mul3A_100 : vector<16xf32>
      %mul3A_104 = arith.mulf %mul3A_95, %sub3A_103 : vector<16xf32>
      %mul3A_105 = arith.constant 5.000000e-01 : f32
      %mul3A_106 = vector.broadcast %mul3A_105 : f32 to vector<16xf32>
      %mul3A_107 = arith.mulf %mul3A_106, %add3A_80 : vector<16xf32>
      %mul3A_108 = arith.mulf %mul3A_107, %mul3A_104 : vector<16xf32>
      %mul3A_109 = arith.mulf %mul3A_108, %mul3A_104 : vector<16xf32>
      %sub3A_110 = arith.constant 1.500000e+00 : f32
      %sub3A_111 = vector.broadcast %sub3A_110 : f32 to vector<16xf32>
      %sub3A_112 = arith.subf %sub3A_111, %mul3A_109 : vector<16xf32>
      %mul3A_113 = arith.mulf %mul3A_104, %sub3A_112 : vector<16xf32>
      %swap3A = arith.index_cast %add3A_76 : i32 to index
      %swap3A_114 = tpu.vector_load %arg11[%swap3A] {strides = array<i32>} : memref<640xf32, #tpu.memory_space<vmem>>, vector<16xf32>,
      tpu.vector_store %arg11[%swap3A], %mul3A_113 {strides = array<i32>} : memref<640xf32, #tpu.memory_space<vmem>>, vector<16xf32>,
      %mul3A_115 = arith.constant 8 : i32
      %mul3A_116 = arith.muli %scan3A_70, %mul3A_115 : i32
      %mul3A_117 = arith.constant 16 : i32
      %mul3A_118 = arith.muli %mul3A_116, %mul3A_117 : i32
      %add3A_119 = arith.constant 16 : i32
      %add3A_120 = arith.addi %mul3A_118, %add3A_119 : i32
      %get3A_121 = arith.index_cast %add3A_120 : i32 to index
      %get3A_122 = tpu.vector_load %arg10[%get3A_121] {strides = array<i32>} : memref<640xf32, #tpu.memory_space<vmem>>, vector<16xf32>,
      %add3A_123 = arith.constant 1.000000e+00 : f32
      %add3A_124 = vector.broadcast %add3A_123 : f32 to vector<16xf32>
      %add3A_125 = arith.addf %get3A_122, %add3A_124 : vector<16xf32>
      %bitcast_convert_type3A_126 = tpu.bitcast %add3A_125 : vector<16xf32> -> vector<16xi32>
      %shift_right_arithmetic3A_127 = arith.constant 1 : i32
      %shift_right_arithmetic3A_128 = vector.broadcast %shift_right_arithmetic3A_127 : i32 to vector<16xi32>
      %shift_right_arithmetic3A_129 = arith.shrsi %bitcast_convert_type3A_126, %shift_right_arithmetic3A_128 : vector<16xi32>
      %sub3A_130 = arith.constant 1597463007 : i32
      %sub3A_131 = vector.broadcast %sub3A_130 : i32 to vector<16xi32>
      %sub3A_132 = arith.subi %sub3A_131, %shift_right_arithmetic3A_129 : vector<16xi32>
      %bitcast_convert_type3A_133 = tpu.bitcast %sub3A_132 : vector<16xi32> -> vector<16xf32>
      %mul3A_134 = arith.constant 5.000000e-01 : f32
      %mul3A_135 = vector.broadcast %mul3A_134 : f32 to vector<16xf32>
      %mul3A_136 = arith.mulf %mul3A_135, %add3A_125 : vector<16xf32>
      %mul3A_137 = arith.mulf %mul3A_136, %bitcast_convert_type3A_133 : vector<16xf32>
      %mul3A_138 = arith.mulf %mul3A_137, %bitcast_convert_type3A_133 : vector<16xf32>
      %sub3A_139 = arith.constant 1.500000e+00 : f32
      %sub3A_140 = vector.broadcast %sub3A_139 : f32 to vector<16xf32>
      %sub3A_141 = arith.subf %sub3A_140, %mul3A_138 : vector<16xf32>
      %mul3A_142 = arith.mulf %bitcast_convert_type3A_133, %sub3A_141 : vector<16xf32>
      %mul3A_143 = arith.constant 5.000000e-01 : f32
      %mul3A_144 = vector.broadcast %mul3A_143 : f32 to vector<16xf32>
      %mul3A_145 = arith.mulf %mul3A_144, %add3A_125 : vector<16xf32>
      %mul3A_146 = arith.mulf %mul3A_145, %mul3A_142 : vector<16xf32>
      %mul3A_147 = arith.mulf %mul3A_146, %mul3A_142 : vector<16xf32>
      %sub3A_148 = arith.constant 1.500000e+00 : f32
      %sub3A_149 = vector.broadcast %sub3A_148 : f32 to vector<16xf32>
      %sub3A_150 = arith.subf %sub3A_149, %mul3A_147 : vector<16xf32>
      %mul3A_151 = arith.mulf %mul3A_142, %sub3A_150 : vector<16xf32>
      %mul3A_152 = arith.constant 5.000000e-01 : f32
      %mul3A_153 = vector.broadcast %mul3A_152 : f32 to vector<16xf32>
      %mul3A_154 = arith.mulf %mul3A_153, %add3A_125 : vector<16xf32>
      %mul3A_155 = arith.mulf %mul3A_154, %mul3A_151 : vector<16xf32>
      %mul3A_156 = arith.mulf %mul3A_155, %mul3A_151 : vector<16xf32>
      %sub3A_157 = arith.constant 1.500000e+00 : f32
      %sub3A_158 = vector.broadcast %sub3A_157 : f32 to vector<16xf32>
      %sub3A_159 = arith.subf %sub3A_158, %mul3A_156 : vector<16xf32>
      %mul3A_160 = arith.mulf %mul3A_151, %sub3A_159 : vector<16xf32>
      %swap3A_161 = arith.index_cast %add3A_120 : i32 to index
      %swap3A_162 = tpu.vector_load %arg11[%swap3A_161] {strides = array<i32>} : memref<640xf32, #tpu.memory_space<vmem>>, vector<16xf32>,
      tpu.vector_store %arg11[%swap3A_161], %mul3A_160 {strides = array<i32>} : memref<640xf32, #tpu.memory_space<vmem>>, vector<16xf32>,
      %mul3A_163 = arith.constant 8 : i32
      %mul3A_164 = arith.muli %scan3A_70, %mul3A_163 : i32
      %mul3A_165 = arith.constant 16 : i32
      %mul3A_166 = arith.muli %mul3A_164, %mul3A_165 : i32
      %add3A_167 = arith.constant 32 : i32
      %add3A_168 = arith.addi %mul3A_166, %add3A_167 : i32
      %get3A_169 = arith.index_cast %add3A_168 : i32 to index
      %get3A_170 = tpu.vector_load %arg10[%get3A_169] {strides = array<i32>} : memref<640xf32, #tpu.memory_space<vmem>>, vector<16xf32>,
      %add3A_171 = arith.constant 1.000000e+00 : f32
      %add3A_172 = vector.broadcast %add3A_171 : f32 to vector<16xf32>
      %add3A_173 = arith.addf %get3A_170, %add3A_172 : vector<16xf32>
      %bitcast_convert_type3A_174 = tpu.bitcast %add3A_173 : vector<16xf32> -> vector<16xi32>
      %shift_right_arithmetic3A_175 = arith.constant 1 : i32
      %shift_right_arithmetic3A_176 = vector.broadcast %shift_right_arithmetic3A_175 : i32 to vector<16xi32>
      %shift_right_arithmetic3A_177 = arith.shrsi %bitcast_convert_type3A_174, %shift_right_arithmetic3A_176 : vector<16xi32>
      %sub3A_178 = arith.constant 1597463007 : i32
      %sub3A_179 = vector.broadcast %sub3A_178 : i32 to vector<16xi32>
      %sub3A_180 = arith.subi %sub3A_179, %shift_right_arithmetic3A_177 : vector<16xi32>
      %bitcast_convert_type3A_181 = tpu.bitcast %sub3A_180 : vector<16xi32> -> vector<16xf32>
      %mul3A_182 = arith.constant 5.000000e-01 : f32
      %mul3A_183 = vector.broadcast %mul3A_182 : f32 to vector<16xf32>
      %mul3A_184 = arith.mulf %mul3A_183, %add3A_173 : vector<16xf32>
      %mul3A_185 = arith.mulf %mul3A_184, %bitcast_convert_type3A_181 : vector<16xf32>
      %mul3A_186 = arith.mulf %mul3A_185, %bitcast_convert_type3A_181 : vector<16xf32>
      %sub3A_187 = arith.constant 1.500000e+00 : f32
      %sub3A_188 = vector.broadcast %sub3A_187 : f32 to vector<16xf32>
      %sub3A_189 = arith.subf %sub3A_188, %mul3A_186 : vector<16xf32>
      %mul3A_190 = arith.mulf %bitcast_convert_type3A_181, %sub3A_189 : vector<16xf32>
      %mul3A_191 = arith.constant 5.000000e-01 : f32
      %mul3A_192 = vector.broadcast %mul3A_191 : f32 to vector<16xf32>
      %mul3A_193 = arith.mulf %mul3A_192, %add3A_173 : vector<16xf32>
      %mul3A_194 = arith.mulf %mul3A_193, %mul3A_190 : vector<16xf32>
      %mul3A_195 = arith.mulf %mul3A_194, %mul3A_190 : vector<16xf32>
      %sub3A_196 = arith.constant 1.500000e+00 : f32
      %sub3A_197 = vector.broadcast %sub3A_196 : f32 to vector<16xf32>
      %sub3A_198 = arith.subf %sub3A_197, %mul3A_195 : vector<16xf32>
      %mul3A_199 = arith.mulf %mul3A_190, %sub3A_198 : vector<16xf32>
      %mul3A_200 = arith.constant 5.000000e-01 : f32
      %mul3A_201 = vector.broadcast %mul3A_200 : f32 to vector<16xf32>
      %mul3A_202 = arith.mulf %mul3A_201, %add3A_173 : vector<16xf32>
      %mul3A_203 = arith.mulf %mul3A_202, %mul3A_199 : vector<16xf32>
      %mul3A_204 = arith.mulf %mul3A_203, %mul3A_199 : vector<16xf32>
      %sub3A_205 = arith.constant 1.500000e+00 : f32
      %sub3A_206 = vector.broadcast %sub3A_205 : f32 to vector<16xf32>
      %sub3A_207 = arith.subf %sub3A_206, %mul3A_204 : vector<16xf32>
      %mul3A_208 = arith.mulf %mul3A_199, %sub3A_207 : vector<16xf32>
      %swap3A_209 = arith.index_cast %add3A_168 : i32 to index
      %swap3A_210 = tpu.vector_load %arg11[%swap3A_209] {strides = array<i32>} : memref<640xf32, #tpu.memory_space<vmem>>, vector<16xf32>,
      tpu.vector_store %arg11[%swap3A_209], %mul3A_208 {strides = array<i32>} : memref<640xf32, #tpu.memory_space<vmem>>, vector<16xf32>,
      %mul3A_211 = arith.constant 8 : i32
      %mul3A_212 = arith.muli %scan3A_70, %mul3A_211 : i32
      %mul3A_213 = arith.constant 16 : i32
      %mul3A_214 = arith.muli %mul3A_212, %mul3A_213 : i32
      %add3A_215 = arith.constant 48 : i32
      %add3A_216 = arith.addi %mul3A_214, %add3A_215 : i32
      %get3A_217 = arith.index_cast %add3A_216 : i32 to index
      %get3A_218 = tpu.vector_load %arg10[%get3A_217] {strides = array<i32>} : memref<640xf32, #tpu.memory_space<vmem>>, vector<16xf32>,
      %add3A_219 = arith.constant 1.000000e+00 : f32
      %add3A_220 = vector.broadcast %add3A_219 : f32 to vector<16xf32>
      %add3A_221 = arith.addf %get3A_218, %add3A_220 : vector<16xf32>
      %bitcast_convert_type3A_222 = tpu.bitcast %add3A_221 : vector<16xf32> -> vector<16xi32>
      %shift_right_arithmetic3A_223 = arith.constant 1 : i32
      %shift_right_arithmetic3A_224 = vector.broadcast %shift_right_arithmetic3A_223 : i32 to vector<16xi32>
      %shift_right_arithmetic3A_225 = arith.shrsi %bitcast_convert_type3A_222, %shift_right_arithmetic3A_224 : vector<16xi32>
      %sub3A_226 = arith.constant 1597463007 : i32
      %sub3A_227 = vector.broadcast %sub3A_226 : i32 to vector<16xi32>
      %sub3A_228 = arith.subi %sub3A_227, %shift_right_arithmetic3A_225 : vector<16xi32>
      %bitcast_convert_type3A_229 = tpu.bitcast %sub3A_228 : vector<16xi32> -> vector<16xf32>
      %mul3A_230 = arith.constant 5.000000e-01 : f32
      %mul3A_231 = vector.broadcast %mul3A_230 : f32 to vector<16xf32>
      %mul3A_232 = arith.mulf %mul3A_231, %add3A_221 : vector<16xf32>
      %mul3A_233 = arith.mulf %mul3A_232, %bitcast_convert_type3A_229 : vector<16xf32>
      %mul3A_234 = arith.mulf %mul3A_233, %bitcast_convert_type3A_229 : vector<16xf32>
      %sub3A_235 = arith.constant 1.500000e+00 : f32
      %sub3A_236 = vector.broadcast %sub3A_235 : f32 to vector<16xf32>
      %sub3A_237 = arith.subf %sub3A_236, %mul3A_234 : vector<16xf32>
      %mul3A_238 = arith.mulf %bitcast_convert_type3A_229, %sub3A_237 : vector<16xf32>
      %mul3A_239 = arith.constant 5.000000e-01 : f32
      %mul3A_240 = vector.broadcast %mul3A_239 : f32 to vector<16xf32>
      %mul3A_241 = arith.mulf %mul3A_240, %add3A_221 : vector<16xf32>
      %mul3A_242 = arith.mulf %mul3A_241, %mul3A_238 : vector<16xf32>
      %mul3A_243 = arith.mulf %mul3A_242, %mul3A_238 : vector<16xf32>
      %sub3A_244 = arith.constant 1.500000e+00 : f32
      %sub3A_245 = vector.broadcast %sub3A_244 : f32 to vector<16xf32>
      %sub3A_246 = arith.subf %sub3A_245, %mul3A_243 : vector<16xf32>
      %mul3A_247 = arith.mulf %mul3A_238, %sub3A_246 : vector<16xf32>
      %mul3A_248 = arith.constant 5.000000e-01 : f32
      %mul3A_249 = vector.broadcast %mul3A_248 : f32 to vector<16xf32>
      %mul3A_250 = arith.mulf %mul3A_249, %add3A_221 : vector<16xf32>
      %mul3A_251 = arith.mulf %mul3A_250, %mul3A_247 : vector<16xf32>
      %mul3A_252 = arith.mulf %mul3A_251, %mul3A_247 : vector<16xf32>
      %sub3A_253 = arith.constant 1.500000e+00 : f32
      %sub3A_254 = vector.broadcast %sub3A_253 : f32 to vector<16xf32>
      %sub3A_255 = arith.subf %sub3A_254, %mul3A_252 : vector<16xf32>
      %mul3A_256 = arith.mulf %mul3A_247, %sub3A_255 : vector<16xf32>
      %swap3A_257 = arith.index_cast %add3A_216 : i32 to index
      %swap3A_258 = tpu.vector_load %arg11[%swap3A_257] {strides = array<i32>} : memref<640xf32, #tpu.memory_space<vmem>>, vector<16xf32>,
      tpu.vector_store %arg11[%swap3A_257], %mul3A_256 {strides = array<i32>} : memref<640xf32, #tpu.memory_space<vmem>>, vector<16xf32>,
      %mul3A_259 = arith.constant 8 : i32
      %mul3A_260 = arith.muli %scan3A_70, %mul3A_259 : i32
      %mul3A_261 = arith.constant 16 : i32
      %mul3A_262 = arith.muli %mul3A_260, %mul3A_261 : i32
      %add3A_263 = arith.constant 64 : i32
      %add3A_264 = arith.addi %mul3A_262, %add3A_263 : i32
      %get3A_265 = arith.index_cast %add3A_264 : i32 to index
      %get3A_266 = tpu.vector_load %arg10[%get3A_265] {strides = array<i32>} : memref<640xf32, #tpu.memory_space<vmem>>, vector<16xf32>,
      %add3A_267 = arith.constant 1.000000e+00 : f32
      %add3A_268 = vector.broadcast %add3A_267 : f32 to vector<16xf32>
      %add3A_269 = arith.addf %get3A_266, %add3A_268 : vector<16xf32>
      %bitcast_convert_type3A_270 = tpu.bitcast %add3A_269 : vector<16xf32> -> vector<16xi32>
      %shift_right_arithmetic3A_271 = arith.constant 1 : i32
      %shift_right_arithmetic3A_272 = vector.broadcast %shift_right_arithmetic3A_271 : i32 to vector<16xi32>
      %shift_right_arithmetic3A_273 = arith.shrsi %bitcast_convert_type3A_270, %shift_right_arithmetic3A_272 : vector<16xi32>
      %sub3A_274 = arith.constant 1597463007 : i32
      %sub3A_275 = vector.broadcast %sub3A_274 : i32 to vector<16xi32>
      %sub3A_276 = arith.subi %sub3A_275, %shift_right_arithmetic3A_273 : vector<16xi32>
      %bitcast_convert_type3A_277 = tpu.bitcast %sub3A_276 : vector<16xi32> -> vector<16xf32>
      %mul3A_278 = arith.constant 5.000000e-01 : f32
      %mul3A_279 = vector.broadcast %mul3A_278 : f32 to vector<16xf32>
      %mul3A_280 = arith.mulf %mul3A_279, %add3A_269 : vector<16xf32>
      %mul3A_281 = arith.mulf %mul3A_280, %bitcast_convert_type3A_277 : vector<16xf32>
      %mul3A_282 = arith.mulf %mul3A_281, %bitcast_convert_type3A_277 : vector<16xf32>
      %sub3A_283 = arith.constant 1.500000e+00 : f32
      %sub3A_284 = vector.broadcast %sub3A_283 : f32 to vector<16xf32>
      %sub3A_285 = arith.subf %sub3A_284, %mul3A_282 : vector<16xf32>
      %mul3A_286 = arith.mulf %bitcast_convert_type3A_277, %sub3A_285 : vector<16xf32>
      %mul3A_287 = arith.constant 5.000000e-01 : f32
      %mul3A_288 = vector.broadcast %mul3A_287 : f32 to vector<16xf32>
      %mul3A_289 = arith.mulf %mul3A_288, %add3A_269 : vector<16xf32>
      %mul3A_290 = arith.mulf %mul3A_289, %mul3A_286 : vector<16xf32>
      %mul3A_291 = arith.mulf %mul3A_290, %mul3A_286 : vector<16xf32>
      %sub3A_292 = arith.constant 1.500000e+00 : f32
      %sub3A_293 = vector.broadcast %sub3A_292 : f32 to vector<16xf32>
      %sub3A_294 = arith.subf %sub3A_293, %mul3A_291 : vector<16xf32>
      %mul3A_295 = arith.mulf %mul3A_286, %sub3A_294 : vector<16xf32>
      %mul3A_296 = arith.constant 5.000000e-01 : f32
      %mul3A_297 = vector.broadcast %mul3A_296 : f32 to vector<16xf32>
      %mul3A_298 = arith.mulf %mul3A_297, %add3A_269 : vector<16xf32>
      %mul3A_299 = arith.mulf %mul3A_298, %mul3A_295 : vector<16xf32>
      %mul3A_300 = arith.mulf %mul3A_299, %mul3A_295 : vector<16xf32>
      %sub3A_301 = arith.constant 1.500000e+00 : f32
      %sub3A_302 = vector.broadcast %sub3A_301 : f32 to vector<16xf32>
      %sub3A_303 = arith.subf %sub3A_302, %mul3A_300 : vector<16xf32>
      %mul3A_304 = arith.mulf %mul3A_295, %sub3A_303 : vector<16xf32>
      %swap3A_305 = arith.index_cast %add3A_264 : i32 to index
      %swap3A_306 = tpu.vector_load %arg11[%swap3A_305] {strides = array<i32>} : memref<640xf32, #tpu.memory_space<vmem>>, vector<16xf32>,
      tpu.vector_store %arg11[%swap3A_305], %mul3A_304 {strides = array<i32>} : memref<640xf32, #tpu.memory_space<vmem>>, vector<16xf32>,
      %mul3A_307 = arith.constant 8 : i32
      %mul3A_308 = arith.muli %scan3A_70, %mul3A_307 : i32
      %mul3A_309 = arith.constant 16 : i32
      %mul3A_310 = arith.muli %mul3A_308, %mul3A_309 : i32
      %add3A_311 = arith.constant 80 : i32
      %add3A_312 = arith.addi %mul3A_310, %add3A_311 : i32
      %get3A_313 = arith.index_cast %add3A_312 : i32 to index
      %get3A_314 = tpu.vector_load %arg10[%get3A_313] {strides = array<i32>} : memref<640xf32, #tpu.memory_space<vmem>>, vector<16xf32>,
      %add3A_315 = arith.constant 1.000000e+00 : f32
      %add3A_316 = vector.broadcast %add3A_315 : f32 to vector<16xf32>
      %add3A_317 = arith.addf %get3A_314, %add3A_316 : vector<16xf32>
      %bitcast_convert_type3A_318 = tpu.bitcast %add3A_317 : vector<16xf32> -> vector<16xi32>
      %shift_right_arithmetic3A_319 = arith.constant 1 : i32
      %shift_right_arithmetic3A_320 = vector.broadcast %shift_right_arithmetic3A_319 : i32 to vector<16xi32>
      %shift_right_arithmetic3A_321 = arith.shrsi %bitcast_convert_type3A_318, %shift_right_arithmetic3A_320 : vector<16xi32>
      %sub3A_322 = arith.constant 1597463007 : i32
      %sub3A_323 = vector.broadcast %sub3A_322 : i32 to vector<16xi32>
      %sub3A_324 = arith.subi %sub3A_323, %shift_right_arithmetic3A_321 : vector<16xi32>
      %bitcast_convert_type3A_325 = tpu.bitcast %sub3A_324 : vector<16xi32> -> vector<16xf32>
      %mul3A_326 = arith.constant 5.000000e-01 : f32
      %mul3A_327 = vector.broadcast %mul3A_326 : f32 to vector<16xf32>
      %mul3A_328 = arith.mulf %mul3A_327, %add3A_317 : vector<16xf32>
      %mul3A_329 = arith.mulf %mul3A_328, %bitcast_convert_type3A_325 : vector<16xf32>
      %mul3A_330 = arith.mulf %mul3A_329, %bitcast_convert_type3A_325 : vector<16xf32>
      %sub3A_331 = arith.constant 1.500000e+00 : f32
      %sub3A_332 = vector.broadcast %sub3A_331 : f32 to vector<16xf32>
      %sub3A_333 = arith.subf %sub3A_332, %mul3A_330 : vector<16xf32>
      %mul3A_334 = arith.mulf %bitcast_convert_type3A_325, %sub3A_333 : vector<16xf32>
      %mul3A_335 = arith.constant 5.000000e-01 : f32
      %mul3A_336 = vector.broadcast %mul3A_335 : f32 to vector<16xf32>
      %mul3A_337 = arith.mulf %mul3A_336, %add3A_317 : vector<16xf32>
      %mul3A_338 = arith.mulf %mul3A_337, %mul3A_334 : vector<16xf32>
      %mul3A_339 = arith.mulf %mul3A_338, %mul3A_334 : vector<16xf32>
      %sub3A_340 = arith.constant 1.500000e+00 : f32
      %sub3A_341 = vector.broadcast %sub3A_340 : f32 to vector<16xf32>
      %sub3A_342 = arith.subf %sub3A_341, %mul3A_339 : vector<16xf32>
      %mul3A_343 = arith.mulf %mul3A_334, %sub3A_342 : vector<16xf32>
      %mul3A_344 = arith.constant 5.000000e-01 : f32
      %mul3A_345 = vector.broadcast %mul3A_344 : f32 to vector<16xf32>
      %mul3A_346 = arith.mulf %mul3A_345, %add3A_317 : vector<16xf32>
      %mul3A_347 = arith.mulf %mul3A_346, %mul3A_343 : vector<16xf32>
      %mul3A_348 = arith.mulf %mul3A_347, %mul3A_343 : vector<16xf32>
      %sub3A_349 = arith.constant 1.500000e+00 : f32
      %sub3A_350 = vector.broadcast %sub3A_349 : f32 to vector<16xf32>
      %sub3A_351 = arith.subf %sub3A_350, %mul3A_348 : vector<16xf32>
      %mul3A_352 = arith.mulf %mul3A_343, %sub3A_351 : vector<16xf32>
      %swap3A_353 = arith.index_cast %add3A_312 : i32 to index
      %swap3A_354 = tpu.vector_load %arg11[%swap3A_353] {strides = array<i32>} : memref<640xf32, #tpu.memory_space<vmem>>, vector<16xf32>,
      tpu.vector_store %arg11[%swap3A_353], %mul3A_352 {strides = array<i32>} : memref<640xf32, #tpu.memory_space<vmem>>, vector<16xf32>,
      %mul3A_355 = arith.constant 8 : i32
      %mul3A_356 = arith.muli %scan3A_70, %mul3A_355 : i32
      %mul3A_357 = arith.constant 16 : i32
      %mul3A_358 = arith.muli %mul3A_356, %mul3A_357 : i32
      %add3A_359 = arith.constant 96 : i32
      %add3A_360 = arith.addi %mul3A_358, %add3A_359 : i32
      %get3A_361 = arith.index_cast %add3A_360 : i32 to index
      %get3A_362 = tpu.vector_load %arg10[%get3A_361] {strides = array<i32>} : memref<640xf32, #tpu.memory_space<vmem>>, vector<16xf32>,
      %add3A_363 = arith.constant 1.000000e+00 : f32
      %add3A_364 = vector.broadcast %add3A_363 : f32 to vector<16xf32>
      %add3A_365 = arith.addf %get3A_362, %add3A_364 : vector<16xf32>
      %bitcast_convert_type3A_366 = tpu.bitcast %add3A_365 : vector<16xf32> -> vector<16xi32>
      %shift_right_arithmetic3A_367 = arith.constant 1 : i32
      %shift_right_arithmetic3A_368 = vector.broadcast %shift_right_arithmetic3A_367 : i32 to vector<16xi32>
      %shift_right_arithmetic3A_369 = arith.shrsi %bitcast_convert_type3A_366, %shift_right_arithmetic3A_368 : vector<16xi32>
      %sub3A_370 = arith.constant 1597463007 : i32
      %sub3A_371 = vector.broadcast %sub3A_370 : i32 to vector<16xi32>
      %sub3A_372 = arith.subi %sub3A_371, %shift_right_arithmetic3A_369 : vector<16xi32>
      %bitcast_convert_type3A_373 = tpu.bitcast %sub3A_372 : vector<16xi32> -> vector<16xf32>
      %mul3A_374 = arith.constant 5.000000e-01 : f32
      %mul3A_375 = vector.broadcast %mul3A_374 : f32 to vector<16xf32>
      %mul3A_376 = arith.mulf %mul3A_375, %add3A_365 : vector<16xf32>
      %mul3A_377 = arith.mulf %mul3A_376, %bitcast_convert_type3A_373 : vector<16xf32>
      %mul3A_378 = arith.mulf %mul3A_377, %bitcast_convert_type3A_373 : vector<16xf32>
      %sub3A_379 = arith.constant 1.500000e+00 : f32
      %sub3A_380 = vector.broadcast %sub3A_379 : f32 to vector<16xf32>
      %sub3A_381 = arith.subf %sub3A_380, %mul3A_378 : vector<16xf32>
      %mul3A_382 = arith.mulf %bitcast_convert_type3A_373, %sub3A_381 : vector<16xf32>
      %mul3A_383 = arith.constant 5.000000e-01 : f32
      %mul3A_384 = vector.broadcast %mul3A_383 : f32 to vector<16xf32>
      %mul3A_385 = arith.mulf %mul3A_384, %add3A_365 : vector<16xf32>
      %mul3A_386 = arith.mulf %mul3A_385, %mul3A_382 : vector<16xf32>
      %mul3A_387 = arith.mulf %mul3A_386, %mul3A_382 : vector<16xf32>
      %sub3A_388 = arith.constant 1.500000e+00 : f32
      %sub3A_389 = vector.broadcast %sub3A_388 : f32 to vector<16xf32>
      %sub3A_390 = arith.subf %sub3A_389, %mul3A_387 : vector<16xf32>
      %mul3A_391 = arith.mulf %mul3A_382, %sub3A_390 : vector<16xf32>
      %mul3A_392 = arith.constant 5.000000e-01 : f32
      %mul3A_393 = vector.broadcast %mul3A_392 : f32 to vector<16xf32>
      %mul3A_394 = arith.mulf %mul3A_393, %add3A_365 : vector<16xf32>
      %mul3A_395 = arith.mulf %mul3A_394, %mul3A_391 : vector<16xf32>
      %mul3A_396 = arith.mulf %mul3A_395, %mul3A_391 : vector<16xf32>
      %sub3A_397 = arith.constant 1.500000e+00 : f32
      %sub3A_398 = vector.broadcast %sub3A_397 : f32 to vector<16xf32>
      %sub3A_399 = arith.subf %sub3A_398, %mul3A_396 : vector<16xf32>
      %mul3A_400 = arith.mulf %mul3A_391, %sub3A_399 : vector<16xf32>
      %swap3A_401 = arith.index_cast %add3A_360 : i32 to index
      %swap3A_402 = tpu.vector_load %arg11[%swap3A_401] {strides = array<i32>} : memref<640xf32, #tpu.memory_space<vmem>>, vector<16xf32>,
      tpu.vector_store %arg11[%swap3A_401], %mul3A_400 {strides = array<i32>} : memref<640xf32, #tpu.memory_space<vmem>>, vector<16xf32>,
      %mul3A_403 = arith.constant 8 : i32
      %mul3A_404 = arith.muli %scan3A_70, %mul3A_403 : i32
      %mul3A_405 = arith.constant 16 : i32
      %mul3A_406 = arith.muli %mul3A_404, %mul3A_405 : i32
      %add3A_407 = arith.constant 112 : i32
      %add3A_408 = arith.addi %mul3A_406, %add3A_407 : i32
      %get3A_409 = arith.index_cast %add3A_408 : i32 to index
      %get3A_410 = tpu.vector_load %arg10[%get3A_409] {strides = array<i32>} : memref<640xf32, #tpu.memory_space<vmem>>, vector<16xf32>,
      %add3A_411 = arith.constant 1.000000e+00 : f32
      %add3A_412 = vector.broadcast %add3A_411 : f32 to vector<16xf32>
      %add3A_413 = arith.addf %get3A_410, %add3A_412 : vector<16xf32>
      %bitcast_convert_type3A_414 = tpu.bitcast %add3A_413 : vector<16xf32> -> vector<16xi32>
      %shift_right_arithmetic3A_415 = arith.constant 1 : i32
      %shift_right_arithmetic3A_416 = vector.broadcast %shift_right_arithmetic3A_415 : i32 to vector<16xi32>
      %shift_right_arithmetic3A_417 = arith.shrsi %bitcast_convert_type3A_414, %shift_right_arithmetic3A_416 : vector<16xi32>
      %sub3A_418 = arith.constant 1597463007 : i32
      %sub3A_419 = vector.broadcast %sub3A_418 : i32 to vector<16xi32>
      %sub3A_420 = arith.subi %sub3A_419, %shift_right_arithmetic3A_417 : vector<16xi32>
      %bitcast_convert_type3A_421 = tpu.bitcast %sub3A_420 : vector<16xi32> -> vector<16xf32>
      %mul3A_422 = arith.constant 5.000000e-01 : f32
      %mul3A_423 = vector.broadcast %mul3A_422 : f32 to vector<16xf32>
      %mul3A_424 = arith.mulf %mul3A_423, %add3A_413 : vector<16xf32>
      %mul3A_425 = arith.mulf %mul3A_424, %bitcast_convert_type3A_421 : vector<16xf32>
      %mul3A_426 = arith.mulf %mul3A_425, %bitcast_convert_type3A_421 : vector<16xf32>
      %sub3A_427 = arith.constant 1.500000e+00 : f32
      %sub3A_428 = vector.broadcast %sub3A_427 : f32 to vector<16xf32>
      %sub3A_429 = arith.subf %sub3A_428, %mul3A_426 : vector<16xf32>
      %mul3A_430 = arith.mulf %bitcast_convert_type3A_421, %sub3A_429 : vector<16xf32>
      %mul3A_431 = arith.constant 5.000000e-01 : f32
      %mul3A_432 = vector.broadcast %mul3A_431 : f32 to vector<16xf32>
      %mul3A_433 = arith.mulf %mul3A_432, %add3A_413 : vector<16xf32>
      %mul3A_434 = arith.mulf %mul3A_433, %mul3A_430 : vector<16xf32>
      %mul3A_435 = arith.mulf %mul3A_434, %mul3A_430 : vector<16xf32>
      %sub3A_436 = arith.constant 1.500000e+00 : f32
      %sub3A_437 = vector.broadcast %sub3A_436 : f32 to vector<16xf32>
      %sub3A_438 = arith.subf %sub3A_437, %mul3A_435 : vector<16xf32>
      %mul3A_439 = arith.mulf %mul3A_430, %sub3A_438 : vector<16xf32>
      %mul3A_440 = arith.constant 5.000000e-01 : f32
      %mul3A_441 = vector.broadcast %mul3A_440 : f32 to vector<16xf32>
      %mul3A_442 = arith.mulf %mul3A_441, %add3A_413 : vector<16xf32>
      %mul3A_443 = arith.mulf %mul3A_442, %mul3A_439 : vector<16xf32>
      %mul3A_444 = arith.mulf %mul3A_443, %mul3A_439 : vector<16xf32>
      %sub3A_445 = arith.constant 1.500000e+00 : f32
      %sub3A_446 = vector.broadcast %sub3A_445 : f32 to vector<16xf32>
      %sub3A_447 = arith.subf %sub3A_446, %mul3A_444 : vector<16xf32>
      %mul3A_448 = arith.mulf %mul3A_439, %sub3A_447 : vector<16xf32>
      %swap3A_449 = arith.index_cast %add3A_408 : i32 to index
      %swap3A_450 = tpu.vector_load %arg11[%swap3A_449] {strides = array<i32>} : memref<640xf32, #tpu.memory_space<vmem>>, vector<16xf32>,
      tpu.vector_store %arg11[%swap3A_449], %mul3A_448 {strides = array<i32>} : memref<640xf32, #tpu.memory_space<vmem>>, vector<16xf32>,
    }
    %scan3A_49 = arith.constant 5 : i32
    "tpu.region"() ({
      %run_scoped3A = tpu.sem_alloc : memref<!tpu.dma_semaphore, #tpu.memory_space<semaphore_mem>>
      %dma_start3A_70 = tpu.memref_slice %arg13[%mul3A_21] : memref<10240xf32, #tpu.memory_space<vmem_shared>> -> memref<640xf32, #tpu.memory_space<vmem_shared>>
      %dma_start3A_71 = tpu.memref_slice %arg13[%mul3A_21] : memref<10240xf32, #tpu.memory_space<vmem_shared>> -> memref<640xf32, #tpu.memory_space<vmem_shared>>
      tpu.enqueue_dma source(%arg11 : memref<640xf32, #tpu.memory_space<vmem>>) target(%dma_start3A_71 : memref<640xf32, #tpu.memory_space<vmem_shared>>) target_semaphore(%run_scoped3A : memref<!tpu.dma_semaphore, #tpu.memory_space<semaphore_mem>>)
      %dma_wait3A_72 = tpu.memref_slice %arg13[%mul3A_21] : memref<10240xf32, #tpu.memory_space<vmem_shared>> -> memref<640xf32, #tpu.memory_space<vmem_shared>>
      %dma_wait3A_73 = tpu.memref_slice %arg13[%mul3A_21] : memref<10240xf32, #tpu.memory_space<vmem_shared>> -> memref<640xf32, #tpu.memory_space<vmem_shared>>
      tpu.wait_dma2 semaphore(%run_scoped3A : memref<!tpu.dma_semaphore, #tpu.memory_space<semaphore_mem>>) src(%arg11 : memref<640xf32, #tpu.memory_space<vmem>>) dst(%dma_wait3A_73 : memref<640xf32, #tpu.memory_space<vmem_shared>>)
      tpu.yield
    }) : () -> ()
    %eq3A = arith.constant 0 : i32
    %eq3A_50 = arith.cmpi eq, %arg0, %eq3A : i32
    %convert_element_type3A = arith.extui %eq3A_50 : i1 to i32
    %cond3A = arith.constant 0 : i32
    %cond3A_51 = arith.cmpi ne, %convert_element_type3A, %cond3A : i32
    scf.if %cond3A_51 {
      "tpu.region"() ({
        %run_scoped3A = tpu.sem_alloc : memref<!tpu.dma_semaphore, #tpu.memory_space<semaphore_mem>>
        %dma_start3A_70 = tpu.memref_slice %arg3[%mul3A_21] : memref<10240xf32, #tpu.memory_space<hbm>> -> memref<640xf32, #tpu.memory_space<hbm>>
        %dma_start3A_71 = tpu.memref_slice %arg3[%mul3A_21] : memref<10240xf32, #tpu.memory_space<hbm>> -> memref<640xf32, #tpu.memory_space<hbm>>
        tpu.enqueue_dma source(%arg11 : memref<640xf32, #tpu.memory_space<vmem>>) target(%dma_start3A_71 : memref<640xf32, #tpu.memory_space<hbm>>) target_semaphore(%run_scoped3A : memref<!tpu.dma_semaphore, #tpu.memory_space<semaphore_mem>>)
        %dma_wait3A_72 = tpu.memref_slice %arg3[%mul3A_21] : memref<10240xf32, #tpu.memory_space<hbm>> -> memref<640xf32, #tpu.memory_space<hbm>>
        %dma_wait3A_73 = tpu.memref_slice %arg3[%mul3A_21] : memref<10240xf32, #tpu.memory_space<hbm>> -> memref<640xf32, #tpu.memory_space<hbm>>
        tpu.wait_dma2 semaphore(%run_scoped3A : memref<!tpu.dma_semaphore, #tpu.memory_space<semaphore_mem>>) src(%arg11 : memref<640xf32, #tpu.memory_space<vmem>>) dst(%dma_wait3A_73 : memref<640xf32, #tpu.memory_space<hbm>>)
        tpu.yield
      }) : () -> ()
    } else {
    }
    %barrier3A_52 = arith.constant 0 : index
    tpu.barrier barrier_id(%barrier3A_52)
    "tpu.region"() ({
      %run_scoped3A = tpu.sem_alloc : memref<!tpu.dma_semaphore, #tpu.memory_space<semaphore_mem>>
      tpu.enqueue_dma source(%arg13 : memref<10240xf32, #tpu.memory_space<vmem_shared>>) target(%arg8 : memref<10240xf32, #tpu.memory_space<vmem>>) target_semaphore(%run_scoped3A : memref<!tpu.dma_semaphore, #tpu.memory_space<semaphore_mem>>)
      tpu.wait_dma2 semaphore(%run_scoped3A : memref<!tpu.dma_semaphore, #tpu.memory_space<semaphore_mem>>) src(%arg13 : memref<10240xf32, #tpu.memory_space<vmem_shared>>) dst(%arg8 : memref<10240xf32, #tpu.memory_space<vmem>>)
      tpu.yield
    }) : () -> ()
    %mul3A_53 = arith.constant 10000 : i32
    %mul3A_54 = arith.muli %arg0, %mul3A_53 : i32
    %add3A = arith.addi %sub3A_19, %mul3A_54 : i32
    %scan3A_55 = arith.constant 0 : i32
    %scan3A_56 = arith.constant 25 : i32
    %scan3A_57 = arith.addi %scan3A_55, %scan3A_56 : i32
    %scan3A_58 = arith.constant 1 : i32
    scf.for %scan3A_70 = %scan3A_55 to %scan3A_57 step %scan3A_58  : i32 {
      %mul3A_71 = arith.constant 25 : i32
      %mul3A_72 = arith.muli %scan3A_70, %mul3A_71 : i32
      %mul3A_73 = arith.constant 16 : i32
      %mul3A_74 = arith.muli %mul3A_72, %mul3A_73 : i32
      %add3A_75 = arith.addi %add3A, %mul3A_74 : i32
      %add3A_76 = arith.constant 0 : i32
      %add3A_77 = arith.addi %add3A_75, %add3A_76 : i32
      %get3A = arith.constant 0 : i32
      %get3A_78 = arith.index_cast %get3A : i32 to index
      %get3A_79 = arith.index_cast %add3A_77 : i32 to index
      %get3A_80 = tpu.vector_load %arg5[%get3A_78, %get3A_79] {strides = array<i32>} : memref<2x20096xi32, #tpu.memory_space<vmem>>, vector<16xi32>,
      %get3A_81 = arith.constant 1 : i32
      %get3A_82 = arith.index_cast %get3A_81 : i32 to index
      %get3A_83 = arith.index_cast %add3A_77 : i32 to index
      %get3A_84 = tpu.vector_load %arg5[%get3A_82, %get3A_83] {strides = array<i32>} : memref<2x20096xi32, #tpu.memory_space<vmem>>, vector<16xi32>,
      %gather3A = tpu.vector_load_idx %arg8[%get3A_84] : memref<10240xf32, #tpu.memory_space<vmem>>[vector<16xi32>], vector<16xf32>,
      %ne3A_85 = arith.cmpi ne, %get3A_80, %get3A_84 : vector<16xi32>
      tpu.vector_store_idx %arg7[%get3A_80], %gather3A masked %ne3A_85 {add = true} : memref<10240xf32, #tpu.memory_space<vmem>>[vector<16xi32>], vector<16xf32>, vector<16xi1>
      %mul3A_86 = arith.constant 25 : i32
      %mul3A_87 = arith.muli %scan3A_70, %mul3A_86 : i32
      %mul3A_88 = arith.constant 16 : i32
      %mul3A_89 = arith.muli %mul3A_87, %mul3A_88 : i32
      %add3A_90 = arith.addi %add3A, %mul3A_89 : i32
      %add3A_91 = arith.constant 16 : i32
      %add3A_92 = arith.addi %add3A_90, %add3A_91 : i32
      %get3A_93 = arith.constant 0 : i32
      %get3A_94 = arith.index_cast %get3A_93 : i32 to index
      %get3A_95 = arith.index_cast %add3A_92 : i32 to index
      %get3A_96 = tpu.vector_load %arg5[%get3A_94, %get3A_95] {strides = array<i32>} : memref<2x20096xi32, #tpu.memory_space<vmem>>, vector<16xi32>,
      %get3A_97 = arith.constant 1 : i32
      %get3A_98 = arith.index_cast %get3A_97 : i32 to index
      %get3A_99 = arith.index_cast %add3A_92 : i32 to index
      %get3A_100 = tpu.vector_load %arg5[%get3A_98, %get3A_99] {strides = array<i32>} : memref<2x20096xi32, #tpu.memory_space<vmem>>, vector<16xi32>,
      %gather3A_101 = tpu.vector_load_idx %arg8[%get3A_100] : memref<10240xf32, #tpu.memory_space<vmem>>[vector<16xi32>], vector<16xf32>,
      %ne3A_102 = arith.cmpi ne, %get3A_96, %get3A_100 : vector<16xi32>
      tpu.vector_store_idx %arg7[%get3A_96], %gather3A_101 masked %ne3A_102 {add = true} : memref<10240xf32, #tpu.memory_space<vmem>>[vector<16xi32>], vector<16xf32>, vector<16xi1>
      %mul3A_103 = arith.constant 25 : i32
      %mul3A_104 = arith.muli %scan3A_70, %mul3A_103 : i32
      %mul3A_105 = arith.constant 16 : i32
      %mul3A_106 = arith.muli %mul3A_104, %mul3A_105 : i32
      %add3A_107 = arith.addi %add3A, %mul3A_106 : i32
      %add3A_108 = arith.constant 32 : i32
      %add3A_109 = arith.addi %add3A_107, %add3A_108 : i32
      %get3A_110 = arith.constant 0 : i32
      %get3A_111 = arith.index_cast %get3A_110 : i32 to index
      %get3A_112 = arith.index_cast %add3A_109 : i32 to index
      %get3A_113 = tpu.vector_load %arg5[%get3A_111, %get3A_112] {strides = array<i32>} : memref<2x20096xi32, #tpu.memory_space<vmem>>, vector<16xi32>,
      %get3A_114 = arith.constant 1 : i32
      %get3A_115 = arith.index_cast %get3A_114 : i32 to index
      %get3A_116 = arith.index_cast %add3A_109 : i32 to index
      %get3A_117 = tpu.vector_load %arg5[%get3A_115, %get3A_116] {strides = array<i32>} : memref<2x20096xi32, #tpu.memory_space<vmem>>, vector<16xi32>,
      %gather3A_118 = tpu.vector_load_idx %arg8[%get3A_117] : memref<10240xf32, #tpu.memory_space<vmem>>[vector<16xi32>], vector<16xf32>,
      %ne3A_119 = arith.cmpi ne, %get3A_113, %get3A_117 : vector<16xi32>
      tpu.vector_store_idx %arg7[%get3A_113], %gather3A_118 masked %ne3A_119 {add = true} : memref<10240xf32, #tpu.memory_space<vmem>>[vector<16xi32>], vector<16xf32>, vector<16xi1>
      %mul3A_120 = arith.constant 25 : i32
      %mul3A_121 = arith.muli %scan3A_70, %mul3A_120 : i32
      %mul3A_122 = arith.constant 16 : i32
      %mul3A_123 = arith.muli %mul3A_121, %mul3A_122 : i32
      %add3A_124 = arith.addi %add3A, %mul3A_123 : i32
      %add3A_125 = arith.constant 48 : i32
      %add3A_126 = arith.addi %add3A_124, %add3A_125 : i32
      %get3A_127 = arith.constant 0 : i32
      %get3A_128 = arith.index_cast %get3A_127 : i32 to index
      %get3A_129 = arith.index_cast %add3A_126 : i32 to index
      %get3A_130 = tpu.vector_load %arg5[%get3A_128, %get3A_129] {strides = array<i32>} : memref<2x20096xi32, #tpu.memory_space<vmem>>, vector<16xi32>,
      %get3A_131 = arith.constant 1 : i32
      %get3A_132 = arith.index_cast %get3A_131 : i32 to index
      %get3A_133 = arith.index_cast %add3A_126 : i32 to index
      %get3A_134 = tpu.vector_load %arg5[%get3A_132, %get3A_133] {strides = array<i32>} : memref<2x20096xi32, #tpu.memory_space<vmem>>, vector<16xi32>,
      %gather3A_135 = tpu.vector_load_idx %arg8[%get3A_134] : memref<10240xf32, #tpu.memory_space<vmem>>[vector<16xi32>], vector<16xf32>,
      %ne3A_136 = arith.cmpi ne, %get3A_130, %get3A_134 : vector<16xi32>
      tpu.vector_store_idx %arg7[%get3A_130], %gather3A_135 masked %ne3A_136 {add = true} : memref<10240xf32, #tpu.memory_space<vmem>>[vector<16xi32>], vector<16xf32>, vector<16xi1>
      %mul3A_137 = arith.constant 25 : i32
      %mul3A_138 = arith.muli %scan3A_70, %mul3A_137 : i32
      %mul3A_139 = arith.constant 16 : i32
      %mul3A_140 = arith.muli %mul3A_138, %mul3A_139 : i32
      %add3A_141 = arith.addi %add3A, %mul3A_140 : i32
      %add3A_142 = arith.constant 64 : i32
      %add3A_143 = arith.addi %add3A_141, %add3A_142 : i32
      %get3A_144 = arith.constant 0 : i32
      %get3A_145 = arith.index_cast %get3A_144 : i32 to index
      %get3A_146 = arith.index_cast %add3A_143 : i32 to index
      %get3A_147 = tpu.vector_load %arg5[%get3A_145, %get3A_146] {strides = array<i32>} : memref<2x20096xi32, #tpu.memory_space<vmem>>, vector<16xi32>,
      %get3A_148 = arith.constant 1 : i32
      %get3A_149 = arith.index_cast %get3A_148 : i32 to index
      %get3A_150 = arith.index_cast %add3A_143 : i32 to index
      %get3A_151 = tpu.vector_load %arg5[%get3A_149, %get3A_150] {strides = array<i32>} : memref<2x20096xi32, #tpu.memory_space<vmem>>, vector<16xi32>,
      %gather3A_152 = tpu.vector_load_idx %arg8[%get3A_151] : memref<10240xf32, #tpu.memory_space<vmem>>[vector<16xi32>], vector<16xf32>,
      %ne3A_153 = arith.cmpi ne, %get3A_147, %get3A_151 : vector<16xi32>
      tpu.vector_store_idx %arg7[%get3A_147], %gather3A_152 masked %ne3A_153 {add = true} : memref<10240xf32, #tpu.memory_space<vmem>>[vector<16xi32>], vector<16xf32>, vector<16xi1>
      %mul3A_154 = arith.constant 25 : i32
      %mul3A_155 = arith.muli %scan3A_70, %mul3A_154 : i32
      %mul3A_156 = arith.constant 16 : i32
      %mul3A_157 = arith.muli %mul3A_155, %mul3A_156 : i32
      %add3A_158 = arith.addi %add3A, %mul3A_157 : i32
      %add3A_159 = arith.constant 80 : i32
      %add3A_160 = arith.addi %add3A_158, %add3A_159 : i32
      %get3A_161 = arith.constant 0 : i32
      %get3A_162 = arith.index_cast %get3A_161 : i32 to index
      %get3A_163 = arith.index_cast %add3A_160 : i32 to index
      %get3A_164 = tpu.vector_load %arg5[%get3A_162, %get3A_163] {strides = array<i32>} : memref<2x20096xi32, #tpu.memory_space<vmem>>, vector<16xi32>,
      %get3A_165 = arith.constant 1 : i32
      %get3A_166 = arith.index_cast %get3A_165 : i32 to index
      %get3A_167 = arith.index_cast %add3A_160 : i32 to index
      %get3A_168 = tpu.vector_load %arg5[%get3A_166, %get3A_167] {strides = array<i32>} : memref<2x20096xi32, #tpu.memory_space<vmem>>, vector<16xi32>,
      %gather3A_169 = tpu.vector_load_idx %arg8[%get3A_168] : memref<10240xf32, #tpu.memory_space<vmem>>[vector<16xi32>], vector<16xf32>,
      %ne3A_170 = arith.cmpi ne, %get3A_164, %get3A_168 : vector<16xi32>
      tpu.vector_store_idx %arg7[%get3A_164], %gather3A_169 masked %ne3A_170 {add = true} : memref<10240xf32, #tpu.memory_space<vmem>>[vector<16xi32>], vector<16xf32>, vector<16xi1>
      %mul3A_171 = arith.constant 25 : i32
      %mul3A_172 = arith.muli %scan3A_70, %mul3A_171 : i32
      %mul3A_173 = arith.constant 16 : i32
      %mul3A_174 = arith.muli %mul3A_172, %mul3A_173 : i32
      %add3A_175 = arith.addi %add3A, %mul3A_174 : i32
      %add3A_176 = arith.constant 96 : i32
      %add3A_177 = arith.addi %add3A_175, %add3A_176 : i32
      %get3A_178 = arith.constant 0 : i32
      %get3A_179 = arith.index_cast %get3A_178 : i32 to index
      %get3A_180 = arith.index_cast %add3A_177 : i32 to index
      %get3A_181 = tpu.vector_load %arg5[%get3A_179, %get3A_180] {strides = array<i32>} : memref<2x20096xi32, #tpu.memory_space<vmem>>, vector<16xi32>,
      %get3A_182 = arith.constant 1 : i32
      %get3A_183 = arith.index_cast %get3A_182 : i32 to index
      %get3A_184 = arith.index_cast %add3A_177 : i32 to index
      %get3A_185 = tpu.vector_load %arg5[%get3A_183, %get3A_184] {strides = array<i32>} : memref<2x20096xi32, #tpu.memory_space<vmem>>, vector<16xi32>,
      %gather3A_186 = tpu.vector_load_idx %arg8[%get3A_185] : memref<10240xf32, #tpu.memory_space<vmem>>[vector<16xi32>], vector<16xf32>,
      %ne3A_187 = arith.cmpi ne, %get3A_181, %get3A_185 : vector<16xi32>
      tpu.vector_store_idx %arg7[%get3A_181], %gather3A_186 masked %ne3A_187 {add = true} : memref<10240xf32, #tpu.memory_space<vmem>>[vector<16xi32>], vector<16xf32>, vector<16xi1>
      %mul3A_188 = arith.constant 25 : i32
      %mul3A_189 = arith.muli %scan3A_70, %mul3A_188 : i32
      %mul3A_190 = arith.constant 16 : i32
      %mul3A_191 = arith.muli %mul3A_189, %mul3A_190 : i32
      %add3A_192 = arith.addi %add3A, %mul3A_191 : i32
      %add3A_193 = arith.constant 112 : i32
      %add3A_194 = arith.addi %add3A_192, %add3A_193 : i32
      %get3A_195 = arith.constant 0 : i32
      %get3A_196 = arith.index_cast %get3A_195 : i32 to index
      %get3A_197 = arith.index_cast %add3A_194 : i32 to index
      %get3A_198 = tpu.vector_load %arg5[%get3A_196, %get3A_197] {strides = array<i32>} : memref<2x20096xi32, #tpu.memory_space<vmem>>, vector<16xi32>,
      %get3A_199 = arith.constant 1 : i32
      %get3A_200 = arith.index_cast %get3A_199 : i32 to index
      %get3A_201 = arith.index_cast %add3A_194 : i32 to index
      %get3A_202 = tpu.vector_load %arg5[%get3A_200, %get3A_201] {strides = array<i32>} : memref<2x20096xi32, #tpu.memory_space<vmem>>, vector<16xi32>,
      %gather3A_203 = tpu.vector_load_idx %arg8[%get3A_202] : memref<10240xf32, #tpu.memory_space<vmem>>[vector<16xi32>], vector<16xf32>,
      %ne3A_204 = arith.cmpi ne, %get3A_198, %get3A_202 : vector<16xi32>
      tpu.vector_store_idx %arg7[%get3A_198], %gather3A_203 masked %ne3A_204 {add = true} : memref<10240xf32, #tpu.memory_space<vmem>>[vector<16xi32>], vector<16xf32>, vector<16xi1>
      %mul3A_205 = arith.constant 25 : i32
      %mul3A_206 = arith.muli %scan3A_70, %mul3A_205 : i32
      %mul3A_207 = arith.constant 16 : i32
      %mul3A_208 = arith.muli %mul3A_206, %mul3A_207 : i32
      %add3A_209 = arith.addi %add3A, %mul3A_208 : i32
      %add3A_210 = arith.constant 128 : i32
      %add3A_211 = arith.addi %add3A_209, %add3A_210 : i32
      %get3A_212 = arith.constant 0 : i32
      %get3A_213 = arith.index_cast %get3A_212 : i32 to index
      %get3A_214 = arith.index_cast %add3A_211 : i32 to index
      %get3A_215 = tpu.vector_load %arg5[%get3A_213, %get3A_214] {strides = array<i32>} : memref<2x20096xi32, #tpu.memory_space<vmem>>, vector<16xi32>,
      %get3A_216 = arith.constant 1 : i32
      %get3A_217 = arith.index_cast %get3A_216 : i32 to index
      %get3A_218 = arith.index_cast %add3A_211 : i32 to index
      %get3A_219 = tpu.vector_load %arg5[%get3A_217, %get3A_218] {strides = array<i32>} : memref<2x20096xi32, #tpu.memory_space<vmem>>, vector<16xi32>,
      %gather3A_220 = tpu.vector_load_idx %arg8[%get3A_219] : memref<10240xf32, #tpu.memory_space<vmem>>[vector<16xi32>], vector<16xf32>,
      %ne3A_221 = arith.cmpi ne, %get3A_215, %get3A_219 : vector<16xi32>
      tpu.vector_store_idx %arg7[%get3A_215], %gather3A_220 masked %ne3A_221 {add = true} : memref<10240xf32, #tpu.memory_space<vmem>>[vector<16xi32>], vector<16xf32>, vector<16xi1>
      %mul3A_222 = arith.constant 25 : i32
      %mul3A_223 = arith.muli %scan3A_70, %mul3A_222 : i32
      %mul3A_224 = arith.constant 16 : i32
      %mul3A_225 = arith.muli %mul3A_223, %mul3A_224 : i32
      %add3A_226 = arith.addi %add3A, %mul3A_225 : i32
      %add3A_227 = arith.constant 144 : i32
      %add3A_228 = arith.addi %add3A_226, %add3A_227 : i32
      %get3A_229 = arith.constant 0 : i32
      %get3A_230 = arith.index_cast %get3A_229 : i32 to index
      %get3A_231 = arith.index_cast %add3A_228 : i32 to index
      %get3A_232 = tpu.vector_load %arg5[%get3A_230, %get3A_231] {strides = array<i32>} : memref<2x20096xi32, #tpu.memory_space<vmem>>, vector<16xi32>,
      %get3A_233 = arith.constant 1 : i32
      %get3A_234 = arith.index_cast %get3A_233 : i32 to index
      %get3A_235 = arith.index_cast %add3A_228 : i32 to index
      %get3A_236 = tpu.vector_load %arg5[%get3A_234, %get3A_235] {strides = array<i32>} : memref<2x20096xi32, #tpu.memory_space<vmem>>, vector<16xi32>,
      %gather3A_237 = tpu.vector_load_idx %arg8[%get3A_236] : memref<10240xf32, #tpu.memory_space<vmem>>[vector<16xi32>], vector<16xf32>,
      %ne3A_238 = arith.cmpi ne, %get3A_232, %get3A_236 : vector<16xi32>
      tpu.vector_store_idx %arg7[%get3A_232], %gather3A_237 masked %ne3A_238 {add = true} : memref<10240xf32, #tpu.memory_space<vmem>>[vector<16xi32>], vector<16xf32>, vector<16xi1>
      %mul3A_239 = arith.constant 25 : i32
      %mul3A_240 = arith.muli %scan3A_70, %mul3A_239 : i32
      %mul3A_241 = arith.constant 16 : i32
      %mul3A_242 = arith.muli %mul3A_240, %mul3A_241 : i32
      %add3A_243 = arith.addi %add3A, %mul3A_242 : i32
      %add3A_244 = arith.constant 160 : i32
      %add3A_245 = arith.addi %add3A_243, %add3A_244 : i32
      %get3A_246 = arith.constant 0 : i32
      %get3A_247 = arith.index_cast %get3A_246 : i32 to index
      %get3A_248 = arith.index_cast %add3A_245 : i32 to index
      %get3A_249 = tpu.vector_load %arg5[%get3A_247, %get3A_248] {strides = array<i32>} : memref<2x20096xi32, #tpu.memory_space<vmem>>, vector<16xi32>,
      %get3A_250 = arith.constant 1 : i32
      %get3A_251 = arith.index_cast %get3A_250 : i32 to index
      %get3A_252 = arith.index_cast %add3A_245 : i32 to index
      %get3A_253 = tpu.vector_load %arg5[%get3A_251, %get3A_252] {strides = array<i32>} : memref<2x20096xi32, #tpu.memory_space<vmem>>, vector<16xi32>,
      %gather3A_254 = tpu.vector_load_idx %arg8[%get3A_253] : memref<10240xf32, #tpu.memory_space<vmem>>[vector<16xi32>], vector<16xf32>,
      %ne3A_255 = arith.cmpi ne, %get3A_249, %get3A_253 : vector<16xi32>
      tpu.vector_store_idx %arg7[%get3A_249], %gather3A_254 masked %ne3A_255 {add = true} : memref<10240xf32, #tpu.memory_space<vmem>>[vector<16xi32>], vector<16xf32>, vector<16xi1>
      %mul3A_256 = arith.constant 25 : i32
      %mul3A_257 = arith.muli %scan3A_70, %mul3A_256 : i32
      %mul3A_258 = arith.constant 16 : i32
      %mul3A_259 = arith.muli %mul3A_257, %mul3A_258 : i32
      %add3A_260 = arith.addi %add3A, %mul3A_259 : i32
      %add3A_261 = arith.constant 176 : i32
      %add3A_262 = arith.addi %add3A_260, %add3A_261 : i32
      %get3A_263 = arith.constant 0 : i32
      %get3A_264 = arith.index_cast %get3A_263 : i32 to index
      %get3A_265 = arith.index_cast %add3A_262 : i32 to index
      %get3A_266 = tpu.vector_load %arg5[%get3A_264, %get3A_265] {strides = array<i32>} : memref<2x20096xi32, #tpu.memory_space<vmem>>, vector<16xi32>,
      %get3A_267 = arith.constant 1 : i32
      %get3A_268 = arith.index_cast %get3A_267 : i32 to index
      %get3A_269 = arith.index_cast %add3A_262 : i32 to index
      %get3A_270 = tpu.vector_load %arg5[%get3A_268, %get3A_269] {strides = array<i32>} : memref<2x20096xi32, #tpu.memory_space<vmem>>, vector<16xi32>,
      %gather3A_271 = tpu.vector_load_idx %arg8[%get3A_270] : memref<10240xf32, #tpu.memory_space<vmem>>[vector<16xi32>], vector<16xf32>,
      %ne3A_272 = arith.cmpi ne, %get3A_266, %get3A_270 : vector<16xi32>
      tpu.vector_store_idx %arg7[%get3A_266], %gather3A_271 masked %ne3A_272 {add = true} : memref<10240xf32, #tpu.memory_space<vmem>>[vector<16xi32>], vector<16xf32>, vector<16xi1>
      %mul3A_273 = arith.constant 25 : i32
      %mul3A_274 = arith.muli %scan3A_70, %mul3A_273 : i32
      %mul3A_275 = arith.constant 16 : i32
      %mul3A_276 = arith.muli %mul3A_274, %mul3A_275 : i32
      %add3A_277 = arith.addi %add3A, %mul3A_276 : i32
      %add3A_278 = arith.constant 192 : i32
      %add3A_279 = arith.addi %add3A_277, %add3A_278 : i32
      %get3A_280 = arith.constant 0 : i32
      %get3A_281 = arith.index_cast %get3A_280 : i32 to index
      %get3A_282 = arith.index_cast %add3A_279 : i32 to index
      %get3A_283 = tpu.vector_load %arg5[%get3A_281, %get3A_282] {strides = array<i32>} : memref<2x20096xi32, #tpu.memory_space<vmem>>, vector<16xi32>,
      %get3A_284 = arith.constant 1 : i32
      %get3A_285 = arith.index_cast %get3A_284 : i32 to index
      %get3A_286 = arith.index_cast %add3A_279 : i32 to index
      %get3A_287 = tpu.vector_load %arg5[%get3A_285, %get3A_286] {strides = array<i32>} : memref<2x20096xi32, #tpu.memory_space<vmem>>, vector<16xi32>,
      %gather3A_288 = tpu.vector_load_idx %arg8[%get3A_287] : memref<10240xf32, #tpu.memory_space<vmem>>[vector<16xi32>], vector<16xf32>,
      %ne3A_289 = arith.cmpi ne, %get3A_283, %get3A_287 : vector<16xi32>
      tpu.vector_store_idx %arg7[%get3A_283], %gather3A_288 masked %ne3A_289 {add = true} : memref<10240xf32, #tpu.memory_space<vmem>>[vector<16xi32>], vector<16xf32>, vector<16xi1>
      %mul3A_290 = arith.constant 25 : i32
      %mul3A_291 = arith.muli %scan3A_70, %mul3A_290 : i32
      %mul3A_292 = arith.constant 16 : i32
      %mul3A_293 = arith.muli %mul3A_291, %mul3A_292 : i32
      %add3A_294 = arith.addi %add3A, %mul3A_293 : i32
      %add3A_295 = arith.constant 208 : i32
      %add3A_296 = arith.addi %add3A_294, %add3A_295 : i32
      %get3A_297 = arith.constant 0 : i32
      %get3A_298 = arith.index_cast %get3A_297 : i32 to index
      %get3A_299 = arith.index_cast %add3A_296 : i32 to index
      %get3A_300 = tpu.vector_load %arg5[%get3A_298, %get3A_299] {strides = array<i32>} : memref<2x20096xi32, #tpu.memory_space<vmem>>, vector<16xi32>,
      %get3A_301 = arith.constant 1 : i32
      %get3A_302 = arith.index_cast %get3A_301 : i32 to index
      %get3A_303 = arith.index_cast %add3A_296 : i32 to index
      %get3A_304 = tpu.vector_load %arg5[%get3A_302, %get3A_303] {strides = array<i32>} : memref<2x20096xi32, #tpu.memory_space<vmem>>, vector<16xi32>,
      %gather3A_305 = tpu.vector_load_idx %arg8[%get3A_304] : memref<10240xf32, #tpu.memory_space<vmem>>[vector<16xi32>], vector<16xf32>,
      %ne3A_306 = arith.cmpi ne, %get3A_300, %get3A_304 : vector<16xi32>
      tpu.vector_store_idx %arg7[%get3A_300], %gather3A_305 masked %ne3A_306 {add = true} : memref<10240xf32, #tpu.memory_space<vmem>>[vector<16xi32>], vector<16xf32>, vector<16xi1>
      %mul3A_307 = arith.constant 25 : i32
      %mul3A_308 = arith.muli %scan3A_70, %mul3A_307 : i32
      %mul3A_309 = arith.constant 16 : i32
      %mul3A_310 = arith.muli %mul3A_308, %mul3A_309 : i32
      %add3A_311 = arith.addi %add3A, %mul3A_310 : i32
      %add3A_312 = arith.constant 224 : i32
      %add3A_313 = arith.addi %add3A_311, %add3A_312 : i32
      %get3A_314 = arith.constant 0 : i32
      %get3A_315 = arith.index_cast %get3A_314 : i32 to index
      %get3A_316 = arith.index_cast %add3A_313 : i32 to index
      %get3A_317 = tpu.vector_load %arg5[%get3A_315, %get3A_316] {strides = array<i32>} : memref<2x20096xi32, #tpu.memory_space<vmem>>, vector<16xi32>,
      %get3A_318 = arith.constant 1 : i32
      %get3A_319 = arith.index_cast %get3A_318 : i32 to index
      %get3A_320 = arith.index_cast %add3A_313 : i32 to index
      %get3A_321 = tpu.vector_load %arg5[%get3A_319, %get3A_320] {strides = array<i32>} : memref<2x20096xi32, #tpu.memory_space<vmem>>, vector<16xi32>,
      %gather3A_322 = tpu.vector_load_idx %arg8[%get3A_321] : memref<10240xf32, #tpu.memory_space<vmem>>[vector<16xi32>], vector<16xf32>,
      %ne3A_323 = arith.cmpi ne, %get3A_317, %get3A_321 : vector<16xi32>
      tpu.vector_store_idx %arg7[%get3A_317], %gather3A_322 masked %ne3A_323 {add = true} : memref<10240xf32, #tpu.memory_space<vmem>>[vector<16xi32>], vector<16xf32>, vector<16xi1>
      %mul3A_324 = arith.constant 25 : i32
      %mul3A_325 = arith.muli %scan3A_70, %mul3A_324 : i32
      %mul3A_326 = arith.constant 16 : i32
      %mul3A_327 = arith.muli %mul3A_325, %mul3A_326 : i32
      %add3A_328 = arith.addi %add3A, %mul3A_327 : i32
      %add3A_329 = arith.constant 240 : i32
      %add3A_330 = arith.addi %add3A_328, %add3A_329 : i32
      %get3A_331 = arith.constant 0 : i32
      %get3A_332 = arith.index_cast %get3A_331 : i32 to index
      %get3A_333 = arith.index_cast %add3A_330 : i32 to index
      %get3A_334 = tpu.vector_load %arg5[%get3A_332, %get3A_333] {strides = array<i32>} : memref<2x20096xi32, #tpu.memory_space<vmem>>, vector<16xi32>,
      %get3A_335 = arith.constant 1 : i32
      %get3A_336 = arith.index_cast %get3A_335 : i32 to index
      %get3A_337 = arith.index_cast %add3A_330 : i32 to index
      %get3A_338 = tpu.vector_load %arg5[%get3A_336, %get3A_337] {strides = array<i32>} : memref<2x20096xi32, #tpu.memory_space<vmem>>, vector<16xi32>,
      %gather3A_339 = tpu.vector_load_idx %arg8[%get3A_338] : memref<10240xf32, #tpu.memory_space<vmem>>[vector<16xi32>], vector<16xf32>,
      %ne3A_340 = arith.cmpi ne, %get3A_334, %get3A_338 : vector<16xi32>
      tpu.vector_store_idx %arg7[%get3A_334], %gather3A_339 masked %ne3A_340 {add = true} : memref<10240xf32, #tpu.memory_space<vmem>>[vector<16xi32>], vector<16xf32>, vector<16xi1>
      %mul3A_341 = arith.constant 25 : i32
      %mul3A_342 = arith.muli %scan3A_70, %mul3A_341 : i32
      %mul3A_343 = arith.constant 16 : i32
      %mul3A_344 = arith.muli %mul3A_342, %mul3A_343 : i32
      %add3A_345 = arith.addi %add3A, %mul3A_344 : i32
      %add3A_346 = arith.constant 256 : i32
      %add3A_347 = arith.addi %add3A_345, %add3A_346 : i32
      %get3A_348 = arith.constant 0 : i32
      %get3A_349 = arith.index_cast %get3A_348 : i32 to index
      %get3A_350 = arith.index_cast %add3A_347 : i32 to index
      %get3A_351 = tpu.vector_load %arg5[%get3A_349, %get3A_350] {strides = array<i32>} : memref<2x20096xi32, #tpu.memory_space<vmem>>, vector<16xi32>,
      %get3A_352 = arith.constant 1 : i32
      %get3A_353 = arith.index_cast %get3A_352 : i32 to index
      %get3A_354 = arith.index_cast %add3A_347 : i32 to index
      %get3A_355 = tpu.vector_load %arg5[%get3A_353, %get3A_354] {strides = array<i32>} : memref<2x20096xi32, #tpu.memory_space<vmem>>, vector<16xi32>,
      %gather3A_356 = tpu.vector_load_idx %arg8[%get3A_355] : memref<10240xf32, #tpu.memory_space<vmem>>[vector<16xi32>], vector<16xf32>,
      %ne3A_357 = arith.cmpi ne, %get3A_351, %get3A_355 : vector<16xi32>
      tpu.vector_store_idx %arg7[%get3A_351], %gather3A_356 masked %ne3A_357 {add = true} : memref<10240xf32, #tpu.memory_space<vmem>>[vector<16xi32>], vector<16xf32>, vector<16xi1>
      %mul3A_358 = arith.constant 25 : i32
      %mul3A_359 = arith.muli %scan3A_70, %mul3A_358 : i32
      %mul3A_360 = arith.constant 16 : i32
      %mul3A_361 = arith.muli %mul3A_359, %mul3A_360 : i32
      %add3A_362 = arith.addi %add3A, %mul3A_361 : i32
      %add3A_363 = arith.constant 272 : i32
      %add3A_364 = arith.addi %add3A_362, %add3A_363 : i32
      %get3A_365 = arith.constant 0 : i32
      %get3A_366 = arith.index_cast %get3A_365 : i32 to index
      %get3A_367 = arith.index_cast %add3A_364 : i32 to index
      %get3A_368 = tpu.vector_load %arg5[%get3A_366, %get3A_367] {strides = array<i32>} : memref<2x20096xi32, #tpu.memory_space<vmem>>, vector<16xi32>,
      %get3A_369 = arith.constant 1 : i32
      %get3A_370 = arith.index_cast %get3A_369 : i32 to index
      %get3A_371 = arith.index_cast %add3A_364 : i32 to index
      %get3A_372 = tpu.vector_load %arg5[%get3A_370, %get3A_371] {strides = array<i32>} : memref<2x20096xi32, #tpu.memory_space<vmem>>, vector<16xi32>,
      %gather3A_373 = tpu.vector_load_idx %arg8[%get3A_372] : memref<10240xf32, #tpu.memory_space<vmem>>[vector<16xi32>], vector<16xf32>,
      %ne3A_374 = arith.cmpi ne, %get3A_368, %get3A_372 : vector<16xi32>
      tpu.vector_store_idx %arg7[%get3A_368], %gather3A_373 masked %ne3A_374 {add = true} : memref<10240xf32, #tpu.memory_space<vmem>>[vector<16xi32>], vector<16xf32>, vector<16xi1>
      %mul3A_375 = arith.constant 25 : i32
      %mul3A_376 = arith.muli %scan3A_70, %mul3A_375 : i32
      %mul3A_377 = arith.constant 16 : i32
      %mul3A_378 = arith.muli %mul3A_376, %mul3A_377 : i32
      %add3A_379 = arith.addi %add3A, %mul3A_378 : i32
      %add3A_380 = arith.constant 288 : i32
      %add3A_381 = arith.addi %add3A_379, %add3A_380 : i32
      %get3A_382 = arith.constant 0 : i32
      %get3A_383 = arith.index_cast %get3A_382 : i32 to index
      %get3A_384 = arith.index_cast %add3A_381 : i32 to index
      %get3A_385 = tpu.vector_load %arg5[%get3A_383, %get3A_384] {strides = array<i32>} : memref<2x20096xi32, #tpu.memory_space<vmem>>, vector<16xi32>,
      %get3A_386 = arith.constant 1 : i32
      %get3A_387 = arith.index_cast %get3A_386 : i32 to index
      %get3A_388 = arith.index_cast %add3A_381 : i32 to index
      %get3A_389 = tpu.vector_load %arg5[%get3A_387, %get3A_388] {strides = array<i32>} : memref<2x20096xi32, #tpu.memory_space<vmem>>, vector<16xi32>,
      %gather3A_390 = tpu.vector_load_idx %arg8[%get3A_389] : memref<10240xf32, #tpu.memory_space<vmem>>[vector<16xi32>], vector<16xf32>,
      %ne3A_391 = arith.cmpi ne, %get3A_385, %get3A_389 : vector<16xi32>
      tpu.vector_store_idx %arg7[%get3A_385], %gather3A_390 masked %ne3A_391 {add = true} : memref<10240xf32, #tpu.memory_space<vmem>>[vector<16xi32>], vector<16xf32>, vector<16xi1>
      %mul3A_392 = arith.constant 25 : i32
      %mul3A_393 = arith.muli %scan3A_70, %mul3A_392 : i32
      %mul3A_394 = arith.constant 16 : i32
      %mul3A_395 = arith.muli %mul3A_393, %mul3A_394 : i32
      %add3A_396 = arith.addi %add3A, %mul3A_395 : i32
      %add3A_397 = arith.constant 304 : i32
      %add3A_398 = arith.addi %add3A_396, %add3A_397 : i32
      %get3A_399 = arith.constant 0 : i32
      %get3A_400 = arith.index_cast %get3A_399 : i32 to index
      %get3A_401 = arith.index_cast %add3A_398 : i32 to index
      %get3A_402 = tpu.vector_load %arg5[%get3A_400, %get3A_401] {strides = array<i32>} : memref<2x20096xi32, #tpu.memory_space<vmem>>, vector<16xi32>,
      %get3A_403 = arith.constant 1 : i32
      %get3A_404 = arith.index_cast %get3A_403 : i32 to index
      %get3A_405 = arith.index_cast %add3A_398 : i32 to index
      %get3A_406 = tpu.vector_load %arg5[%get3A_404, %get3A_405] {strides = array<i32>} : memref<2x20096xi32, #tpu.memory_space<vmem>>, vector<16xi32>,
      %gather3A_407 = tpu.vector_load_idx %arg8[%get3A_406] : memref<10240xf32, #tpu.memory_space<vmem>>[vector<16xi32>], vector<16xf32>,
      %ne3A_408 = arith.cmpi ne, %get3A_402, %get3A_406 : vector<16xi32>
      tpu.vector_store_idx %arg7[%get3A_402], %gather3A_407 masked %ne3A_408 {add = true} : memref<10240xf32, #tpu.memory_space<vmem>>[vector<16xi32>], vector<16xf32>, vector<16xi1>
      %mul3A_409 = arith.constant 25 : i32
      %mul3A_410 = arith.muli %scan3A_70, %mul3A_409 : i32
      %mul3A_411 = arith.constant 16 : i32
      %mul3A_412 = arith.muli %mul3A_410, %mul3A_411 : i32
      %add3A_413 = arith.addi %add3A, %mul3A_412 : i32
      %add3A_414 = arith.constant 320 : i32
      %add3A_415 = arith.addi %add3A_413, %add3A_414 : i32
      %get3A_416 = arith.constant 0 : i32
      %get3A_417 = arith.index_cast %get3A_416 : i32 to index
      %get3A_418 = arith.index_cast %add3A_415 : i32 to index
      %get3A_419 = tpu.vector_load %arg5[%get3A_417, %get3A_418] {strides = array<i32>} : memref<2x20096xi32, #tpu.memory_space<vmem>>, vector<16xi32>,
      %get3A_420 = arith.constant 1 : i32
      %get3A_421 = arith.index_cast %get3A_420 : i32 to index
      %get3A_422 = arith.index_cast %add3A_415 : i32 to index
      %get3A_423 = tpu.vector_load %arg5[%get3A_421, %get3A_422] {strides = array<i32>} : memref<2x20096xi32, #tpu.memory_space<vmem>>, vector<16xi32>,
      %gather3A_424 = tpu.vector_load_idx %arg8[%get3A_423] : memref<10240xf32, #tpu.memory_space<vmem>>[vector<16xi32>], vector<16xf32>,
      %ne3A_425 = arith.cmpi ne, %get3A_419, %get3A_423 : vector<16xi32>
      tpu.vector_store_idx %arg7[%get3A_419], %gather3A_424 masked %ne3A_425 {add = true} : memref<10240xf32, #tpu.memory_space<vmem>>[vector<16xi32>], vector<16xf32>, vector<16xi1>
      %mul3A_426 = arith.constant 25 : i32
      %mul3A_427 = arith.muli %scan3A_70, %mul3A_426 : i32
      %mul3A_428 = arith.constant 16 : i32
      %mul3A_429 = arith.muli %mul3A_427, %mul3A_428 : i32
      %add3A_430 = arith.addi %add3A, %mul3A_429 : i32
      %add3A_431 = arith.constant 336 : i32
      %add3A_432 = arith.addi %add3A_430, %add3A_431 : i32
      %get3A_433 = arith.constant 0 : i32
      %get3A_434 = arith.index_cast %get3A_433 : i32 to index
      %get3A_435 = arith.index_cast %add3A_432 : i32 to index
      %get3A_436 = tpu.vector_load %arg5[%get3A_434, %get3A_435] {strides = array<i32>} : memref<2x20096xi32, #tpu.memory_space<vmem>>, vector<16xi32>,
      %get3A_437 = arith.constant 1 : i32
      %get3A_438 = arith.index_cast %get3A_437 : i32 to index
      %get3A_439 = arith.index_cast %add3A_432 : i32 to index
      %get3A_440 = tpu.vector_load %arg5[%get3A_438, %get3A_439] {strides = array<i32>} : memref<2x20096xi32, #tpu.memory_space<vmem>>, vector<16xi32>,
      %gather3A_441 = tpu.vector_load_idx %arg8[%get3A_440] : memref<10240xf32, #tpu.memory_space<vmem>>[vector<16xi32>], vector<16xf32>,
      %ne3A_442 = arith.cmpi ne, %get3A_436, %get3A_440 : vector<16xi32>
      tpu.vector_store_idx %arg7[%get3A_436], %gather3A_441 masked %ne3A_442 {add = true} : memref<10240xf32, #tpu.memory_space<vmem>>[vector<16xi32>], vector<16xf32>, vector<16xi1>
      %mul3A_443 = arith.constant 25 : i32
      %mul3A_444 = arith.muli %scan3A_70, %mul3A_443 : i32
      %mul3A_445 = arith.constant 16 : i32
      %mul3A_446 = arith.muli %mul3A_444, %mul3A_445 : i32
      %add3A_447 = arith.addi %add3A, %mul3A_446 : i32
      %add3A_448 = arith.constant 352 : i32
      %add3A_449 = arith.addi %add3A_447, %add3A_448 : i32
      %get3A_450 = arith.constant 0 : i32
      %get3A_451 = arith.index_cast %get3A_450 : i32 to index
      %get3A_452 = arith.index_cast %add3A_449 : i32 to index
      %get3A_453 = tpu.vector_load %arg5[%get3A_451, %get3A_452] {strides = array<i32>} : memref<2x20096xi32, #tpu.memory_space<vmem>>, vector<16xi32>,
      %get3A_454 = arith.constant 1 : i32
      %get3A_455 = arith.index_cast %get3A_454 : i32 to index
      %get3A_456 = arith.index_cast %add3A_449 : i32 to index
      %get3A_457 = tpu.vector_load %arg5[%get3A_455, %get3A_456] {strides = array<i32>} : memref<2x20096xi32, #tpu.memory_space<vmem>>, vector<16xi32>,
      %gather3A_458 = tpu.vector_load_idx %arg8[%get3A_457] : memref<10240xf32, #tpu.memory_space<vmem>>[vector<16xi32>], vector<16xf32>,
      %ne3A_459 = arith.cmpi ne, %get3A_453, %get3A_457 : vector<16xi32>
      tpu.vector_store_idx %arg7[%get3A_453], %gather3A_458 masked %ne3A_459 {add = true} : memref<10240xf32, #tpu.memory_space<vmem>>[vector<16xi32>], vector<16xf32>, vector<16xi1>
      %mul3A_460 = arith.constant 25 : i32
      %mul3A_461 = arith.muli %scan3A_70, %mul3A_460 : i32
      %mul3A_462 = arith.constant 16 : i32
      %mul3A_463 = arith.muli %mul3A_461, %mul3A_462 : i32
      %add3A_464 = arith.addi %add3A, %mul3A_463 : i32
      %add3A_465 = arith.constant 368 : i32
      %add3A_466 = arith.addi %add3A_464, %add3A_465 : i32
      %get3A_467 = arith.constant 0 : i32
      %get3A_468 = arith.index_cast %get3A_467 : i32 to index
      %get3A_469 = arith.index_cast %add3A_466 : i32 to index
      %get3A_470 = tpu.vector_load %arg5[%get3A_468, %get3A_469] {strides = array<i32>} : memref<2x20096xi32, #tpu.memory_space<vmem>>, vector<16xi32>,
      %get3A_471 = arith.constant 1 : i32
      %get3A_472 = arith.index_cast %get3A_471 : i32 to index
      %get3A_473 = arith.index_cast %add3A_466 : i32 to index
      %get3A_474 = tpu.vector_load %arg5[%get3A_472, %get3A_473] {strides = array<i32>} : memref<2x20096xi32, #tpu.memory_space<vmem>>, vector<16xi32>,
      %gather3A_475 = tpu.vector_load_idx %arg8[%get3A_474] : memref<10240xf32, #tpu.memory_space<vmem>>[vector<16xi32>], vector<16xf32>,
      %ne3A_476 = arith.cmpi ne, %get3A_470, %get3A_474 : vector<16xi32>
      tpu.vector_store_idx %arg7[%get3A_470], %gather3A_475 masked %ne3A_476 {add = true} : memref<10240xf32, #tpu.memory_space<vmem>>[vector<16xi32>], vector<16xf32>, vector<16xi1>
      %mul3A_477 = arith.constant 25 : i32
      %mul3A_478 = arith.muli %scan3A_70, %mul3A_477 : i32
      %mul3A_479 = arith.constant 16 : i32
      %mul3A_480 = arith.muli %mul3A_478, %mul3A_479 : i32
      %add3A_481 = arith.addi %add3A, %mul3A_480 : i32
      %add3A_482 = arith.constant 384 : i32
      %add3A_483 = arith.addi %add3A_481, %add3A_482 : i32
      %get3A_484 = arith.constant 0 : i32
      %get3A_485 = arith.index_cast %get3A_484 : i32 to index
      %get3A_486 = arith.index_cast %add3A_483 : i32 to index
      %get3A_487 = tpu.vector_load %arg5[%get3A_485, %get3A_486] {strides = array<i32>} : memref<2x20096xi32, #tpu.memory_space<vmem>>, vector<16xi32>,
      %get3A_488 = arith.constant 1 : i32
      %get3A_489 = arith.index_cast %get3A_488 : i32 to index
      %get3A_490 = arith.index_cast %add3A_483 : i32 to index
      %get3A_491 = tpu.vector_load %arg5[%get3A_489, %get3A_490] {strides = array<i32>} : memref<2x20096xi32, #tpu.memory_space<vmem>>, vector<16xi32>,
      %gather3A_492 = tpu.vector_load_idx %arg8[%get3A_491] : memref<10240xf32, #tpu.memory_space<vmem>>[vector<16xi32>], vector<16xf32>,
      %ne3A_493 = arith.cmpi ne, %get3A_487, %get3A_491 : vector<16xi32>
      tpu.vector_store_idx %arg7[%get3A_487], %gather3A_492 masked %ne3A_493 {add = true} : memref<10240xf32, #tpu.memory_space<vmem>>[vector<16xi32>], vector<16xf32>, vector<16xi1>
    }
    %scan3A_59 = arith.constant 25 : i32
    %delay3A_60 = arith.constant 20 : i32
    tpu.delay %delay3A_60
    "tpu.region"() ({
      %run_scoped3A = tpu.sem_alloc : memref<!tpu.dma_semaphore, #tpu.memory_space<semaphore_mem>>
      %dma_start3A_70 = arith.constant 0 : i32
      %dma_start3A_71 = tpu.memref_slice %arg12[%arg1, %dma_start3A_70] : memref<16x10240xf32, #tpu.memory_space<vmem_shared>> -> memref<1x10240xf32, #tpu.memory_space<vmem_shared>>
      %dma_start3A_72 = tpu.memref_squeeze %dma_start3A_71 : memref<1x10240xf32, #tpu.memory_space<vmem_shared>> -> memref<10240xf32, #tpu.memory_space<vmem_shared>>
      %dma_start3A_73 = arith.constant 0 : i32
      %dma_start3A_74 = tpu.memref_slice %arg12[%arg1, %dma_start3A_73] : memref<16x10240xf32, #tpu.memory_space<vmem_shared>> -> memref<1x10240xf32, #tpu.memory_space<vmem_shared>>
      %dma_start3A_75 = tpu.memref_squeeze %dma_start3A_74 : memref<1x10240xf32, #tpu.memory_space<vmem_shared>> -> memref<10240xf32, #tpu.memory_space<vmem_shared>>
      tpu.enqueue_dma source(%arg7 : memref<10240xf32, #tpu.memory_space<vmem>>) target(%dma_start3A_75 : memref<10240xf32, #tpu.memory_space<vmem_shared>>) target_semaphore(%run_scoped3A : memref<!tpu.dma_semaphore, #tpu.memory_space<semaphore_mem>>)
      %dma_wait3A_76 = arith.constant 0 : i32
      %dma_wait3A_77 = tpu.memref_slice %arg12[%arg1, %dma_wait3A_76] : memref<16x10240xf32, #tpu.memory_space<vmem_shared>> -> memref<1x10240xf32, #tpu.memory_space<vmem_shared>>
      %dma_wait3A_78 = tpu.memref_squeeze %dma_wait3A_77 : memref<1x10240xf32, #tpu.memory_space<vmem_shared>> -> memref<10240xf32, #tpu.memory_space<vmem_shared>>
      %dma_wait3A_79 = arith.constant 0 : i32
      %dma_wait3A_80 = tpu.memref_slice %arg12[%arg1, %dma_wait3A_79] : memref<16x10240xf32, #tpu.memory_space<vmem_shared>> -> memref<1x10240xf32, #tpu.memory_space<vmem_shared>>
      %dma_wait3A_81 = tpu.memref_squeeze %dma_wait3A_80 : memref<1x10240xf32, #tpu.memory_space<vmem_shared>> -> memref<10240xf32, #tpu.memory_space<vmem_shared>>
      tpu.wait_dma2 semaphore(%run_scoped3A : memref<!tpu.dma_semaphore, #tpu.memory_space<semaphore_mem>>) src(%arg7 : memref<10240xf32, #tpu.memory_space<vmem>>) dst(%dma_wait3A_81 : memref<10240xf32, #tpu.memory_space<vmem_shared>>)
      tpu.yield
    }) : () -> ()
    %barrier3A_61 = arith.constant 0 : index
    tpu.barrier barrier_id(%barrier3A_61)
    "tpu.region"() ({
      %run_scoped3A = tpu.sem_alloc : memref<!tpu.dma_semaphore, #tpu.memory_space<semaphore_mem>>
      %dma_start3A_70 = arith.constant 0 : i32
      %dma_start3A_71 = tpu.memref_slice %arg12[%dma_start3A_70, %mul3A_21] : memref<16x10240xf32, #tpu.memory_space<vmem_shared>> -> memref<16x640xf32, #tpu.memory_space<vmem_shared>>
      %dma_start3A_72 = arith.constant 0 : i32
      %dma_start3A_73 = tpu.memref_slice %arg12[%dma_start3A_72, %mul3A_21] : memref<16x10240xf32, #tpu.memory_space<vmem_shared>> -> memref<16x640xf32, #tpu.memory_space<vmem_shared>>
      tpu.enqueue_dma source(%dma_start3A_73 : memref<16x640xf32, #tpu.memory_space<vmem_shared>>) target(%arg9 : memref<16x640xf32, #tpu.memory_space<vmem>>) target_semaphore(%run_scoped3A : memref<!tpu.dma_semaphore, #tpu.memory_space<semaphore_mem>>)
      %dma_wait3A_74 = arith.constant 0 : i32
      %dma_wait3A_75 = tpu.memref_slice %arg12[%dma_wait3A_74, %mul3A_21] : memref<16x10240xf32, #tpu.memory_space<vmem_shared>> -> memref<16x640xf32, #tpu.memory_space<vmem_shared>>
      %dma_wait3A_76 = arith.constant 0 : i32
      %dma_wait3A_77 = tpu.memref_slice %arg12[%dma_wait3A_76, %mul3A_21] : memref<16x10240xf32, #tpu.memory_space<vmem_shared>> -> memref<16x640xf32, #tpu.memory_space<vmem_shared>>
      tpu.wait_dma2 semaphore(%run_scoped3A : memref<!tpu.dma_semaphore, #tpu.memory_space<semaphore_mem>>) src(%dma_wait3A_77 : memref<16x640xf32, #tpu.memory_space<vmem_shared>>) dst(%arg9 : memref<16x640xf32, #tpu.memory_space<vmem>>)
      tpu.yield
    }) : () -> ()
    %scan3A_62 = arith.constant 0 : i32
    %scan3A_63 = arith.constant 10 : i32
    %scan3A_64 = arith.addi %scan3A_62, %scan3A_63 : i32
    %scan3A_65 = arith.constant 1 : i32
    scf.for %scan3A_70 = %scan3A_62 to %scan3A_64 step %scan3A_65  : i32 {
      %mul3A_71 = arith.constant 4 : i32
      %mul3A_72 = arith.muli %scan3A_70, %mul3A_71 : i32
      %mul3A_73 = arith.constant 16 : i32
      %mul3A_74 = arith.muli %mul3A_72, %mul3A_73 : i32
      %add3A_75 = arith.constant 0 : i32
      %add3A_76 = arith.addi %mul3A_74, %add3A_75 : i32
      %get3A = arith.constant 0 : i32
      %get3A_77 = arith.index_cast %get3A : i32 to index
      %get3A_78 = arith.index_cast %add3A_76 : i32 to index
      %get3A_79 = tpu.vector_load %arg9[%get3A_77, %get3A_78] {strides = array<i32>} : memref<16x640xf32, #tpu.memory_space<vmem>>, vector<16xf32>,
      %get3A_80 = arith.constant 1 : i32
      %get3A_81 = arith.index_cast %get3A_80 : i32 to index
      %get3A_82 = arith.index_cast %add3A_76 : i32 to index
      %get3A_83 = tpu.vector_load %arg9[%get3A_81, %get3A_82] {strides = array<i32>} : memref<16x640xf32, #tpu.memory_space<vmem>>, vector<16xf32>,
      %add3A_84 = arith.addf %get3A_79, %get3A_83 : vector<16xf32>
      %get3A_85 = arith.constant 2 : i32
      %get3A_86 = arith.index_cast %get3A_85 : i32 to index
      %get3A_87 = arith.index_cast %add3A_76 : i32 to index
      %get3A_88 = tpu.vector_load %arg9[%get3A_86, %get3A_87] {strides = array<i32>} : memref<16x640xf32, #tpu.memory_space<vmem>>, vector<16xf32>,
      %add3A_89 = arith.addf %add3A_84, %get3A_88 : vector<16xf32>
      %get3A_90 = arith.constant 3 : i32
      %get3A_91 = arith.index_cast %get3A_90 : i32 to index
      %get3A_92 = arith.index_cast %add3A_76 : i32 to index
      %get3A_93 = tpu.vector_load %arg9[%get3A_91, %get3A_92] {strides = array<i32>} : memref<16x640xf32, #tpu.memory_space<vmem>>, vector<16xf32>,
      %add3A_94 = arith.addf %add3A_89, %get3A_93 : vector<16xf32>
      %get3A_95 = arith.constant 4 : i32
      %get3A_96 = arith.index_cast %get3A_95 : i32 to index
      %get3A_97 = arith.index_cast %add3A_76 : i32 to index
      %get3A_98 = tpu.vector_load %arg9[%get3A_96, %get3A_97] {strides = array<i32>} : memref<16x640xf32, #tpu.memory_space<vmem>>, vector<16xf32>,
      %add3A_99 = arith.addf %add3A_94, %get3A_98 : vector<16xf32>
      %get3A_100 = arith.constant 5 : i32
      %get3A_101 = arith.index_cast %get3A_100 : i32 to index
      %get3A_102 = arith.index_cast %add3A_76 : i32 to index
      %get3A_103 = tpu.vector_load %arg9[%get3A_101, %get3A_102] {strides = array<i32>} : memref<16x640xf32, #tpu.memory_space<vmem>>, vector<16xf32>,
      %add3A_104 = arith.addf %add3A_99, %get3A_103 : vector<16xf32>
      %get3A_105 = arith.constant 6 : i32
      %get3A_106 = arith.index_cast %get3A_105 : i32 to index
      %get3A_107 = arith.index_cast %add3A_76 : i32 to index
      %get3A_108 = tpu.vector_load %arg9[%get3A_106, %get3A_107] {strides = array<i32>} : memref<16x640xf32, #tpu.memory_space<vmem>>, vector<16xf32>,
      %add3A_109 = arith.addf %add3A_104, %get3A_108 : vector<16xf32>
      %get3A_110 = arith.constant 7 : i32
      %get3A_111 = arith.index_cast %get3A_110 : i32 to index
      %get3A_112 = arith.index_cast %add3A_76 : i32 to index
      %get3A_113 = tpu.vector_load %arg9[%get3A_111, %get3A_112] {strides = array<i32>} : memref<16x640xf32, #tpu.memory_space<vmem>>, vector<16xf32>,
      %add3A_114 = arith.addf %add3A_109, %get3A_113 : vector<16xf32>
      %get3A_115 = arith.constant 8 : i32
      %get3A_116 = arith.index_cast %get3A_115 : i32 to index
      %get3A_117 = arith.index_cast %add3A_76 : i32 to index
      %get3A_118 = tpu.vector_load %arg9[%get3A_116, %get3A_117] {strides = array<i32>} : memref<16x640xf32, #tpu.memory_space<vmem>>, vector<16xf32>,
      %add3A_119 = arith.addf %add3A_114, %get3A_118 : vector<16xf32>
      %get3A_120 = arith.constant 9 : i32
      %get3A_121 = arith.index_cast %get3A_120 : i32 to index
      %get3A_122 = arith.index_cast %add3A_76 : i32 to index
      %get3A_123 = tpu.vector_load %arg9[%get3A_121, %get3A_122] {strides = array<i32>} : memref<16x640xf32, #tpu.memory_space<vmem>>, vector<16xf32>,
      %add3A_124 = arith.addf %add3A_119, %get3A_123 : vector<16xf32>
      %get3A_125 = arith.constant 10 : i32
      %get3A_126 = arith.index_cast %get3A_125 : i32 to index
      %get3A_127 = arith.index_cast %add3A_76 : i32 to index
      %get3A_128 = tpu.vector_load %arg9[%get3A_126, %get3A_127] {strides = array<i32>} : memref<16x640xf32, #tpu.memory_space<vmem>>, vector<16xf32>,
      %add3A_129 = arith.addf %add3A_124, %get3A_128 : vector<16xf32>
      %get3A_130 = arith.constant 11 : i32
      %get3A_131 = arith.index_cast %get3A_130 : i32 to index
      %get3A_132 = arith.index_cast %add3A_76 : i32 to index
      %get3A_133 = tpu.vector_load %arg9[%get3A_131, %get3A_132] {strides = array<i32>} : memref<16x640xf32, #tpu.memory_space<vmem>>, vector<16xf32>,
      %add3A_134 = arith.addf %add3A_129, %get3A_133 : vector<16xf32>
      %get3A_135 = arith.constant 12 : i32
      %get3A_136 = arith.index_cast %get3A_135 : i32 to index
      %get3A_137 = arith.index_cast %add3A_76 : i32 to index
      %get3A_138 = tpu.vector_load %arg9[%get3A_136, %get3A_137] {strides = array<i32>} : memref<16x640xf32, #tpu.memory_space<vmem>>, vector<16xf32>,
      %add3A_139 = arith.addf %add3A_134, %get3A_138 : vector<16xf32>
      %get3A_140 = arith.constant 13 : i32
      %get3A_141 = arith.index_cast %get3A_140 : i32 to index
      %get3A_142 = arith.index_cast %add3A_76 : i32 to index
      %get3A_143 = tpu.vector_load %arg9[%get3A_141, %get3A_142] {strides = array<i32>} : memref<16x640xf32, #tpu.memory_space<vmem>>, vector<16xf32>,
      %add3A_144 = arith.addf %add3A_139, %get3A_143 : vector<16xf32>
      %get3A_145 = arith.constant 14 : i32
      %get3A_146 = arith.index_cast %get3A_145 : i32 to index
      %get3A_147 = arith.index_cast %add3A_76 : i32 to index
      %get3A_148 = tpu.vector_load %arg9[%get3A_146, %get3A_147] {strides = array<i32>} : memref<16x640xf32, #tpu.memory_space<vmem>>, vector<16xf32>,
      %add3A_149 = arith.addf %add3A_144, %get3A_148 : vector<16xf32>
      %get3A_150 = arith.constant 15 : i32
      %get3A_151 = arith.index_cast %get3A_150 : i32 to index
      %get3A_152 = arith.index_cast %add3A_76 : i32 to index
      %get3A_153 = tpu.vector_load %arg9[%get3A_151, %get3A_152] {strides = array<i32>} : memref<16x640xf32, #tpu.memory_space<vmem>>, vector<16xf32>,
      %add3A_154 = arith.addf %add3A_149, %get3A_153 : vector<16xf32>
      %swap3A = arith.index_cast %add3A_76 : i32 to index
      %swap3A_155 = tpu.vector_load %arg10[%swap3A] {strides = array<i32>} : memref<640xf32, #tpu.memory_space<vmem>>, vector<16xf32>,
      tpu.vector_store %arg10[%swap3A], %add3A_154 {strides = array<i32>} : memref<640xf32, #tpu.memory_space<vmem>>, vector<16xf32>,
      %mul3A_156 = arith.constant 4 : i32
      %mul3A_157 = arith.muli %scan3A_70, %mul3A_156 : i32
      %mul3A_158 = arith.constant 16 : i32
      %mul3A_159 = arith.muli %mul3A_157, %mul3A_158 : i32
      %add3A_160 = arith.constant 16 : i32
      %add3A_161 = arith.addi %mul3A_159, %add3A_160 : i32
      %get3A_162 = arith.constant 0 : i32
      %get3A_163 = arith.index_cast %get3A_162 : i32 to index
      %get3A_164 = arith.index_cast %add3A_161 : i32 to index
      %get3A_165 = tpu.vector_load %arg9[%get3A_163, %get3A_164] {strides = array<i32>} : memref<16x640xf32, #tpu.memory_space<vmem>>, vector<16xf32>,
      %get3A_166 = arith.constant 1 : i32
      %get3A_167 = arith.index_cast %get3A_166 : i32 to index
      %get3A_168 = arith.index_cast %add3A_161 : i32 to index
      %get3A_169 = tpu.vector_load %arg9[%get3A_167, %get3A_168] {strides = array<i32>} : memref<16x640xf32, #tpu.memory_space<vmem>>, vector<16xf32>,
      %add3A_170 = arith.addf %get3A_165, %get3A_169 : vector<16xf32>
      %get3A_171 = arith.constant 2 : i32
      %get3A_172 = arith.index_cast %get3A_171 : i32 to index
      %get3A_173 = arith.index_cast %add3A_161 : i32 to index
      %get3A_174 = tpu.vector_load %arg9[%get3A_172, %get3A_173] {strides = array<i32>} : memref<16x640xf32, #tpu.memory_space<vmem>>, vector<16xf32>,
      %add3A_175 = arith.addf %add3A_170, %get3A_174 : vector<16xf32>
      %get3A_176 = arith.constant 3 : i32
      %get3A_177 = arith.index_cast %get3A_176 : i32 to index
      %get3A_178 = arith.index_cast %add3A_161 : i32 to index
      %get3A_179 = tpu.vector_load %arg9[%get3A_177, %get3A_178] {strides = array<i32>} : memref<16x640xf32, #tpu.memory_space<vmem>>, vector<16xf32>,
      %add3A_180 = arith.addf %add3A_175, %get3A_179 : vector<16xf32>
      %get3A_181 = arith.constant 4 : i32
      %get3A_182 = arith.index_cast %get3A_181 : i32 to index
      %get3A_183 = arith.index_cast %add3A_161 : i32 to index
      %get3A_184 = tpu.vector_load %arg9[%get3A_182, %get3A_183] {strides = array<i32>} : memref<16x640xf32, #tpu.memory_space<vmem>>, vector<16xf32>,
      %add3A_185 = arith.addf %add3A_180, %get3A_184 : vector<16xf32>
      %get3A_186 = arith.constant 5 : i32
      %get3A_187 = arith.index_cast %get3A_186 : i32 to index
      %get3A_188 = arith.index_cast %add3A_161 : i32 to index
      %get3A_189 = tpu.vector_load %arg9[%get3A_187, %get3A_188] {strides = array<i32>} : memref<16x640xf32, #tpu.memory_space<vmem>>, vector<16xf32>,
      %add3A_190 = arith.addf %add3A_185, %get3A_189 : vector<16xf32>
      %get3A_191 = arith.constant 6 : i32
      %get3A_192 = arith.index_cast %get3A_191 : i32 to index
      %get3A_193 = arith.index_cast %add3A_161 : i32 to index
      %get3A_194 = tpu.vector_load %arg9[%get3A_192, %get3A_193] {strides = array<i32>} : memref<16x640xf32, #tpu.memory_space<vmem>>, vector<16xf32>,
      %add3A_195 = arith.addf %add3A_190, %get3A_194 : vector<16xf32>
      %get3A_196 = arith.constant 7 : i32
      %get3A_197 = arith.index_cast %get3A_196 : i32 to index
      %get3A_198 = arith.index_cast %add3A_161 : i32 to index
      %get3A_199 = tpu.vector_load %arg9[%get3A_197, %get3A_198] {strides = array<i32>} : memref<16x640xf32, #tpu.memory_space<vmem>>, vector<16xf32>,
      %add3A_200 = arith.addf %add3A_195, %get3A_199 : vector<16xf32>
      %get3A_201 = arith.constant 8 : i32
      %get3A_202 = arith.index_cast %get3A_201 : i32 to index
      %get3A_203 = arith.index_cast %add3A_161 : i32 to index
      %get3A_204 = tpu.vector_load %arg9[%get3A_202, %get3A_203] {strides = array<i32>} : memref<16x640xf32, #tpu.memory_space<vmem>>, vector<16xf32>,
      %add3A_205 = arith.addf %add3A_200, %get3A_204 : vector<16xf32>
      %get3A_206 = arith.constant 9 : i32
      %get3A_207 = arith.index_cast %get3A_206 : i32 to index
      %get3A_208 = arith.index_cast %add3A_161 : i32 to index
      %get3A_209 = tpu.vector_load %arg9[%get3A_207, %get3A_208] {strides = array<i32>} : memref<16x640xf32, #tpu.memory_space<vmem>>, vector<16xf32>,
      %add3A_210 = arith.addf %add3A_205, %get3A_209 : vector<16xf32>
      %get3A_211 = arith.constant 10 : i32
      %get3A_212 = arith.index_cast %get3A_211 : i32 to index
      %get3A_213 = arith.index_cast %add3A_161 : i32 to index
      %get3A_214 = tpu.vector_load %arg9[%get3A_212, %get3A_213] {strides = array<i32>} : memref<16x640xf32, #tpu.memory_space<vmem>>, vector<16xf32>,
      %add3A_215 = arith.addf %add3A_210, %get3A_214 : vector<16xf32>
      %get3A_216 = arith.constant 11 : i32
      %get3A_217 = arith.index_cast %get3A_216 : i32 to index
      %get3A_218 = arith.index_cast %add3A_161 : i32 to index
      %get3A_219 = tpu.vector_load %arg9[%get3A_217, %get3A_218] {strides = array<i32>} : memref<16x640xf32, #tpu.memory_space<vmem>>, vector<16xf32>,
      %add3A_220 = arith.addf %add3A_215, %get3A_219 : vector<16xf32>
      %get3A_221 = arith.constant 12 : i32
      %get3A_222 = arith.index_cast %get3A_221 : i32 to index
      %get3A_223 = arith.index_cast %add3A_161 : i32 to index
      %get3A_224 = tpu.vector_load %arg9[%get3A_222, %get3A_223] {strides = array<i32>} : memref<16x640xf32, #tpu.memory_space<vmem>>, vector<16xf32>,
      %add3A_225 = arith.addf %add3A_220, %get3A_224 : vector<16xf32>
      %get3A_226 = arith.constant 13 : i32
      %get3A_227 = arith.index_cast %get3A_226 : i32 to index
      %get3A_228 = arith.index_cast %add3A_161 : i32 to index
      %get3A_229 = tpu.vector_load %arg9[%get3A_227, %get3A_228] {strides = array<i32>} : memref<16x640xf32, #tpu.memory_space<vmem>>, vector<16xf32>,
      %add3A_230 = arith.addf %add3A_225, %get3A_229 : vector<16xf32>
      %get3A_231 = arith.constant 14 : i32
      %get3A_232 = arith.index_cast %get3A_231 : i32 to index
      %get3A_233 = arith.index_cast %add3A_161 : i32 to index
      %get3A_234 = tpu.vector_load %arg9[%get3A_232, %get3A_233] {strides = array<i32>} : memref<16x640xf32, #tpu.memory_space<vmem>>, vector<16xf32>,
      %add3A_235 = arith.addf %add3A_230, %get3A_234 : vector<16xf32>
      %get3A_236 = arith.constant 15 : i32
      %get3A_237 = arith.index_cast %get3A_236 : i32 to index
      %get3A_238 = arith.index_cast %add3A_161 : i32 to index
      %get3A_239 = tpu.vector_load %arg9[%get3A_237, %get3A_238] {strides = array<i32>} : memref<16x640xf32, #tpu.memory_space<vmem>>, vector<16xf32>,
      %add3A_240 = arith.addf %add3A_235, %get3A_239 : vector<16xf32>
      %swap3A_241 = arith.index_cast %add3A_161 : i32 to index
      %swap3A_242 = tpu.vector_load %arg10[%swap3A_241] {strides = array<i32>} : memref<640xf32, #tpu.memory_space<vmem>>, vector<16xf32>,
      tpu.vector_store %arg10[%swap3A_241], %add3A_240 {strides = array<i32>} : memref<640xf32, #tpu.memory_space<vmem>>, vector<16xf32>,
      %mul3A_243 = arith.constant 4 : i32
      %mul3A_244 = arith.muli %scan3A_70, %mul3A_243 : i32
      %mul3A_245 = arith.constant 16 : i32
      %mul3A_246 = arith.muli %mul3A_244, %mul3A_245 : i32
      %add3A_247 = arith.constant 32 : i32
      %add3A_248 = arith.addi %mul3A_246, %add3A_247 : i32
      %get3A_249 = arith.constant 0 : i32
      %get3A_250 = arith.index_cast %get3A_249 : i32 to index
      %get3A_251 = arith.index_cast %add3A_248 : i32 to index
      %get3A_252 = tpu.vector_load %arg9[%get3A_250, %get3A_251] {strides = array<i32>} : memref<16x640xf32, #tpu.memory_space<vmem>>, vector<16xf32>,
      %get3A_253 = arith.constant 1 : i32
      %get3A_254 = arith.index_cast %get3A_253 : i32 to index
      %get3A_255 = arith.index_cast %add3A_248 : i32 to index
      %get3A_256 = tpu.vector_load %arg9[%get3A_254, %get3A_255] {strides = array<i32>} : memref<16x640xf32, #tpu.memory_space<vmem>>, vector<16xf32>,
      %add3A_257 = arith.addf %get3A_252, %get3A_256 : vector<16xf32>
      %get3A_258 = arith.constant 2 : i32
      %get3A_259 = arith.index_cast %get3A_258 : i32 to index
      %get3A_260 = arith.index_cast %add3A_248 : i32 to index
      %get3A_261 = tpu.vector_load %arg9[%get3A_259, %get3A_260] {strides = array<i32>} : memref<16x640xf32, #tpu.memory_space<vmem>>, vector<16xf32>,
      %add3A_262 = arith.addf %add3A_257, %get3A_261 : vector<16xf32>
      %get3A_263 = arith.constant 3 : i32
      %get3A_264 = arith.index_cast %get3A_263 : i32 to index
      %get3A_265 = arith.index_cast %add3A_248 : i32 to index
      %get3A_266 = tpu.vector_load %arg9[%get3A_264, %get3A_265] {strides = array<i32>} : memref<16x640xf32, #tpu.memory_space<vmem>>, vector<16xf32>,
      %add3A_267 = arith.addf %add3A_262, %get3A_266 : vector<16xf32>
      %get3A_268 = arith.constant 4 : i32
      %get3A_269 = arith.index_cast %get3A_268 : i32 to index
      %get3A_270 = arith.index_cast %add3A_248 : i32 to index
      %get3A_271 = tpu.vector_load %arg9[%get3A_269, %get3A_270] {strides = array<i32>} : memref<16x640xf32, #tpu.memory_space<vmem>>, vector<16xf32>,
      %add3A_272 = arith.addf %add3A_267, %get3A_271 : vector<16xf32>
      %get3A_273 = arith.constant 5 : i32
      %get3A_274 = arith.index_cast %get3A_273 : i32 to index
      %get3A_275 = arith.index_cast %add3A_248 : i32 to index
      %get3A_276 = tpu.vector_load %arg9[%get3A_274, %get3A_275] {strides = array<i32>} : memref<16x640xf32, #tpu.memory_space<vmem>>, vector<16xf32>,
      %add3A_277 = arith.addf %add3A_272, %get3A_276 : vector<16xf32>
      %get3A_278 = arith.constant 6 : i32
      %get3A_279 = arith.index_cast %get3A_278 : i32 to index
      %get3A_280 = arith.index_cast %add3A_248 : i32 to index
      %get3A_281 = tpu.vector_load %arg9[%get3A_279, %get3A_280] {strides = array<i32>} : memref<16x640xf32, #tpu.memory_space<vmem>>, vector<16xf32>,
      %add3A_282 = arith.addf %add3A_277, %get3A_281 : vector<16xf32>
      %get3A_283 = arith.constant 7 : i32
      %get3A_284 = arith.index_cast %get3A_283 : i32 to index
      %get3A_285 = arith.index_cast %add3A_248 : i32 to index
      %get3A_286 = tpu.vector_load %arg9[%get3A_284, %get3A_285] {strides = array<i32>} : memref<16x640xf32, #tpu.memory_space<vmem>>, vector<16xf32>,
      %add3A_287 = arith.addf %add3A_282, %get3A_286 : vector<16xf32>
      %get3A_288 = arith.constant 8 : i32
      %get3A_289 = arith.index_cast %get3A_288 : i32 to index
      %get3A_290 = arith.index_cast %add3A_248 : i32 to index
      %get3A_291 = tpu.vector_load %arg9[%get3A_289, %get3A_290] {strides = array<i32>} : memref<16x640xf32, #tpu.memory_space<vmem>>, vector<16xf32>,
      %add3A_292 = arith.addf %add3A_287, %get3A_291 : vector<16xf32>
      %get3A_293 = arith.constant 9 : i32
      %get3A_294 = arith.index_cast %get3A_293 : i32 to index
      %get3A_295 = arith.index_cast %add3A_248 : i32 to index
      %get3A_296 = tpu.vector_load %arg9[%get3A_294, %get3A_295] {strides = array<i32>} : memref<16x640xf32, #tpu.memory_space<vmem>>, vector<16xf32>,
      %add3A_297 = arith.addf %add3A_292, %get3A_296 : vector<16xf32>
      %get3A_298 = arith.constant 10 : i32
      %get3A_299 = arith.index_cast %get3A_298 : i32 to index
      %get3A_300 = arith.index_cast %add3A_248 : i32 to index
      %get3A_301 = tpu.vector_load %arg9[%get3A_299, %get3A_300] {strides = array<i32>} : memref<16x640xf32, #tpu.memory_space<vmem>>, vector<16xf32>,
      %add3A_302 = arith.addf %add3A_297, %get3A_301 : vector<16xf32>
      %get3A_303 = arith.constant 11 : i32
      %get3A_304 = arith.index_cast %get3A_303 : i32 to index
      %get3A_305 = arith.index_cast %add3A_248 : i32 to index
      %get3A_306 = tpu.vector_load %arg9[%get3A_304, %get3A_305] {strides = array<i32>} : memref<16x640xf32, #tpu.memory_space<vmem>>, vector<16xf32>,
      %add3A_307 = arith.addf %add3A_302, %get3A_306 : vector<16xf32>
      %get3A_308 = arith.constant 12 : i32
      %get3A_309 = arith.index_cast %get3A_308 : i32 to index
      %get3A_310 = arith.index_cast %add3A_248 : i32 to index
      %get3A_311 = tpu.vector_load %arg9[%get3A_309, %get3A_310] {strides = array<i32>} : memref<16x640xf32, #tpu.memory_space<vmem>>, vector<16xf32>,
      %add3A_312 = arith.addf %add3A_307, %get3A_311 : vector<16xf32>
      %get3A_313 = arith.constant 13 : i32
      %get3A_314 = arith.index_cast %get3A_313 : i32 to index
      %get3A_315 = arith.index_cast %add3A_248 : i32 to index
      %get3A_316 = tpu.vector_load %arg9[%get3A_314, %get3A_315] {strides = array<i32>} : memref<16x640xf32, #tpu.memory_space<vmem>>, vector<16xf32>,
      %add3A_317 = arith.addf %add3A_312, %get3A_316 : vector<16xf32>
      %get3A_318 = arith.constant 14 : i32
      %get3A_319 = arith.index_cast %get3A_318 : i32 to index
      %get3A_320 = arith.index_cast %add3A_248 : i32 to index
      %get3A_321 = tpu.vector_load %arg9[%get3A_319, %get3A_320] {strides = array<i32>} : memref<16x640xf32, #tpu.memory_space<vmem>>, vector<16xf32>,
      %add3A_322 = arith.addf %add3A_317, %get3A_321 : vector<16xf32>
      %get3A_323 = arith.constant 15 : i32
      %get3A_324 = arith.index_cast %get3A_323 : i32 to index
      %get3A_325 = arith.index_cast %add3A_248 : i32 to index
      %get3A_326 = tpu.vector_load %arg9[%get3A_324, %get3A_325] {strides = array<i32>} : memref<16x640xf32, #tpu.memory_space<vmem>>, vector<16xf32>,
      %add3A_327 = arith.addf %add3A_322, %get3A_326 : vector<16xf32>
      %swap3A_328 = arith.index_cast %add3A_248 : i32 to index
      %swap3A_329 = tpu.vector_load %arg10[%swap3A_328] {strides = array<i32>} : memref<640xf32, #tpu.memory_space<vmem>>, vector<16xf32>,
      tpu.vector_store %arg10[%swap3A_328], %add3A_327 {strides = array<i32>} : memref<640xf32, #tpu.memory_space<vmem>>, vector<16xf32>,
      %mul3A_330 = arith.constant 4 : i32
      %mul3A_331 = arith.muli %scan3A_70, %mul3A_330 : i32
      %mul3A_332 = arith.constant 16 : i32
      %mul3A_333 = arith.muli %mul3A_331, %mul3A_332 : i32
      %add3A_334 = arith.constant 48 : i32
      %add3A_335 = arith.addi %mul3A_333, %add3A_334 : i32
      %get3A_336 = arith.constant 0 : i32
      %get3A_337 = arith.index_cast %get3A_336 : i32 to index
      %get3A_338 = arith.index_cast %add3A_335 : i32 to index
      %get3A_339 = tpu.vector_load %arg9[%get3A_337, %get3A_338] {strides = array<i32>} : memref<16x640xf32, #tpu.memory_space<vmem>>, vector<16xf32>,
      %get3A_340 = arith.constant 1 : i32
      %get3A_341 = arith.index_cast %get3A_340 : i32 to index
      %get3A_342 = arith.index_cast %add3A_335 : i32 to index
      %get3A_343 = tpu.vector_load %arg9[%get3A_341, %get3A_342] {strides = array<i32>} : memref<16x640xf32, #tpu.memory_space<vmem>>, vector<16xf32>,
      %add3A_344 = arith.addf %get3A_339, %get3A_343 : vector<16xf32>
      %get3A_345 = arith.constant 2 : i32
      %get3A_346 = arith.index_cast %get3A_345 : i32 to index
      %get3A_347 = arith.index_cast %add3A_335 : i32 to index
      %get3A_348 = tpu.vector_load %arg9[%get3A_346, %get3A_347] {strides = array<i32>} : memref<16x640xf32, #tpu.memory_space<vmem>>, vector<16xf32>,
      %add3A_349 = arith.addf %add3A_344, %get3A_348 : vector<16xf32>
      %get3A_350 = arith.constant 3 : i32
      %get3A_351 = arith.index_cast %get3A_350 : i32 to index
      %get3A_352 = arith.index_cast %add3A_335 : i32 to index
      %get3A_353 = tpu.vector_load %arg9[%get3A_351, %get3A_352] {strides = array<i32>} : memref<16x640xf32, #tpu.memory_space<vmem>>, vector<16xf32>,
      %add3A_354 = arith.addf %add3A_349, %get3A_353 : vector<16xf32>
      %get3A_355 = arith.constant 4 : i32
      %get3A_356 = arith.index_cast %get3A_355 : i32 to index
      %get3A_357 = arith.index_cast %add3A_335 : i32 to index
      %get3A_358 = tpu.vector_load %arg9[%get3A_356, %get3A_357] {strides = array<i32>} : memref<16x640xf32, #tpu.memory_space<vmem>>, vector<16xf32>,
      %add3A_359 = arith.addf %add3A_354, %get3A_358 : vector<16xf32>
      %get3A_360 = arith.constant 5 : i32
      %get3A_361 = arith.index_cast %get3A_360 : i32 to index
      %get3A_362 = arith.index_cast %add3A_335 : i32 to index
      %get3A_363 = tpu.vector_load %arg9[%get3A_361, %get3A_362] {strides = array<i32>} : memref<16x640xf32, #tpu.memory_space<vmem>>, vector<16xf32>,
      %add3A_364 = arith.addf %add3A_359, %get3A_363 : vector<16xf32>
      %get3A_365 = arith.constant 6 : i32
      %get3A_366 = arith.index_cast %get3A_365 : i32 to index
      %get3A_367 = arith.index_cast %add3A_335 : i32 to index
      %get3A_368 = tpu.vector_load %arg9[%get3A_366, %get3A_367] {strides = array<i32>} : memref<16x640xf32, #tpu.memory_space<vmem>>, vector<16xf32>,
      %add3A_369 = arith.addf %add3A_364, %get3A_368 : vector<16xf32>
      %get3A_370 = arith.constant 7 : i32
      %get3A_371 = arith.index_cast %get3A_370 : i32 to index
      %get3A_372 = arith.index_cast %add3A_335 : i32 to index
      %get3A_373 = tpu.vector_load %arg9[%get3A_371, %get3A_372] {strides = array<i32>} : memref<16x640xf32, #tpu.memory_space<vmem>>, vector<16xf32>,
      %add3A_374 = arith.addf %add3A_369, %get3A_373 : vector<16xf32>
      %get3A_375 = arith.constant 8 : i32
      %get3A_376 = arith.index_cast %get3A_375 : i32 to index
      %get3A_377 = arith.index_cast %add3A_335 : i32 to index
      %get3A_378 = tpu.vector_load %arg9[%get3A_376, %get3A_377] {strides = array<i32>} : memref<16x640xf32, #tpu.memory_space<vmem>>, vector<16xf32>,
      %add3A_379 = arith.addf %add3A_374, %get3A_378 : vector<16xf32>
      %get3A_380 = arith.constant 9 : i32
      %get3A_381 = arith.index_cast %get3A_380 : i32 to index
      %get3A_382 = arith.index_cast %add3A_335 : i32 to index
      %get3A_383 = tpu.vector_load %arg9[%get3A_381, %get3A_382] {strides = array<i32>} : memref<16x640xf32, #tpu.memory_space<vmem>>, vector<16xf32>,
      %add3A_384 = arith.addf %add3A_379, %get3A_383 : vector<16xf32>
      %get3A_385 = arith.constant 10 : i32
      %get3A_386 = arith.index_cast %get3A_385 : i32 to index
      %get3A_387 = arith.index_cast %add3A_335 : i32 to index
      %get3A_388 = tpu.vector_load %arg9[%get3A_386, %get3A_387] {strides = array<i32>} : memref<16x640xf32, #tpu.memory_space<vmem>>, vector<16xf32>,
      %add3A_389 = arith.addf %add3A_384, %get3A_388 : vector<16xf32>
      %get3A_390 = arith.constant 11 : i32
      %get3A_391 = arith.index_cast %get3A_390 : i32 to index
      %get3A_392 = arith.index_cast %add3A_335 : i32 to index
      %get3A_393 = tpu.vector_load %arg9[%get3A_391, %get3A_392] {strides = array<i32>} : memref<16x640xf32, #tpu.memory_space<vmem>>, vector<16xf32>,
      %add3A_394 = arith.addf %add3A_389, %get3A_393 : vector<16xf32>
      %get3A_395 = arith.constant 12 : i32
      %get3A_396 = arith.index_cast %get3A_395 : i32 to index
      %get3A_397 = arith.index_cast %add3A_335 : i32 to index
      %get3A_398 = tpu.vector_load %arg9[%get3A_396, %get3A_397] {strides = array<i32>} : memref<16x640xf32, #tpu.memory_space<vmem>>, vector<16xf32>,
      %add3A_399 = arith.addf %add3A_394, %get3A_398 : vector<16xf32>
      %get3A_400 = arith.constant 13 : i32
      %get3A_401 = arith.index_cast %get3A_400 : i32 to index
      %get3A_402 = arith.index_cast %add3A_335 : i32 to index
      %get3A_403 = tpu.vector_load %arg9[%get3A_401, %get3A_402] {strides = array<i32>} : memref<16x640xf32, #tpu.memory_space<vmem>>, vector<16xf32>,
      %add3A_404 = arith.addf %add3A_399, %get3A_403 : vector<16xf32>
      %get3A_405 = arith.constant 14 : i32
      %get3A_406 = arith.index_cast %get3A_405 : i32 to index
      %get3A_407 = arith.index_cast %add3A_335 : i32 to index
      %get3A_408 = tpu.vector_load %arg9[%get3A_406, %get3A_407] {strides = array<i32>} : memref<16x640xf32, #tpu.memory_space<vmem>>, vector<16xf32>,
      %add3A_409 = arith.addf %add3A_404, %get3A_408 : vector<16xf32>
      %get3A_410 = arith.constant 15 : i32
      %get3A_411 = arith.index_cast %get3A_410 : i32 to index
      %get3A_412 = arith.index_cast %add3A_335 : i32 to index
      %get3A_413 = tpu.vector_load %arg9[%get3A_411, %get3A_412] {strides = array<i32>} : memref<16x640xf32, #tpu.memory_space<vmem>>, vector<16xf32>,
      %add3A_414 = arith.addf %add3A_409, %get3A_413 : vector<16xf32>
      %swap3A_415 = arith.index_cast %add3A_335 : i32 to index
      %swap3A_416 = tpu.vector_load %arg10[%swap3A_415] {strides = array<i32>} : memref<640xf32, #tpu.memory_space<vmem>>, vector<16xf32>,
      tpu.vector_store %arg10[%swap3A_415], %add3A_414 {strides = array<i32>} : memref<640xf32, #tpu.memory_space<vmem>>, vector<16xf32>,
    }
    %scan3A_66 = arith.constant 10 : i32
    %mul3A_67 = arith.constant 10240 : i32
    %mul3A_68 = arith.muli %arg0, %mul3A_67 : i32
    %add3A_69 = arith.addi %mul3A_68, %mul3A_21 : i32
    "tpu.region"() ({
      %run_scoped3A = tpu.sem_alloc : memref<!tpu.dma_semaphore, #tpu.memory_space<semaphore_mem>>
      %dma_start3A_70 = tpu.memref_slice %arg4[%add3A_69] : memref<20480xf32, #tpu.memory_space<hbm>> -> memref<640xf32, #tpu.memory_space<hbm>>
      %dma_start3A_71 = tpu.memref_slice %arg4[%add3A_69] : memref<20480xf32, #tpu.memory_space<hbm>> -> memref<640xf32, #tpu.memory_space<hbm>>
      tpu.enqueue_dma source(%arg10 : memref<640xf32, #tpu.memory_space<vmem>>) target(%dma_start3A_71 : memref<640xf32, #tpu.memory_space<hbm>>) target_semaphore(%run_scoped3A : memref<!tpu.dma_semaphore, #tpu.memory_space<semaphore_mem>>)
      %dma_wait3A_72 = tpu.memref_slice %arg4[%add3A_69] : memref<20480xf32, #tpu.memory_space<hbm>> -> memref<640xf32, #tpu.memory_space<hbm>>
      %dma_wait3A_73 = tpu.memref_slice %arg4[%add3A_69] : memref<20480xf32, #tpu.memory_space<hbm>> -> memref<640xf32, #tpu.memory_space<hbm>>
      tpu.wait_dma2 semaphore(%run_scoped3A : memref<!tpu.dma_semaphore, #tpu.memory_space<semaphore_mem>>) src(%arg10 : memref<640xf32, #tpu.memory_space<vmem>>) dst(%dma_wait3A_73 : memref<640xf32, #tpu.memory_space<hbm>>)
      tpu.yield
    }) : () -> ()
    return
  }
}

module attributes {stable_mosaic.version = 14 : i64} {
  func.func @_dense_body(%arg0: memref<10000x128xf32, #tpu.memory_space<vmem>>, %arg1: memref<128x128xf32, #tpu.memory_space<vmem>>, %arg2: memref<128x128xf32, #tpu.memory_space<vmem>>, %arg3: memref<1x128xf32, #tpu.memory_space<vmem>>, %arg4: memref<1x10240xf32, #tpu.memory_space<vmem>>, %arg5: memref<1x20480xf32, #tpu.memory_space<vmem>>, %arg6: memref<10000x128xf32, #tpu.memory_space<vmem>>) attributes {dimension_semantics = [], scalar_prefetch = 0 : i64, scratch_operands = 0 : i64, tpu.core_type = #tpu.core_type<tc>} {
    %get3A = arith.constant 0 : index
    %get3A_0 = arith.constant 0 : index
    %get3A_1 = vector.load %arg4[%get3A, %get3A_0] : memref<1x10240xf32, #tpu.memory_space<vmem>>, vector<1x10000xf32>
    %get3A_2 = arith.constant 0 : index
    %get3A_3 = arith.constant 0 : index
    %get3A_4 = vector.load %arg5[%get3A_2, %get3A_3] : memref<1x20480xf32, #tpu.memory_space<vmem>>, vector<1x10000xf32>
    %get3A_5 = arith.constant 0 : index
    %get3A_6 = arith.constant 10240 : index
    %get3A_7 = vector.load %arg5[%get3A_5, %get3A_6] : memref<1x20480xf32, #tpu.memory_space<vmem>>, vector<1x10000xf32>
    %add3A = arith.addf %get3A_4, %get3A_7 : vector<1x10000xf32>
    %add3A_8 = arith.addf %add3A, %get3A_1 : vector<1x10000xf32>
    %mul3A = arith.mulf %get3A_1, %add3A_8 : vector<1x10000xf32>
    %get3A_9 = arith.constant 0 : index
    %get3A_10 = arith.constant 0 : index
    %get3A_11 = vector.load %arg1[%get3A_9, %get3A_10] : memref<128x128xf32, #tpu.memory_space<vmem>>, vector<128x128xf32>
    %get3A_12 = arith.constant 0 : index
    %get3A_13 = arith.constant 0 : index
    %get3A_14 = vector.load %arg0[%get3A_12, %get3A_13] : memref<10000x128xf32, #tpu.memory_space<vmem>>, vector<10000x128xf32>
    %dot_general3A = arith.constant dense<0.000000e+00> : vector<128x10000xf32>
    %dot_general3A_15 = tpu.matmul %get3A_11, %get3A_14, %dot_general3A {dimension_numbers = #tpu.dot_dimension_numbers<[1], [1], [0], [0], [0, 0, 1, 0], [], []>, transpose_lhs_hint = false} : vector<128x128xf32>, vector<10000x128xf32>, vector<128x10000xf32> -> vector<128x10000xf32>
    %mul3A_16 = vector.broadcast %mul3A : vector<1x10000xf32> to vector<128x10000xf32>
    %mul3A_17 = arith.mulf %dot_general3A_15, %mul3A_16 : vector<128x10000xf32>
    %reduce_sum3A = arith.constant dense<0.000000e+00> : vector<128xf32>
    %reduce_sum3A_18 = vector.multi_reduction <add>, %mul3A_17, %reduce_sum3A [1] : vector<128x10000xf32> to vector<128xf32>
    %broadcast_in_dim3A = vector.shape_cast %reduce_sum3A_18 : vector<128xf32> to vector<128x1xf32>
    %div3A = arith.constant 1.000000e+04 : f32
    %div3A_19 = vector.broadcast %div3A : f32 to vector<128x1xf32>
    %div3A_20 = arith.divf %broadcast_in_dim3A, %div3A_19 : vector<128x1xf32>
    %mul3A_21 = arith.mulf %mul3A_17, %mul3A_17 : vector<128x10000xf32>
    %reduce_sum3A_22 = arith.constant dense<0.000000e+00> : vector<128xf32>
    %reduce_sum3A_23 = vector.multi_reduction <add>, %mul3A_21, %reduce_sum3A_22 [1] : vector<128x10000xf32> to vector<128xf32>
    %broadcast_in_dim3A_24 = vector.shape_cast %reduce_sum3A_23 : vector<128xf32> to vector<128x1xf32>
    %div3A_25 = arith.constant 1.000000e+04 : f32
    %div3A_26 = vector.broadcast %div3A_25 : f32 to vector<128x1xf32>
    %div3A_27 = arith.divf %broadcast_in_dim3A_24, %div3A_26 : vector<128x1xf32>
    %mul3A_28 = arith.mulf %div3A_20, %div3A_20 : vector<128x1xf32>
    %sub3A = arith.subf %div3A_27, %mul3A_28 : vector<128x1xf32>
    %add3A_29 = arith.constant 9.99999974E-6 : f32
    %add3A_30 = vector.broadcast %add3A_29 : f32 to vector<128x1xf32>
    %add3A_31 = arith.addf %sub3A, %add3A_30 : vector<128x1xf32>
    %rsqrt3A = math.rsqrt %add3A_31 : vector<128x1xf32>
    %sub3A_32 = vector.broadcast %div3A_20 : vector<128x1xf32> to vector<128x10000xf32>
    %sub3A_33 = arith.subf %mul3A_17, %sub3A_32 : vector<128x10000xf32>
    %mul3A_34 = vector.broadcast %rsqrt3A : vector<128x1xf32> to vector<128x10000xf32>
    %mul3A_35 = arith.mulf %sub3A_33, %mul3A_34 : vector<128x10000xf32>
    %max3A = arith.constant 0.000000e+00 : f32
    %max3A_36 = vector.broadcast %max3A : f32 to vector<128x10000xf32>
    %max3A_37 = arith.maximumf %mul3A_35, %max3A_36 : vector<128x10000xf32>
    %mul3A_38 = vector.broadcast %mul3A : vector<1x10000xf32> to vector<128x10000xf32>
    %mul3A_39 = arith.mulf %max3A_37, %mul3A_38 : vector<128x10000xf32>
    %get3A_40 = arith.constant 0 : index
    %get3A_41 = arith.constant 0 : index
    %get3A_42 = vector.load %arg2[%get3A_40, %get3A_41] : memref<128x128xf32, #tpu.memory_space<vmem>>, vector<128x128xf32>
    %dot_general3A_43 = arith.constant dense<0.000000e+00> : vector<10000x128xf32>
    %dot_general3A_44 = tpu.matmul %mul3A_39, %get3A_42, %dot_general3A_43 {dimension_numbers = #tpu.dot_dimension_numbers<[0], [1], [1], [0], [0, 1, 1, 0], [], []>, transpose_lhs_hint = false} : vector<128x10000xf32>, vector<128x128xf32>, vector<10000x128xf32> -> vector<10000x128xf32>
    %get3A_45 = arith.constant 0 : index
    %get3A_46 = arith.constant 0 : index
    %get3A_47 = vector.load %arg3[%get3A_45, %get3A_46] : memref<1x128xf32, #tpu.memory_space<vmem>>, vector<1x128xf32>
    %add3A_48 = vector.broadcast %get3A_47 : vector<1x128xf32> to vector<10000x128xf32>
    %add3A_49 = arith.addf %dot_general3A_44, %add3A_48 : vector<10000x128xf32>
    %swap3A = arith.constant 0 : index
    %swap3A_50 = arith.constant 0 : index
    %swap3A_51 = vector.load %arg6[%swap3A, %swap3A_50] : memref<10000x128xf32, #tpu.memory_space<vmem>>, vector<10000x128xf32>
    tpu.vector_store %arg6[%swap3A, %swap3A_50], %add3A_49 {strides = array<i32>} : memref<10000x128xf32, #tpu.memory_space<vmem>>, vector<10000x128xf32>,
    return
  }
}

</mosaic_0001>

<sc_bundles>
// kernel: kernel.4.cloned.1.call-start
scs
__scs_entry_jumppad:
0x0: {  	(pc) =	sbr.rel $0x88, $3  }
0x1: {  	(tag) =	ssettag $0x0;
	lr =	simm.s32 $0x1  }
0x2: {  	[smem:$0x3F9C] =	sst lr;
	_ =	strace $0xD0000000  }
0x3: {  	_ = 	snop  }
0x4: {  	_ = 	snop  }
0x5: {  	_ = 	snop  }
0x6: {  	_ = 	snop  }
0x7: {  	_ = 	snop  }
__scs_overlays_trampoline_lowered:
0x8: {  	[smem:$0x3FAB] =	sst s0  }
0x9: {  	[smem:$0x3FAC] =	sst s1  }
0xa: {  	[smem:$0x3FAD] =	sst s2  }
0xb: {  	[smem:$0x3FAE] =	sst s3  }
0xc: {  	[smem:$0x3FAF] =	sst s4  }
0xd: {  	[smem:$0x3FB0] =	sst s5  }
0xe: {  	[smem:$0x3FB1] =	sst s6  }
0xf: {  	[smem:$0x3FB2] =	sst s7  }
0x10: {  	[smem:$0x3FB3] =	sst s8  }
0x11: {  	[smem:$0x3FB4] =	sst s9;
	s0 =	simm.s32 @!p0 $0x0  }
0x12: {  	s1 =	sld [smem:$0x3F9A];
	s0 =	simm.s32 @p0 $0x1  }
0x13: {  	[smem:$0x3FB5] =	sst s0;
	s0 =	simm.s32 @!p1 $0x0  }
0x14: {  	s2 =	sld [smem:$0x3F99];
	s0 =	simm.s32 @p1 $0x1  }
0x15: {  	[smem:$0x3FB6] =	sst s0;
	s0 =	simm.s32 @!p2 $0x0  }
0x16: {  	s3 =	sld [smem:$0x3FDB];
	s0 =	simm.s32 @p2 $0x1  }
0x17: {  	s4 =	simm.s32 $0x1BF5;
	[smem:$0x3FB8] =	sst s0  }
0x18: {  	s0 =	sld [smem:$0x3F9B];
	_ =	swait.ge [sflag:s4], $0x0  }
0x19: {  	s7 =	sld [smem:$0x3F9C]  }
0x1a: {  	s8 =	sadd.s32 $0xFFFFE003, lr  }
0x1b: {  	s9 =	sadd.s32 $0xFFFFFEF7, lr;
	s5 =	simm.s32 $0xFFFFFFFF;
	p2 =	slt.u32 s8, $0xFFFFF086  }
0x1c: {  	p1 =	slt.u32 s9, $0xF7A;
	s5 =	simm.s32 @!p2 $0x0  }
0x1d: {  	s5 =	simm.s32 @p1 $0x1;
	p0 =	seq.s32 s7, s2  }
0x1e: {  	s7 =	smul.u32 @!p0 $0xF7A, s2;
	p2 =	seq.s32 @!p0 s5, $0x0  }
0x1f: {  	s9 =	smul.u32 $0xF7A, s1;
	s8 =	simm.s32 @!p0 $0x1BF5;
	p2 =	por !p2, p0  }
0x20: {  	[sflag:s8] =	ssyncset.s32 @!p0 $0xFFFFF086;
	s6 =	sadd.s32 @!p0 s3, s7;
	s7 =	simm.s32 @!p0 $0x108  }
0x21: {  	s3 =	sadd.s32 s3, s9;
	s6 =	sadd.s32 @!p0 $0x88, s6;
	s7 =	simm.s32 @p2 $0x1082  }
0x22: {  	[simem:s7], [sflag:s8] =	dma.local @!p0 [hbm:s6], $0xF7A  }
0x23: {  	s9 =	sor.u32 $0xD0000000, s2;
	s6 =	simm.s32 $0x108;
	_ =	swait.ge @!p0 [sflag:s8], $0x0  }
0x24: {  	s3 =	sadd.s32 $0x88, s3;
	s6 =	simm.s32 @!p1 $0x1082;
	[sflag:s4] =	ssyncset.s32 $0xFFFFF086  }
0x25: {  	[simem:s6], [sflag:s4] =	dma.local [hbm:s3], $0xF7A  }
0x26: {  	[smem:$0x3F9C] =	sst s1;
	(tag) =	ssettag s2;
	_ =	strace s9  }
0x27: {  	s1 =	sld [smem:$0x3FAC]  }
0x28: {  	s2 =	sld [smem:$0x3FAD]  }
0x29: {  	s4 =	sld [smem:$0x3FAF]  }
0x2a: {  	p0 =	seq.s32 s5, $0x0;
	s5 =	sld [smem:$0x3FB0]  }
0x2b: {  	s6 =	sld [smem:$0x3FB1]  }
0x2c: {  	s7 =	sld [smem:$0x3FB2]  }
0x2d: {  	s3 =	simm.s32 $0x108;
	s8 =	sld [smem:$0x3FB3]  }
0x2e: {  	s3 =	simm.s32 @!p0 $0x1082;
	s9 =	sld [smem:$0x3FB4]  }
0x2f: {  	lr =	sadd.s32 s0, s3;
	s0 =	sld [smem:$0x3FAB]  }
0x30: {  	s3 =	sld [smem:$0x3FAE]  }
0x31: {  	[smem:$0x3FB7] =	sst s10  }
0x32: {  	s10 =	sld [smem:$0x3FB5];
	_ =	sdelay $0x3  }
0x33: {  	p0 =	seq.s32 s10, $0x1;
	s10 =	sld [smem:$0x3FB7];
	_ =	sdelay $0x3  }
0x34: {  	[smem:$0x3FB7] =	sst s10  }
0x35: {  	s10 =	sld [smem:$0x3FB6];
	_ =	sdelay $0x3  }
0x36: {  	p1 =	seq.s32 s10, $0x1;
	s10 =	sld [smem:$0x3FB7];
	_ =	sdelay $0x3  }
0x37: {  	[smem:$0x3FB7] =	sst s10  }
0x38: {  	s10 =	sld [smem:$0x3FB8]  }
0x39: {  	_ = 	snop;
	(pc) =	sbr.ind lr, $3  }
0x3a: {  	_ = 	snop  }
0x3b: {  	_ = 	snop  }
0x3c: {  	p2 =	seq.s32 s10, $0x1;
	s10 =	sld [smem:$0x3FB7]  }
0x3d: {  	_ =	shalt  }
0x3e: {  	_ =	shalt  }
0x3f: {  	_ =	shalt  }
0x40: {  	_ =	shalt  }
0x41: {  	_ =	shalt  }
0x42: {  	_ =	shalt  }
0x43: {  	_ =	shalt  }
0x44: {  	_ =	shalt  }
0x45: {  	_ =	shalt  }
0x46: {  	_ =	shalt  }
0x47: {  	_ =	shalt  }
0x48: {  	_ =	shalt  }
0x49: {  	_ =	shalt  }
0x4a: {  	_ =	shalt  }
0x4b: {  	_ =	shalt  }
0x4c: {  	_ =	shalt  }
0x4d: {  	_ =	shalt  }
0x4e: {  	_ =	shalt  }
0x4f: {  	_ =	shalt  }
0x50: {  	_ =	shalt  }
0x51: {  	_ =	shalt  }
0x52: {  	_ =	shalt  }
0x53: {  	_ =	shalt  }
0x54: {  	_ =	shalt  }
0x55: {  	_ =	shalt  }
0x56: {  	_ =	shalt  }
0x57: {  	_ =	shalt  }
0x58: {  	_ =	shalt  }
0x59: {  	_ =	shalt  }
0x5a: {  	_ =	shalt  }
0x5b: {  	_ =	shalt  }
0x5c: {  	_ =	shalt  }
0x5d: {  	_ =	shalt  }
0x5e: {  	_ =	shalt  }
0x5f: {  	_ =	shalt  }
0x60: {  	_ =	shalt  }
0x61: {  	_ =	shalt  }
0x62: {  	_ =	shalt  }
0x63: {  	_ =	shalt  }
0x64: {  	_ =	shalt  }
0x65: {  	_ =	shalt  }
0x66: {  	_ =	shalt  }
0x67: {  	_ =	shalt  }
0x68: {  	_ =	shalt  }
0x69: {  	_ =	shalt  }
0x6a: {  	_ =	shalt  }
0x6b: {  	_ =	shalt  }
0x6c: {  	_ =	shalt  }
0x6d: {  	_ =	shalt  }
0x6e: {  	_ =	shalt  }
0x6f: {  	_ =	shalt  }
0x70: {  	_ =	shalt  }
0x71: {  	_ =	shalt  }
0x72: {  	_ =	shalt  }
0x73: {  	_ =	shalt  }
0x74: {  	_ =	shalt  }
0x75: {  	_ =	shalt  }
0x76: {  	_ =	shalt  }
0x77: {  	_ =	shalt  }
0x78: {  	_ =	shalt  }
0x79: {  	_ =	shalt  }
0x7a: {  	_ =	shalt  }
0x7b: {  	_ =	shalt  }
0x7c: {  	_ =	shalt  }
0x7d: {  	_ =	shalt  }
0x7e: {  	_ =	shalt  }
0x7f: {  	_ =	shalt  }
0x80: {  	_ =	shalt  }
0x81: {  	_ =	shalt  }
0x82: {  	_ =	shalt  }
0x83: {  	_ =	shalt  }
0x84: {  	_ =	shalt  }
0x85: {  	_ =	shalt  }
0x86: {  	_ =	shalt  }
0x87: {  	_ =	shalt  }
.Lfunc_end0:
.L_simem_size_0:
called_computation_lowered:
.L_overlay_start_0:
0x88: {  	s2 =	sld [smem:$0x3FD9]  }
0x89: {  	s3 =	sld [smem:$0x3FFE];
	_ =	sdelay $0x1  }
0x8a: {  	s1 =	srdreg.scid  }
0x8b: {  	s0 =	sand.u32 $0x1, s1  }
0x8c: {  	s17 =	sshll.u32 s0, $0xA;
	s2 =	sadd.s32 s3, s2  }
0x8d: {  	s2 =	sadd.s32 s2, s17  }
0x8e: {  	[smem:$0x3FC3] =	sst s2  }
0x8f: {  	_ = 	snop  }
0x90: {  	s2 =	sld [smem:$0x3FC8]  }
0x91: {  	s18 =	sld [smem:$0x3FD0];
	(tm) =	ssettm $0x1  }
0x92: {  	s4 =	sld [smem:$0x3FFB];
	_ =	sdelay $0x3  }
0x93: {  	_ =	strace s4  }
0x94: {  	s4 =	sld [smem:$0x3FFC];
	_ =	sdelay $0x3  }
0x95: {  	_ =	strace s4  }
0x96: {  	s4 =	sld [smem:$0x3FFD];
	_ =	sdelay $0x3  }
0x97: {  	_ =	strace s4  }
0x98: {  	_ =	strace $0x8FFFFFFF  }
0x99: {  	s19 =	sld [smem:$0x3FDB];
	_ =	sdelay $0x1  }
0x9a: {  	s5 =	simm.s32 $_scs_section_size  }
0x9b: {  	s6 =	simm.s32 $_size__tile_overlayer_lowered;
	s7 =	simm.s32 $_tile_overlayer_lowered  }
0x9c: {  	s22 =	simm.s32 $0x1BFF;
	s21 =	sshll.u32 s7, $0x1;
	s4 =	sadd.s32 s5, s19  }
0x9d: {  	s8 =	simm.s32 $0x0;
	s20 =	sshll.u32 s6, $0x1;
	s6 =	sadd.s32 s21, s4  }
0x9e: {  	[timem:s8], [sflag:s22] =	dma.local [hbm:s6], s20  }
0x9f: {  	_ =	swait.ge [sflag:s22], s20  }
0xa0: {  	s5 =	ssub.s32 $0x0, s20;
	[sflag:s22] =	ssyncset.done $0x0  }
0xa1: {  	[sflag:s22] =	ssyncadd.s32 s5;
	_ =	sdelay $0x1  }
0xa2: {  	s23 =	simm.s32 $0x1B8B  }
0xa3: {  	_ =	swait.ge [sflag:s23], $0x1  }
0xa4: {  	[sflag:s23] =	ssyncset.done $0x0  }
0xa5: {  	s25 =	simm.s32 $0x1B8E;
	s24 =	sld [smem:$0x3FFE];
	[sflag:s23] =	ssyncadd.s32 $0xFFFFFFFF  }
0xa6: {  	s26 =	simm.s32 $execute0_lowered;
	[smem:$0x3FD2] =	sst s25  }
0xa7: {  	s6 =	sshll.u32 s26, $0x1;
	_ =	strace $0x80000046;
	[dreg:$0x1] =	wrdreg $0xFFFFFFFF  }
0xa8: {  	s28 =	simm.s32 $_size_execute0_lowered;
	s4 =	sadd.s32 s4, s6;
	[dreg:$0x0] =	wrdreg $0x0  }
0xa9: {  	s6 =	sshll.u32 s28, $0x1;
	[dreg:$0x2] =	wrdreg s4  }
0xaa: {  	[dreg:$0x3] =	wrdreg s6  }
0xab: {  	[dreg:$0x4] =	wrdreg $0xC0  }
0xac: {  	_ =	task [dreg:s8], $0x5FFFF  }
0xad: {  	[dreg:$0x1] =	wrdreg $0xFFFFFFFF  }
0xae: {  	[dreg:$0x0] =	wrdreg $0x60  }
0xaf: {  	[dreg:$0x2] =	wrdreg s2  }
0xb0: {  	[dreg:$0x3] =	wrdreg s24  }
0xb1: {  	[dreg:$0x4] =	wrdreg s18  }
0xb2: {  	[dreg:$0x5] =	wrdreg $0x142000  }
0xb3: {  	[dreg:$0x6] =	wrdreg $0x16A000  }
0xb4: {  	[dreg:$0x7] =	wrdreg $0x9  }
0xb5: {  	_ =	task.clear_ibuf [dreg:s8], $0x8FFFF;
	_ =	strace $0x90000046  }
0xb6: {  	s29 =	simm.s32 $0x9;
	_ =	strace $0x80000048  }
0xb7: {  	_ =	swait.ge [sflag:s29], $0x1  }
0xb8: {  	[sflag:s29] =	ssyncadd.s32 $0xFFFFFFFF  }
0xb9: {  	_ =	strace $0x90000048  }
0xba: {  	_ =	sfence  }
0xbb: {  	s30 =	sld [smem:$0x0];
	_ =	sdelay $0x2  }
0xbc: {  	s31 =	sshll.u32 s1, $0xD;
	s1 =	sshrl.u32 s1, $0x2  }
0xbd: {  	s3 =	sand.u32 $0x4000, s31;
	s1 =	sadd.s32 s1, s30  }
0xbe: {  	s0 =	sor.u32 s3, s0;
	s1 =	sshll.u32 s1, $0x11  }
0xbf: {  	s0 =	sor.u32 s1, s0  }
0xc0: {  	s0 =	sadd.s32 $0x8F2B, s0  }
0xc1: {  	[sflag:s0] =	ssyncadd.remote.s32 $0x1  }
0xc2: {  	_ =	sfence.sel $0xFFFF  }
0xc3: {  	[dreg:$0x0] =	wrdreg $0xFFFFFFFF;
	(pc) =	sbr.abs _section_cstart, $3  }
0xc4: {  	[dreg:$0x1] =	wrdreg $0xFFFFFFFF  }
0xc5: {  	_ =	task.clear_ibuf [dreg:s8], $0x2FFFF;
	_ =	strace $0x9FFFFFFF  }
0xc6: {  	(tm) =	ssettm $0x7FFFFFFF  }
0xc7: {  	_ =	shalt  }
tec
execute0_lowered:
.L_overlay_start_1:
0x0: {  	(tag) =	ssettag $0x1  }
0x1: {  	s0 =	rddreg [dreg:$0x0]  }
0x2: {  	s1 =	rddreg [dreg:$0x1]  }
0x3: {  	s2 =	rddreg [dreg:$0x2];
	s10 =	stileid.u32  }
0x4: {  	s3 =	rddreg [dreg:$0x3];
	s4 =	smul.u32 $0x280, s10  }
0x5: {  	s11 =	rddreg [dreg:$0x4];
	s12 =	simm.s32 $0x0;
	s8 =	smul.u32 $0x4E20, s10  }
0x6: {  	s5 =	srdreg.scid;
	s9 =	sshrl.u32 s10, $0x3;
	s20 =	smul.u32 $0x5000, s10  }
0x7: {  	[smem:$0x7FF] =	sst s12;
	s5 =	sand.u32 $0x1, s5;
	s9 =	smul.u32 $0x50000, s9  }
0x8: {  	s21 =	sshll.u32 s10, $0x7;
	s28 =	sand.u32 $0x3, s10;
	s24 =	smul.u32 $0x2800, s5  }
0x9: {  	_ =	strace $0x80000047;
	s7 =	ssub.s32 $0x2, s5;
	s26 =	smul.u32 $0x2710, s5  }
0xa: {  	s6 =	sshrl.u32 s4, $0x3;
	s18 =	sshrl.u32 s7, $0x1;
	s19 =	sshrl.u32 s8, $0x2  }
0xb: {  	s13 =	sand.u32 $0x60, s8;
	s8 =	sshrl.u32 s20, $0x2;
	s25 =	sadd.s32 s4, s11  }
0xc: {  	s1 =	sadd.s32 s6, s1;
	s6 =	ssub.s32 s7, s18;
	[smem:$0x7F8] =	sst s25  }
0xd: {  	s7 =	sand.u32 $0x1FFE0, s19;
	s23 =	sadd.s32 s8, s3;
	[dreg:$0x1d] =	wrdreg s13  }
0xe: {  	s29 =	smul.u32 $0x4E20, s5;
	s0 =	sadd.s32 s0, s7;
	[smem:$0x7F7] =	sst s23  }
0xf: {  	s22 =	sshrl.u32 s9, $0x2;
	s1 =	sadd.s32 $0x1400, s1;
	[dreg:$0x1e] =	wrdreg s0  }
0x10: {  	s7 =	sadd.s32 s22, s3;
	s30 =	smax.u32 s6, $0x1;
	[smem:$0x7F9] =	sst s1  }
0x11: {  	s0 =	sand.u32 $0x380, s21;
	s1 =	sadd.s32 s26, s13;
	[smem:$0x7FC] =	sst s30  }
0x12: {  	p0 =	sne.s32 s5, $0x0;
	s0 =	sadd.s32 s0, s7;
	[smem:$0x7FA] =	sst s1  }
0x13: {  	s7 =	sshll.u32 s28, $0x6;
	[dreg:$0x1f] =	wrdreg s0;
	s0 =	sadd.s32 s4, s24  }
0x14: {  	s31 =	sadd.s32 s7, s29;
	[smem:$0x7FD] =	sst s7;
	s0 =	sshrl.u32 s0, $0x3  }
0x15: {  	s8 =	simm.s32 $0x2;
	[dreg:$0x1c] =	wrdreg s31;
	s0 =	sadd.s32 s2, s0  }
0x16: {  	v0 =	vimm.f32 $0.0e+00;
	v1 =	vimm.f32 $1.000000000e+00;
	s6 =	simm.s32 $0x9D00;
	s1 =	simm.s32 $0x0;
	[smem:$0x7FB] =	sst s0  }
.LBB2_1:
0x17: {  	s0 =	rddreg [dreg:$0x1e]  }
0x18: {  	[tilespmem:s12], [sflag:$0x1] =	stream.linear.gather [hbm4b:s0+s12], $0x9D00, $0x38;
	[tilespmem:$0x16C80] =	vst v63  }
0x19: {  	[smem:$0x7F6] =	sst s1;
	s1 =	simm.s32 $0x200;
	s0 =	simm.s32 $0x0  }
.LBB2_2:
0x1a: {  	p1 =	sne.s32 s1, $0x9E00;
	[tilespmem:s0+$0xC570] =	vst v0  }
0x1b: {  	[tilespmem:s0+$0x9D00] =	vst v0  }
0x1c: {  	[tilespmem:s0+$0xC500] =	vst v0  }
0x1d: {  	[tilespmem:s0+$0x9D10] =	vst v0  }
0x1e: {  	[tilespmem:s0+$0xC510] =	vst v0  }
0x1f: {  	[tilespmem:s0+$0x9D20] =	vst v0  }
0x20: {  	[tilespmem:s0+$0xC520] =	vst v0  }
0x21: {  	[tilespmem:s0+$0x9D30] =	vst v0  }
0x22: {  	[tilespmem:s0+$0xC530] =	vst v0  }
0x23: {  	[tilespmem:s0+$0x9D40] =	vst v0  }
0x24: {  	[tilespmem:s0+$0xC540] =	vst v0  }
.Ltmp0:
0x25: {  	[tilespmem:s0+$0x9D50] =	vst v0;
	(pc) =	sbr.rel @p1 .LBB2_2-.Ltmp0, $4  }
0x26: {  	[tilespmem:s0+$0xC550] =	vst v0  }
0x27: {  	[tilespmem:s0+$0x9D60] =	vst v0  }
0x28: {  	[tilespmem:s0+$0xC560] =	vst v0  }
0x29: {  	[tilespmem:s0+$0x9D70] =	vst v0;
	s0 =	sshra.s32 s1, $0x2;
	s1 =	sadd.s32 $0x200, s1  }
0x2a: {  	[tilespmem:s0+$0xC570] =	vst v0  }
0x2b: {  	[tilespmem:s0+$0x9D00] =	vst v0  }
0x2c: {  	[tilespmem:s0+$0xC500] =	vst v0  }
0x2d: {  	[tilespmem:s0+$0x9D10] =	vst v0  }
0x2e: {  	[tilespmem:s0+$0xC510] =	vst v0  }
0x2f: {  	[tilespmem:s0+$0x9D20] =	vst v0  }
0x30: {  	[tilespmem:s0+$0xC520] =	vst v0  }
0x31: {  	[tilespmem:s0+$0x9D30] =	vst v0  }
0x32: {  	[tilespmem:s0+$0xC530] =	vst v0  }
0x33: {  	[tilespmem:s0+$0x9D40] =	vst v0  }
0x34: {  	[tilespmem:s0+$0xC540] =	vst v0  }
0x35: {  	[tilespmem:s0+$0x9D50] =	vst v0  }
0x36: {  	[tilespmem:s0+$0xC550] =	vst v0  }
0x37: {  	[tilespmem:s0+$0x9D60] =	vst v0  }
0x38: {  	[tilespmem:s0+$0xC560] =	vst v0  }
0x39: {  	[tilespmem:s0+$0x9D70] =	vst v0;
	s31 =	simm.s32 $0x1  }
0x3a: {  	_ =	swait.ge [sflag:s31], $0x9D00  }
0x3b: {  	[sflag:s31] =	ssyncset.done $0x0  }
0x3c: {  	s0 =	simm.s32 $0x0;
	s1 =	rddreg [dreg:$0x1d];
	[sflag:s31] =	ssyncadd.s32 $0xFFFF6300  }
.LBB2_4:
0x3d: {  	s3 =	sadd.s32 s0, s7  }
0x3e: {  	s2 =	sand.u32 $0x70, s1;
	s4 =	sand.u32 $0x1FF00, s3  }
0x3f: {  	s2 =	sor.u32 s2, s4  }
0x40: {  	v2 =	vld [tilespmem:s2+$0x0]  }
0x41: {  	v3 =	vld [tilespmem:s2+$0x80];
	_ =	sdelay $0x4  }
0x42: {  	vm0 =	vne.s32 v2, v3;
	_ =	sdelay $0x3  }
0x43: {  	s14 =	sadd.s32 $0x10, s1;
	s5 =	sadd.s32 $0x20, s3  }
0x44: {  	s4 =	sand.u32 $0x70, s14;
	s5 =	sand.u32 $0x3FF00, s5  }
0x45: {  	s4 =	sor.u32 s4, s5;
	[tilespmem:v3+s6+$0x0] =	vst.idx.add.f32.msk vm0, v1  }
0x46: {  	v2 =	vld [tilespmem:s4+$0x0]  }
0x47: {  	v3 =	vld [tilespmem:s4+$0x80];
	_ =	sdelay $0x4  }
0x48: {  	vm4 =	vne.s32 v2, v3;
	_ =	sdelay $0x3  }
0x49: {  	s15 =	sadd.s32 $0x20, s1;
	s16 =	sadd.s32 $0x40, s3  }
0x4a: {  	s5 =	sand.u32 $0x3FF00, s16;
	s4 =	sand.u32 $0x70, s15  }
0x4b: {  	s4 =	sor.u32 s4, s5;
	[tilespmem:v3+s6+$0x0] =	vst.idx.add.f32.msk vm4, v1  }
0x4c: {  	v2 =	vld [tilespmem:s4+$0x0]  }
0x4d: {  	v3 =	vld [tilespmem:s4+$0x80];
	_ =	sdelay $0x4  }
0x4e: {  	vm5 =	vne.s32 v2, v3;
	_ =	sdelay $0x3  }
0x4f: {  	s17 =	sadd.s32 $0x30, s1;
	s18 =	sadd.s32 $0x60, s3  }
0x50: {  	s5 =	sand.u32 $0x3FF00, s18;
	s4 =	sand.u32 $0x70, s17  }
0x51: {  	s4 =	sor.u32 s4, s5;
	[tilespmem:v3+s6+$0x0] =	vst.idx.add.f32.msk vm5, v1  }
0x52: {  	v2 =	vld [tilespmem:s4+$0x0]  }
0x53: {  	v3 =	vld [tilespmem:s4+$0x80];
	_ =	sdelay $0x4  }
0x54: {  	vm6 =	vne.s32 v2, v3;
	_ =	sdelay $0x3  }
0x55: {  	s19 =	sadd.s32 $0x40, s1;
	s20 =	sadd.s32 $0x80, s3  }
0x56: {  	s5 =	sand.u32 $0x3FF00, s20;
	s4 =	sand.u32 $0x70, s19  }
0x57: {  	s4 =	sor.u32 s4, s5;
	[tilespmem:v3+s6+$0x0] =	vst.idx.add.f32.msk vm6, v1  }
0x58: {  	v2 =	vld [tilespmem:s4+$0x0]  }
0x59: {  	v3 =	vld [tilespmem:s4+$0x80];
	_ =	sdelay $0x4  }
0x5a: {  	vm7 =	vne.s32 v2, v3;
	_ =	sdelay $0x3  }
0x5b: {  	s21 =	sadd.s32 $0x50, s1;
	s22 =	sadd.s32 $0xA0, s3  }
0x5c: {  	s5 =	sand.u32 $0x3FF00, s22;
	s4 =	sand.u32 $0x70, s21  }
0x5d: {  	s4 =	sor.u32 s4, s5;
	[tilespmem:v3+s6+$0x0] =	vst.idx.add.f32.msk vm7, v1  }
0x5e: {  	v2 =	vld [tilespmem:s4+$0x0]  }
0x5f: {  	v3 =	vld [tilespmem:s4+$0x80];
	_ =	sdelay $0x4  }
0x60: {  	vm8 =	vne.s32 v2, v3;
	_ =	sdelay $0x3  }
0x61: {  	s23 =	sadd.s32 $0x60, s1;
	s24 =	sadd.s32 $0xC0, s3  }
0x62: {  	s5 =	sand.u32 $0x3FF00, s24;
	s4 =	sand.u32 $0x70, s23  }
0x63: {  	s4 =	sor.u32 s4, s5;
	[tilespmem:v3+s6+$0x0] =	vst.idx.add.f32.msk vm8, v1  }
0x64: {  	v2 =	vld [tilespmem:s4+$0x0]  }
0x65: {  	v3 =	vld [tilespmem:s4+$0x80];
	_ =	sdelay $0x4  }
0x66: {  	vm9 =	vne.s32 v2, v3;
	_ =	sdelay $0x3  }
0x67: {  	s25 =	sadd.s32 $0x70, s1;
	s26 =	sadd.s32 $0xE0, s3  }
0x68: {  	s5 =	sand.u32 $0x3FF00, s26;
	s4 =	sand.u32 $0x70, s25  }
0x69: {  	s4 =	sor.u32 s4, s5;
	[tilespmem:v3+s6+$0x0] =	vst.idx.add.f32.msk vm9, v1  }
0x6a: {  	v2 =	vld [tilespmem:s4+$0x0]  }
0x6b: {  	v3 =	vld [tilespmem:s4+$0x80];
	_ =	sdelay $0x4  }
0x6c: {  	vm10 =	vne.s32 v2, v3;
	_ =	sdelay $0x5  }
0x6d: {  	[tilespmem:v3+s6+$0x0] =	vst.idx.add.f32.msk vm10, v1  }
0x6e: {  	v2 =	vld [tilespmem:s2+$0x100]  }
0x6f: {  	v3 =	vld [tilespmem:s2+$0x180];
	_ =	sdelay $0x4  }
0x70: {  	vm11 =	vne.s32 v2, v3;
	_ =	sdelay $0x3  }
0x71: {  	s28 =	sadd.s32 $0x90, s1;
	s29 =	sadd.s32 $0x120, s3  }
0x72: {  	s5 =	sand.u32 $0x3FF00, s29;
	s4 =	sand.u32 $0x70, s28  }
0x73: {  	s4 =	sor.u32 s4, s5;
	[tilespmem:v3+s6+$0x0] =	vst.idx.add.f32.msk vm11, v1  }
0x74: {  	v2 =	vld [tilespmem:s4+$0x0]  }
0x75: {  	v3 =	vld [tilespmem:s4+$0x80];
	_ =	sdelay $0x4  }
0x76: {  	vm12 =	vne.s32 v2, v3;
	_ =	sdelay $0x3  }
0x77: {  	s30 =	sadd.s32 $0xA0, s1;
	s31 =	sadd.s32 $0x140, s3  }
0x78: {  	s5 =	sand.u32 $0x3FF00, s31;
	s4 =	sand.u32 $0x70, s30  }
0x79: {  	s4 =	sor.u32 s4, s5;
	[tilespmem:v3+s6+$0x0] =	vst.idx.add.f32.msk vm12, v1  }
0x7a: {  	v2 =	vld [tilespmem:s4+$0x0]  }
0x7b: {  	v3 =	vld [tilespmem:s4+$0x80];
	_ =	sdelay $0x4  }
0x7c: {  	vm13 =	vne.s32 v2, v3;
	_ =	sdelay $0x3  }
0x7d: {  	s9 =	sadd.s32 $0x160, s3;
	s5 =	sadd.s32 $0xB0, s1  }
0x7e: {  	s4 =	sand.u32 $0x70, s5;
	s5 =	sand.u32 $0x3FF00, s9  }
0x7f: {  	s4 =	sor.u32 s4, s5;
	[tilespmem:v3+s6+$0x0] =	vst.idx.add.f32.msk vm13, v1  }
0x80: {  	v2 =	vld [tilespmem:s4+$0x0]  }
0x81: {  	v3 =	vld [tilespmem:s4+$0x80];
	_ =	sdelay $0x4  }
0x82: {  	vm14 =	vne.s32 v2, v3;
	_ =	sdelay $0x3  }
0x83: {  	s10 =	sadd.s32 $0xC0, s1;
	s11 =	sadd.s32 $0x180, s3  }
0x84: {  	s5 =	sand.u32 $0x3FF00, s11;
	s4 =	sand.u32 $0x70, s10  }
0x85: {  	s4 =	sor.u32 s4, s5;
	[tilespmem:v3+s6+$0x0] =	vst.idx.add.f32.msk vm14, v1  }
0x86: {  	v2 =	vld [tilespmem:s4+$0x0]  }
0x87: {  	v3 =	vld [tilespmem:s4+$0x80];
	_ =	sdelay $0x4  }
0x88: {  	vm15 =	vne.s32 v2, v3;
	_ =	sdelay $0x3  }
0x89: {  	s12 =	sadd.s32 $0xD0, s1;
	s13 =	sadd.s32 $0x1A0, s3  }
0x8a: {  	s5 =	sand.u32 $0x3FF00, s13;
	s4 =	sand.u32 $0x70, s12  }
0x8b: {  	s4 =	sor.u32 s4, s5;
	[tilespmem:v3+s6+$0x0] =	vst.idx.add.f32.msk vm15, v1  }
0x8c: {  	v2 =	vld [tilespmem:s4+$0x0]  }
0x8d: {  	v3 =	vld [tilespmem:s4+$0x80];
	_ =	sdelay $0x4  }
0x8e: {  	vm4 =	vne.s32 v2, v3;
	_ =	sdelay $0x3  }
0x8f: {  	s14 =	sadd.s32 $0xE0, s1;
	s15 =	sadd.s32 $0x1C0, s3  }
0x90: {  	s5 =	sand.u32 $0x3FF00, s15;
	s4 =	sand.u32 $0x70, s14  }
0x91: {  	s4 =	sor.u32 s4, s5;
	[tilespmem:v3+s6+$0x0] =	vst.idx.add.f32.msk vm4, v1  }
0x92: {  	v2 =	vld [tilespmem:s4+$0x0]  }
0x93: {  	v3 =	vld [tilespmem:s4+$0x80];
	_ =	sdelay $0x4  }
0x94: {  	vm5 =	vne.s32 v2, v3;
	_ =	sdelay $0x3  }
0x95: {  	s16 =	sadd.s32 $0xF0, s1;
	s17 =	sadd.s32 $0x1E0, s3  }
0x96: {  	s5 =	sand.u32 $0x3FF00, s17;
	s4 =	sand.u32 $0x70, s16  }
0x97: {  	s4 =	sor.u32 s4, s5;
	[tilespmem:v3+s6+$0x0] =	vst.idx.add.f32.msk vm5, v1  }
0x98: {  	v2 =	vld [tilespmem:s4+$0x0]  }
0x99: {  	v3 =	vld [tilespmem:s4+$0x80];
	_ =	sdelay $0x4  }
0x9a: {  	vm6 =	vne.s32 v2, v3;
	_ =	sdelay $0x5  }
0x9b: {  	[tilespmem:v3+s6+$0x0] =	vst.idx.add.f32.msk vm6, v1  }
0x9c: {  	v2 =	vld [tilespmem:s2+$0x200]  }
0x9d: {  	v3 =	vld [tilespmem:s2+$0x280];
	_ =	sdelay $0x4  }
0x9e: {  	vm7 =	vne.s32 v2, v3;
	_ =	sdelay $0x3  }
0x9f: {  	s18 =	sadd.s32 $0x110, s1;
	s19 =	sadd.s32 $0x220, s3  }
0xa0: {  	s5 =	sand.u32 $0x3FF00, s19;
	s4 =	sand.u32 $0x70, s18  }
0xa1: {  	s4 =	sor.u32 s4, s5;
	[tilespmem:v3+s6+$0x0] =	vst.idx.add.f32.msk vm7, v1  }
0xa2: {  	v2 =	vld [tilespmem:s4+$0x0]  }
0xa3: {  	v3 =	vld [tilespmem:s4+$0x80];
	_ =	sdelay $0x4  }
0xa4: {  	vm8 =	vne.s32 v2, v3;
	_ =	sdelay $0x3  }
0xa5: {  	s20 =	sadd.s32 $0x120, s1;
	s21 =	sadd.s32 $0x240, s3  }
0xa6: {  	s5 =	sand.u32 $0x3FF00, s21;
	s4 =	sand.u32 $0x70, s20  }
0xa7: {  	s4 =	sor.u32 s4, s5;
	[tilespmem:v3+s6+$0x0] =	vst.idx.add.f32.msk vm8, v1  }
0xa8: {  	v2 =	vld [tilespmem:s4+$0x0]  }
0xa9: {  	v3 =	vld [tilespmem:s4+$0x80];
	_ =	sdelay $0x4  }
0xaa: {  	vm9 =	vne.s32 v2, v3;
	_ =	sdelay $0x3  }
0xab: {  	s22 =	sadd.s32 $0x130, s1;
	s23 =	sadd.s32 $0x260, s3  }
0xac: {  	s5 =	sand.u32 $0x3FF00, s23;
	s4 =	sand.u32 $0x70, s22  }
0xad: {  	s4 =	sor.u32 s4, s5;
	[tilespmem:v3+s6+$0x0] =	vst.idx.add.f32.msk vm9, v1  }
0xae: {  	v2 =	vld [tilespmem:s4+$0x0]  }
0xaf: {  	v3 =	vld [tilespmem:s4+$0x80];
	_ =	sdelay $0x4  }
0xb0: {  	vm10 =	vne.s32 v2, v3;
	_ =	sdelay $0x3  }
0xb1: {  	s24 =	sadd.s32 $0x140, s1;
	s25 =	sadd.s32 $0x280, s3  }
0xb2: {  	s5 =	sand.u32 $0x3FF00, s25;
	s4 =	sand.u32 $0x70, s24  }
0xb3: {  	s4 =	sor.u32 s4, s5;
	[tilespmem:v3+s6+$0x0] =	vst.idx.add.f32.msk vm10, v1  }
0xb4: {  	v2 =	vld [tilespmem:s4+$0x0]  }
0xb5: {  	v3 =	vld [tilespmem:s4+$0x80];
	_ =	sdelay $0x4  }
0xb6: {  	vm11 =	vne.s32 v2, v3;
	_ =	sdelay $0x3  }
0xb7: {  	s26 =	sadd.s32 $0x150, s1;
	s28 =	sadd.s32 $0x2A0, s3  }
0xb8: {  	s5 =	sand.u32 $0x3FF00, s28;
	s4 =	sand.u32 $0x70, s26  }
0xb9: {  	s4 =	sor.u32 s4, s5;
	[tilespmem:v3+s6+$0x0] =	vst.idx.add.f32.msk vm11, v1  }
0xba: {  	v2 =	vld [tilespmem:s4+$0x0]  }
0xbb: {  	v3 =	vld [tilespmem:s4+$0x80];
	_ =	sdelay $0x4  }
0xbc: {  	vm12 =	vne.s32 v2, v3;
	_ =	sdelay $0x3  }
0xbd: {  	s29 =	sadd.s32 $0x160, s1;
	s30 =	sadd.s32 $0x2C0, s3  }
0xbe: {  	s5 =	sand.u32 $0x3FF00, s30;
	s4 =	sand.u32 $0x70, s29  }
0xbf: {  	s4 =	sor.u32 s4, s5;
	[tilespmem:v3+s6+$0x0] =	vst.idx.add.f32.msk vm12, v1  }
0xc0: {  	v2 =	vld [tilespmem:s4+$0x0]  }
0xc1: {  	v3 =	vld [tilespmem:s4+$0x80];
	_ =	sdelay $0x4  }
0xc2: {  	vm13 =	vne.s32 v2, v3;
	_ =	sdelay $0x3  }
0xc3: {  	s31 =	sadd.s32 $0x170, s1;
	s3 =	sadd.s32 $0x2E0, s3  }
0xc4: {  	s3 =	sand.u32 $0x3FF00, s3;
	s4 =	sand.u32 $0x70, s31  }
0xc5: {  	s3 =	sor.u32 s4, s3;
	[tilespmem:v3+s6+$0x0] =	vst.idx.add.f32.msk vm13, v1  }
0xc6: {  	v2 =	vld [tilespmem:s3+$0x0]  }
0xc7: {  	v3 =	vld [tilespmem:s3+$0x80];
	_ =	sdelay $0x4  }
0xc8: {  	vm14 =	vne.s32 v2, v3;
	_ =	sdelay $0x5  }
0xc9: {  	[tilespmem:v3+s6+$0x0] =	vst.idx.add.f32.msk vm14, v1  }
0xca: {  	v2 =	vld [tilespmem:s2+$0x300]  }
0xcb: {  	v3 =	vld [tilespmem:s2+$0x380];
	_ =	sdelay $0x4  }
0xcc: {  	vm15 =	vne.s32 v2, v3  }
0xcd: {  	p1 =	sne.s32 s0, $0x9920  }
.Ltmp1:
0xce: {  	_ = 	snop;
	(pc) =	sbr.rel @p1 .LBB2_4-.Ltmp1, $2  }
0xcf: {  	_ =	sdelay $0x2  }
0xd0: {  	s0 =	sadd.s32 $0x320, s0;
	s1 =	sadd.s32 $0x190, s1;
	[tilespmem:v3+s6+$0x0] =	vst.idx.add.f32.msk vm15, v1  }
0xd1: {  	_ =	sdelay $0x7ff  }
0xd2: {  	_ =	sdelay $0x23  }
0xd3: {  	s1 =	simm.s32 $0x80;
	s2 =	simm.s32 $0x400;
	s0 =	rddreg [dreg:$0x1f]  }
0xd4: {  	[spmem:s0] =	stream.strided.scatter [tilespmem:s6], [sflag:$0x2], $0x2800, s2, s1, $0x38;
	[tilespmem:$0x16C80] =	vst v63  }
0xd5: {  	_ =	swait.ge [sflag:s8], $0x2800  }
0xd6: {  	[sflag:s8] =	ssyncset.done $0x0  }
0xd7: {  	[sflag:s8] =	ssyncadd.s32 $0xFFFFD800  }
0xd8: {  	[bflag:$0x0] =	sbarrier.arrive $0xFFFF  }
0xd9: {  	s26 =	sld [smem:$0x7F7];
	_ =	sdelay $0x1  }
0xda: {  	s28 =	simm.s32 $0x1400;
	s29 =	simm.s32 $0x14000;
	s3 =	simm.s32 $0x11500  }
0xdb: {  	[tilespmem:s3], [sflag:$0x2] =	stream.strided.gather [spmem:s26], $0x2800, s29, s28, $0x38;
	[tilespmem:$0x16C80] =	vst v63  }
0xdc: {  	s26 =	simm.s32 $0x0  }
0xdd: {  	_ =	swait.ge [sflag:s8], $0x2800;
	s31 =	sand.u32 $0x1C00, s26  }
0xde: {  	s1 =	sand.u32 $0x40, s26;
	[sflag:s8] =	ssyncset.done $0x0;
	s0 =	sadd.s32 $0x11500, s31  }
0xdf: {  	[sflag:s8] =	ssyncadd.s32 $0xFFFFD800;
	s4 =	sor.u32 s1, s0  }
0xe0: {  	v2 =	vld [tilespmem:s4+$0x0]  }
0xe1: {  	v3 =	vld [tilespmem:s4+$0x80];
	_ =	sdelay $0x1  }
0xe2: {  	v4 =	vld [tilespmem:s4+$0x100];
	_ =	sdelay $0x1  }
0xe3: {  	v5 =	vld [tilespmem:s4+$0x180]  }
0xe4: {  	v2 =	vadd.f32 v3, v2  }
0xe5: {  	v3 =	vld [tilespmem:s4+$0x200]  }
0xe6: {  	v2 =	vadd.f32 v4, v2  }
0xe7: {  	v4 =	vld [tilespmem:s4+$0x280]  }
0xe8: {  	v2 =	vadd.f32 v5, v2  }
0xe9: {  	v5 =	vld [tilespmem:s4+$0x300]  }
0xea: {  	v2 =	vadd.f32 v3, v2  }
0xeb: {  	s2 =	sadd.s32 $0x12900, s31;
	v3 =	vld [tilespmem:s4+$0x380]  }
0xec: {  	s5 =	sor.u32 s1, s2;
	v2 =	vadd.f32 v4, v2  }
0xed: {  	s10 =	sadd.s32 $0x12980, s31;
	v4 =	vld [tilespmem:s5+$0x0]  }
0xee: {  	s6 =	sor.u32 s1, s10;
	v2 =	vadd.f32 v5, v2  }
0xef: {  	s11 =	sadd.s32 $0x12A00, s31;
	v5 =	vld [tilespmem:s6+$0x0]  }
0xf0: {  	s7 =	sor.u32 s1, s11;
	v2 =	vadd.f32 v3, v2  }
0xf1: {  	s6 =	sadd.s32 $0x12A80, s31;
	v3 =	vld [tilespmem:s7+$0x0]  }
0xf2: {  	s8 =	sor.u32 s1, s6;
	v2 =	vadd.f32 v4, v2  }
0xf3: {  	s7 =	sadd.s32 $0x12B00, s31;
	v4 =	vld [tilespmem:s8+$0x0]  }
0xf4: {  	s9 =	sor.u32 s1, s7;
	v2 =	vadd.f32 v5, v2  }
0xf5: {  	s8 =	sadd.s32 $0x12B80, s31;
	v5 =	vld [tilespmem:s9+$0x0]  }
0xf6: {  	s12 =	sor.u32 s1, s8;
	v2 =	vadd.f32 v3, v2  }
0xf7: {  	s5 =	sadd.s32 $0x12C00, s31;
	v3 =	vld [tilespmem:s12+$0x0]  }
0xf8: {  	s13 =	sor.u32 s1, s5;
	v2 =	vadd.f32 v4, v2  }
0xf9: {  	s9 =	sadd.s32 $0x12C80, s31;
	v4 =	vld [tilespmem:s13+$0x0]  }
0xfa: {  	s3 =	sor.u32 s1, s9;
	v2 =	vadd.f32 v5, v2  }
0xfb: {  	v5 =	vld [tilespmem:s3+$0x0]  }
0xfc: {  	v2 =	vadd.f32 v3, v2;
	_ =	sdelay $0x1  }
0xfd: {  	v2 =	vadd.f32 v4, v2;
	_ =	sdelay $0x1  }
0xfe: {  	v2 =	vadd.f32 v5, v2  }
0xff: {  	s18 =	simm.s32 $0x13D00;
	s14 =	sor.u32 $0x10, s1  }
0x100: {  	s15 =	sor.u32 s14, s0;
	[tilespmem:s18+$0x0] =	vst v2  }
0x101: {  	v2 =	vld [tilespmem:s15+$0x0]  }
0x102: {  	v3 =	vld [tilespmem:s15+$0x80];
	_ =	sdelay $0x1  }
0x103: {  	v4 =	vld [tilespmem:s15+$0x100];
	_ =	sdelay $0x1  }
0x104: {  	v5 =	vld [tilespmem:s15+$0x180]  }
0x105: {  	v2 =	vadd.f32 v3, v2  }
0x106: {  	v3 =	vld [tilespmem:s15+$0x200]  }
0x107: {  	v2 =	vadd.f32 v4, v2  }
0x108: {  	v4 =	vld [tilespmem:s15+$0x280]  }
0x109: {  	v2 =	vadd.f32 v5, v2  }
0x10a: {  	v5 =	vld [tilespmem:s15+$0x300]  }
0x10b: {  	v2 =	vadd.f32 v3, v2  }
0x10c: {  	v3 =	vld [tilespmem:s15+$0x380]  }
0x10d: {  	s16 =	sor.u32 s14, s2;
	v2 =	vadd.f32 v4, v2  }
0x10e: {  	v4 =	vld [tilespmem:s16+$0x0]  }
0x10f: {  	s17 =	sor.u32 s14, s10;
	v2 =	vadd.f32 v5, v2  }
0x110: {  	v5 =	vld [tilespmem:s17+$0x0]  }
0x111: {  	s19 =	sor.u32 s14, s11;
	v2 =	vadd.f32 v3, v2  }
0x112: {  	v3 =	vld [tilespmem:s19+$0x0]  }
0x113: {  	s20 =	sor.u32 s14, s6;
	v2 =	vadd.f32 v4, v2  }
0x114: {  	v4 =	vld [tilespmem:s20+$0x0]  }
0x115: {  	s21 =	sor.u32 s14, s7;
	v2 =	vadd.f32 v5, v2  }
0x116: {  	v5 =	vld [tilespmem:s21+$0x0]  }
0x117: {  	s22 =	sor.u32 s14, s8;
	v2 =	vadd.f32 v3, v2  }
0x118: {  	v3 =	vld [tilespmem:s22+$0x0]  }
0x119: {  	s23 =	sor.u32 s14, s5;
	v2 =	vadd.f32 v4, v2  }
0x11a: {  	v4 =	vld [tilespmem:s23+$0x0]  }
0x11b: {  	s24 =	sor.u32 s14, s9;
	v2 =	vadd.f32 v5, v2  }
0x11c: {  	v5 =	vld [tilespmem:s24+$0x0]  }
0x11d: {  	v2 =	vadd.f32 v3, v2;
	_ =	sdelay $0x1  }
0x11e: {  	v2 =	vadd.f32 v4, v2  }
0x11f: {  	s25 =	sand.u32 $0x380, s26  }
0x120: {  	s3 =	sadd.s32 $0x13D00, s25;
	v2 =	vadd.f32 v5, v2  }
0x121: {  	s12 =	sor.u32 $0x20, s1;
	s4 =	sor.u32 s14, s3  }
0x122: {  	s28 =	sor.u32 s12, s0;
	[tilespmem:s4+$0x0] =	vst v2  }
0x123: {  	v2 =	vld [tilespmem:s28+$0x0]  }
0x124: {  	v3 =	vld [tilespmem:s28+$0x80];
	_ =	sdelay $0x1  }
0x125: {  	v4 =	vld [tilespmem:s28+$0x100];
	_ =	sdelay $0x1  }
0x126: {  	v5 =	vld [tilespmem:s28+$0x180]  }
0x127: {  	v2 =	vadd.f32 v3, v2  }
0x128: {  	v3 =	vld [tilespmem:s28+$0x200]  }
0x129: {  	v2 =	vadd.f32 v4, v2  }
0x12a: {  	v4 =	vld [tilespmem:s28+$0x280]  }
0x12b: {  	v2 =	vadd.f32 v5, v2  }
0x12c: {  	v5 =	vld [tilespmem:s28+$0x300]  }
0x12d: {  	v2 =	vadd.f32 v3, v2  }
0x12e: {  	v3 =	vld [tilespmem:s28+$0x380]  }
0x12f: {  	s29 =	sor.u32 s12, s2;
	v2 =	vadd.f32 v4, v2  }
0x130: {  	v4 =	vld [tilespmem:s29+$0x0]  }
0x131: {  	s31 =	sor.u32 s12, s10;
	v2 =	vadd.f32 v5, v2  }
0x132: {  	v5 =	vld [tilespmem:s31+$0x0]  }
0x133: {  	s13 =	sor.u32 s12, s11;
	v2 =	vadd.f32 v3, v2  }
0x134: {  	v3 =	vld [tilespmem:s13+$0x0]  }
0x135: {  	s14 =	sor.u32 s12, s6;
	v2 =	vadd.f32 v4, v2  }
0x136: {  	v4 =	vld [tilespmem:s14+$0x0]  }
0x137: {  	s15 =	sor.u32 s12, s7;
	v2 =	vadd.f32 v5, v2  }
0x138: {  	v5 =	vld [tilespmem:s15+$0x0]  }
0x139: {  	s16 =	sor.u32 s12, s8;
	v2 =	vadd.f32 v3, v2  }
0x13a: {  	v3 =	vld [tilespmem:s16+$0x0]  }
0x13b: {  	s17 =	sor.u32 s12, s5;
	v2 =	vadd.f32 v4, v2  }
0x13c: {  	v4 =	vld [tilespmem:s17+$0x0]  }
0x13d: {  	s19 =	sor.u32 s12, s9;
	v2 =	vadd.f32 v5, v2  }
0x13e: {  	v5 =	vld [tilespmem:s19+$0x0]  }
0x13f: {  	v2 =	vadd.f32 v3, v2;
	_ =	sdelay $0x1  }
0x140: {  	v2 =	vadd.f32 v4, v2;
	_ =	sdelay $0x1  }
0x141: {  	v2 =	vadd.f32 v5, v2  }
0x142: {  	s1 =	sor.u32 $0x30, s1;
	s20 =	sor.u32 s12, s3  }
0x143: {  	s0 =	sor.u32 s1, s0;
	[tilespmem:s20+$0x0] =	vst v2  }
0x144: {  	v2 =	vld [tilespmem:s0+$0x0]  }
0x145: {  	v3 =	vld [tilespmem:s0+$0x80];
	_ =	sdelay $0x1  }
0x146: {  	v4 =	vld [tilespmem:s0+$0x100];
	_ =	sdelay $0x1  }
0x147: {  	v5 =	vld [tilespmem:s0+$0x180]  }
0x148: {  	v2 =	vadd.f32 v3, v2  }
0x149: {  	v3 =	vld [tilespmem:s0+$0x200]  }
0x14a: {  	v2 =	vadd.f32 v4, v2  }
0x14b: {  	v4 =	vld [tilespmem:s0+$0x280]  }
0x14c: {  	v2 =	vadd.f32 v5, v2  }
0x14d: {  	v5 =	vld [tilespmem:s0+$0x300]  }
0x14e: {  	v2 =	vadd.f32 v3, v2  }
0x14f: {  	v3 =	vld [tilespmem:s0+$0x380]  }
0x150: {  	s21 =	sor.u32 s1, s2;
	v2 =	vadd.f32 v4, v2  }
0x151: {  	v4 =	vld [tilespmem:s21+$0x0]  }
0x152: {  	s22 =	sor.u32 s1, s10;
	v2 =	vadd.f32 v5, v2  }
0x153: {  	v5 =	vld [tilespmem:s22+$0x0]  }
0x154: {  	s23 =	sor.u32 s1, s11;
	v2 =	vadd.f32 v3, v2  }
0x155: {  	v3 =	vld [tilespmem:s23+$0x0]  }
0x156: {  	s24 =	sor.u32 s1, s6;
	v2 =	vadd.f32 v4, v2  }
0x157: {  	v4 =	vld [tilespmem:s24+$0x0]  }
0x158: {  	s25 =	sor.u32 s1, s7;
	v2 =	vadd.f32 v5, v2  }
0x159: {  	v5 =	vld [tilespmem:s25+$0x0]  }
0x15a: {  	s28 =	sor.u32 s1, s8;
	v2 =	vadd.f32 v3, v2  }
0x15b: {  	v6 =	vld [tilespmem:s28+$0x0]  }
0x15c: {  	v2 =	vadd.f32 v4, v2;
	_ =	sdelay $0x1  }
0x15d: {  	s29 =	sor.u32 s1, s5;
	v4 =	vadd.f32 v5, v2  }
0x15e: {  	s31 =	sor.u32 s1, s9;
	v3 =	vld [tilespmem:s29+$0x0]  }
0x15f: {  	s30 =	simm.s32 $0x40;
	v2 =	vld [tilespmem:s31+$0x0];
	v4 =	vadd.f32 v6, v4  }
.LBB2_6:
0x160: {  	_ =	sdelay $0x2  }
0x161: {  	v3 =	vadd.f32 v3, v4  }
0x162: {  	s26 =	sadd.s32 $0x200, s26  }
0x163: {  	s8 =	smov.u32 s30;
	s5 =	sand.u32 $0x1C00, s26;
	v2 =	vadd.f32 v2, v3  }
0x164: {  	s3 =	sor.u32 s1, s3;
	s1 =	sand.u32 $0x40, s8;
	s31 =	sadd.s32 $0x11500, s5  }
0x165: {  	s29 =	sor.u32 s1, s31;
	[tilespmem:s3+$0x0] =	vst v2  }
0x166: {  	v2 =	vld [tilespmem:s29+$0x0]  }
0x167: {  	v3 =	vld [tilespmem:s29+$0x80];
	_ =	sdelay $0x1  }
0x168: {  	v4 =	vld [tilespmem:s29+$0x100];
	_ =	sdelay $0x1  }
0x169: {  	v5 =	vld [tilespmem:s29+$0x180]  }
0x16a: {  	v2 =	vadd.f32 v3, v2  }
0x16b: {  	v3 =	vld [tilespmem:s29+$0x200]  }
0x16c: {  	v2 =	vadd.f32 v4, v2  }
0x16d: {  	v4 =	vld [tilespmem:s29+$0x280]  }
0x16e: {  	v2 =	vadd.f32 v5, v2  }
0x16f: {  	v5 =	vld [tilespmem:s29+$0x300]  }
0x170: {  	v2 =	vadd.f32 v3, v2  }
0x171: {  	s0 =	sadd.s32 $0x12900, s5;
	v3 =	vld [tilespmem:s29+$0x380]  }
0x172: {  	s4 =	sor.u32 s1, s0;
	v2 =	vadd.f32 v4, v2  }
0x173: {  	s22 =	sadd.s32 $0x12980, s5;
	v4 =	vld [tilespmem:s4+$0x0]  }
0x174: {  	s10 =	sor.u32 s1, s22;
	v2 =	vadd.f32 v5, v2  }
0x175: {  	s25 =	sadd.s32 $0x12A00, s5;
	v5 =	vld [tilespmem:s10+$0x0]  }
0x176: {  	s14 =	sor.u32 s1, s25;
	v2 =	vadd.f32 v3, v2  }
0x177: {  	s2 =	sadd.s32 $0x12A80, s5;
	v3 =	vld [tilespmem:s14+$0x0]  }
0x178: {  	s9 =	sor.u32 s1, s2;
	v2 =	vadd.f32 v4, v2  }
0x179: {  	s16 =	sadd.s32 $0x12B00, s5;
	v4 =	vld [tilespmem:s9+$0x0]  }
0x17a: {  	s12 =	sor.u32 s1, s16;
	v2 =	vadd.f32 v5, v2  }
0x17b: {  	s17 =	sadd.s32 $0x12B80, s5;
	v5 =	vld [tilespmem:s12+$0x0]  }
0x17c: {  	s13 =	sor.u32 s1, s17;
	v2 =	vadd.f32 v3, v2  }
0x17d: {  	s19 =	sadd.s32 $0x12C00, s5;
	v3 =	vld [tilespmem:s13+$0x0]  }
0x17e: {  	s21 =	sor.u32 s1, s19;
	v2 =	vadd.f32 v4, v2  }
0x17f: {  	s20 =	sadd.s32 $0x12C80, s5;
	v4 =	vld [tilespmem:s21+$0x0]  }
0x180: {  	s5 =	sor.u32 s1, s20;
	v2 =	vadd.f32 v5, v2  }
0x181: {  	v5 =	vld [tilespmem:s5+$0x0]  }
0x182: {  	v2 =	vadd.f32 v3, v2;
	_ =	sdelay $0x1  }
0x183: {  	v2 =	vadd.f32 v4, v2;
	_ =	sdelay $0x1  }
0x184: {  	v2 =	vadd.f32 v5, v2  }
0x185: {  	s18 =	sadd.s32 $0x40, s18;
	s7 =	sor.u32 $0x10, s1  }
0x186: {  	s14 =	sor.u32 s7, s31;
	[tilespmem:s18+$0x0] =	vst v2  }
0x187: {  	v2 =	vld [tilespmem:s14+$0x0]  }
0x188: {  	v3 =	vld [tilespmem:s14+$0x80];
	_ =	sdelay $0x1  }
0x189: {  	v4 =	vld [tilespmem:s14+$0x100];
	_ =	sdelay $0x1  }
0x18a: {  	v5 =	vld [tilespmem:s14+$0x180]  }
0x18b: {  	v2 =	vadd.f32 v3, v2  }
0x18c: {  	v3 =	vld [tilespmem:s14+$0x200]  }
0x18d: {  	v2 =	vadd.f32 v4, v2  }
0x18e: {  	v4 =	vld [tilespmem:s14+$0x280]  }
0x18f: {  	v2 =	vadd.f32 v5, v2  }
0x190: {  	v5 =	vld [tilespmem:s14+$0x300]  }
0x191: {  	v2 =	vadd.f32 v3, v2  }
0x192: {  	v3 =	vld [tilespmem:s14+$0x380]  }
0x193: {  	s28 =	sor.u32 s7, s0;
	v2 =	vadd.f32 v4, v2  }
0x194: {  	v4 =	vld [tilespmem:s28+$0x0]  }
0x195: {  	s24 =	sor.u32 s7, s22;
	v2 =	vadd.f32 v5, v2  }
0x196: {  	v5 =	vld [tilespmem:s24+$0x0]  }
0x197: {  	s23 =	sor.u32 s7, s25;
	v2 =	vadd.f32 v3, v2  }
0x198: {  	v3 =	vld [tilespmem:s23+$0x0]  }
0x199: {  	s15 =	sor.u32 s7, s2;
	s3 =	sor.u32 s7, s17;
	v2 =	vadd.f32 v4, v2  }
0x19a: {  	[dreg:$0x1a] =	wrdreg s3;
	s3 =	sor.u32 s7, s19;
	v4 =	vld [tilespmem:s15+$0x0]  }
0x19b: {  	s11 =	sor.u32 s7, s16;
	[dreg:$0x18] =	wrdreg s3;
	s3 =	sor.u32 s7, s20;
	v2 =	vadd.f32 v5, v2  }
0x19c: {  	s6 =	sor.u32 $0x20, s1;
	[dreg:$0x16] =	wrdreg s3;
	v5 =	vld [tilespmem:s11+$0x0]  }
0x19d: {  	s3 =	sor.u32 s6, s0;
	s21 =	rddreg [dreg:$0x1a];
	v2 =	vadd.f32 v3, v2  }
0x19e: {  	[dreg:$0x14] =	wrdreg s3;
	v3 =	vld [tilespmem:s21+$0x0]  }
0x19f: {  	s3 =	sor.u32 s6, s22;
	s23 =	rddreg [dreg:$0x18];
	v2 =	vadd.f32 v4, v2  }
0x1a0: {  	[dreg:$0x12] =	wrdreg s3;
	v4 =	vld [tilespmem:s23+$0x0]  }
0x1a1: {  	s3 =	sor.u32 s6, s25;
	s24 =	rddreg [dreg:$0x16];
	v2 =	vadd.f32 v5, v2  }
0x1a2: {  	[dreg:$0x10] =	wrdreg s3;
	s3 =	sor.u32 s6, s2;
	v5 =	vld [tilespmem:s24+$0x0]  }
0x1a3: {  	[dreg:$0xe] =	wrdreg s3;
	s3 =	sor.u32 s6, s16;
	v2 =	vadd.f32 v3, v2  }
0x1a4: {  	[dreg:$0xc] =	wrdreg s3;
	s3 =	sor.u32 s6, s17  }
0x1a5: {  	[dreg:$0xa] =	wrdreg s3;
	s3 =	sor.u32 s6, s19;
	v2 =	vadd.f32 v4, v2  }
0x1a6: {  	[dreg:$0x8] =	wrdreg s3;
	s3 =	sor.u32 s6, s20;
	s28 =	sand.u32 $0x380, s8  }
0x1a7: {  	[dreg:$0x6] =	wrdreg s3;
	s3 =	sadd.s32 $0x13D00, s28;
	v2 =	vadd.f32 v5, v2  }
0x1a8: {  	s29 =	sor.u32 s7, s3  }
0x1a9: {  	s5 =	sor.u32 s6, s3;
	s6 =	sor.u32 s6, s31;
	[tilespmem:s29+$0x0] =	vst v2  }
0x1aa: {  	v2 =	vld [tilespmem:s6+$0x0]  }
0x1ab: {  	v3 =	vld [tilespmem:s6+$0x80];
	_ =	sdelay $0x1  }
0x1ac: {  	v4 =	vld [tilespmem:s6+$0x100];
	_ =	sdelay $0x1  }
0x1ad: {  	v5 =	vld [tilespmem:s6+$0x180]  }
0x1ae: {  	v2 =	vadd.f32 v3, v2  }
0x1af: {  	v3 =	vld [tilespmem:s6+$0x200]  }
0x1b0: {  	v2 =	vadd.f32 v4, v2  }
0x1b1: {  	v4 =	vld [tilespmem:s6+$0x280]  }
0x1b2: {  	v2 =	vadd.f32 v5, v2  }
0x1b3: {  	v5 =	vld [tilespmem:s6+$0x300]  }
0x1b4: {  	v2 =	vadd.f32 v3, v2  }
0x1b5: {  	v3 =	vld [tilespmem:s6+$0x380]  }
0x1b6: {  	s8 =	rddreg [dreg:$0x14];
	v2 =	vadd.f32 v4, v2  }
0x1b7: {  	v4 =	vld [tilespmem:s8+$0x0]  }
0x1b8: {  	s9 =	rddreg [dreg:$0x12];
	v2 =	vadd.f32 v5, v2  }
0x1b9: {  	v5 =	vld [tilespmem:s9+$0x0]  }
0x1ba: {  	s10 =	rddreg [dreg:$0x10];
	v2 =	vadd.f32 v3, v2  }
0x1bb: {  	v3 =	vld [tilespmem:s10+$0x0]  }
0x1bc: {  	s11 =	rddreg [dreg:$0xe];
	v2 =	vadd.f32 v4, v2  }
0x1bd: {  	v4 =	vld [tilespmem:s11+$0x0]  }
0x1be: {  	s12 =	rddreg [dreg:$0xc];
	v2 =	vadd.f32 v5, v2  }
0x1bf: {  	v5 =	vld [tilespmem:s12+$0x0]  }
0x1c0: {  	s13 =	rddreg [dreg:$0xa];
	v2 =	vadd.f32 v3, v2  }
0x1c1: {  	v3 =	vld [tilespmem:s13+$0x0]  }
0x1c2: {  	s14 =	rddreg [dreg:$0x8];
	v2 =	vadd.f32 v4, v2  }
0x1c3: {  	v4 =	vld [tilespmem:s14+$0x0]  }
0x1c4: {  	s15 =	rddreg [dreg:$0x6];
	v2 =	vadd.f32 v5, v2  }
0x1c5: {  	v5 =	vld [tilespmem:s15+$0x0]  }
0x1c6: {  	v2 =	vadd.f32 v3, v2;
	_ =	sdelay $0x1  }
0x1c7: {  	v2 =	vadd.f32 v4, v2;
	_ =	sdelay $0x1  }
0x1c8: {  	v2 =	vadd.f32 v5, v2  }
0x1c9: {  	s1 =	sor.u32 $0x30, s1  }
0x1ca: {  	s21 =	sor.u32 s1, s31;
	[tilespmem:s5+$0x0] =	vst v2  }
0x1cb: {  	v2 =	vld [tilespmem:s21+$0x0]  }
0x1cc: {  	v3 =	vld [tilespmem:s21+$0x80];
	_ =	sdelay $0x1  }
0x1cd: {  	v4 =	vld [tilespmem:s21+$0x100];
	_ =	sdelay $0x1  }
0x1ce: {  	v5 =	vld [tilespmem:s21+$0x180]  }
0x1cf: {  	v2 =	vadd.f32 v3, v2  }
0x1d0: {  	v6 =	vld [tilespmem:s21+$0x200]  }
0x1d1: {  	v2 =	vadd.f32 v4, v2  }
0x1d2: {  	v7 =	vld [tilespmem:s21+$0x280]  }
0x1d3: {  	v2 =	vadd.f32 v5, v2  }
0x1d4: {  	v8 =	vld [tilespmem:s21+$0x300]  }
0x1d5: {  	v2 =	vadd.f32 v6, v2  }
0x1d6: {  	v9 =	vld [tilespmem:s21+$0x380]  }
0x1d7: {  	s0 =	sor.u32 s1, s0;
	v7 =	vadd.f32 v7, v2  }
0x1d8: {  	v4 =	vld [tilespmem:s0+$0x0]  }
0x1d9: {  	s23 =	sor.u32 s1, s22;
	v7 =	vadd.f32 v8, v7  }
0x1da: {  	v10 =	vld [tilespmem:s23+$0x0]  }
0x1db: {  	s24 =	sor.u32 s1, s25;
	v7 =	vadd.f32 v9, v7  }
0x1dc: {  	v5 =	vld [tilespmem:s24+$0x0]  }
0x1dd: {  	s2 =	sor.u32 s1, s2;
	v4 =	vadd.f32 v4, v7  }
0x1de: {  	v11 =	vld [tilespmem:s2+$0x0]  }
0x1df: {  	s25 =	sor.u32 s1, s16;
	v4 =	vadd.f32 v10, v4  }
0x1e0: {  	v6 =	vld [tilespmem:s25+$0x0]  }
0x1e1: {  	s28 =	sor.u32 s1, s17;
	v4 =	vadd.f32 v5, v4  }
0x1e2: {  	p1 =	sne.s32 s30, $0x240;
	v12 =	vld [tilespmem:s28+$0x0]  }
.Ltmp2:
0x1e3: {  	v4 =	vadd.f32 v11, v4;
	(pc) =	sbr.rel @p1 .LBB2_6-.Ltmp2, $4  }
0x1e4: {  	_ = 	snop  }
0x1e5: {  	s29 =	sor.u32 s1, s19;
	v4 =	vadd.f32 v6, v4  }
0x1e6: {  	s31 =	sor.u32 s1, s20;
	v3 =	vld [tilespmem:s29+$0x0]  }
0x1e7: {  	s30 =	sadd.s32 $0x40, s30;
	v2 =	vld [tilespmem:s31+$0x0];
	v4 =	vadd.f32 v12, v4  }
0x1e8: {  	_ =	sdelay $0x2  }
0x1e9: {  	v3 =	vadd.f32 v3, v4;
	_ =	sdelay $0x1  }
0x1ea: {  	v2 =	vadd.f32 v2, v3  }
0x1eb: {  	s0 =	sor.u32 s1, s3  }
0x1ec: {  	s28 =	simm.s32 $0x0;
	[tilespmem:s0+$0x0] =	vst v2  }
0x1ed: {  	v2 =	vld [tilespmem:s28+$0x13D50];
	_ =	sdelay $0x4  }
0x1ee: {  	v2 =	vadd.f32 $1.000000000e+00, v2  }
0x1ef: {  	v3 =	vld [tilespmem:s28+$0x13D00]  }
0x1f0: {  	v10 =	vld [tilespmem:s28+$0x13D20];
	v4 =	vshra.s32 v2, $0x1;
	v2 =	vmul.f32 $5.000000000e-01, v2  }
0x1f1: {  	v4 =	vsub.s32 $0x5F3759DF, v4  }
0x1f2: {  	v11 =	vld [tilespmem:s28+$0x13D30];
	v6 =	vmul.f32 v4, v2;
	_ =	sdelay $0x1  }
0x1f3: {  	v3 =	vadd.f32 $1.000000000e+00, v3;
	v6 =	vmul.f32 v4, v6  }
0x1f4: {  	v10 =	vadd.f32 $1.000000000e+00, v10  }
0x1f5: {  	v5 =	vld [tilespmem:s28+$0x13D40];
	v9 =	vshra.s32 v3, $0x1;
	v3 =	vmul.f32 $5.000000000e-01, v3;
	v6 =	vsub.f32 $1.500000000e+00, v6  }
0x1f6: {  	v16 =	vadd.f32 $1.000000000e+00, v11;
	v17 =	vmul.f32 $5.000000000e-01, v10;
	v12 =	vsub.s32 $0x5F3759DF, v9  }
0x1f7: {  	v7 =	vld [tilespmem:s28+$0x13D70];
	v14 =	vmul.f32 v12, v3;
	v4 =	vmul.f32 v4, v6  }
0x1f8: {  	v18 =	vshra.s32 v16, $0x1;
	v10 =	vshra.s32 v10, $0x1;
	v16 =	vmul.f32 $5.000000000e-01, v16  }
0x1f9: {  	v8 =	vld [tilespmem:s28+$0x13D60];
	v18 =	vsub.s32 $0x5F3759DF, v18;
	v14 =	vmul.f32 v12, v14;
	v15 =	vmul.f32 v4, v2  }
0x1fa: {  	v13 =	vld [tilespmem:s28+$0x13D10];
	v5 =	vadd.f32 $1.000000000e+00, v5;
	v10 =	vsub.s32 $0x5F3759DF, v10;
	v22 =	vmul.f32 v18, v16  }
0x1fb: {  	v21 =	vmul.f32 v10, v17;
	v11 =	vsub.f32 $1.500000000e+00, v14;
	v14 =	vmul.f32 v15, v4  }
0x1fc: {  	v7 =	vadd.f32 $1.000000000e+00, v7;
	v9 =	vmul.f32 $5.000000000e-01, v5;
	v22 =	vmul.f32 v18, v22  }
0x1fd: {  	v21 =	vmul.f32 v10, v21;
	v12 =	vmul.f32 v12, v11;
	v11 =	vsub.f32 $1.500000000e+00, v14  }
0x1fe: {  	v6 =	vadd.f32 $1.000000000e+00, v8;
	v8 =	vshra.s32 v7, $0x1;
	v7 =	vmul.f32 $5.000000000e-01, v7  }
0x1ff: {  	v13 =	vadd.f32 $1.000000000e+00, v13;
	v19 =	vmul.f32 v12, v3;
	v4 =	vmul.f32 v11, v4  }
0x200: {  	v8 =	vsub.s32 $0x5F3759DF, v8;
	v15 =	vmul.f32 $5.000000000e-01, v6;
	v6 =	vshra.s32 v6, $0x1  }
0x201: {  	v19 =	vmul.f32 v19, v12;
	v6 =	vsub.s32 $0x5F3759DF, v6;
	v2 =	vmul.f32 v4, v2  }
0x202: {  	v14 =	vmul.f32 v8, v7;
	v20 =	vmul.f32 v6, v15  }
0x203: {  	v11 =	vmul.f32 $5.000000000e-01, v13;
	v2 =	vmul.f32 v2, v4  }
0x204: {  	v13 =	vshra.s32 v13, $0x1;
	v14 =	vmul.f32 v8, v14;
	v20 =	vmul.f32 v6, v20  }
0x205: {  	v19 =	vsub.f32 $1.500000000e+00, v19;
	v13 =	vsub.s32 $0x5F3759DF, v13;
	v2 =	vsub.f32 $1.500000000e+00, v2  }
0x206: {  	v23 =	vmul.f32 v13, v11;
	v20 =	vsub.f32 $1.500000000e+00, v20;
	v14 =	vsub.f32 $1.500000000e+00, v14  }
0x207: {  	v5 =	vshra.s32 v5, $0x1;
	v2 =	vmul.f32 v2, v4;
	v4 =	vmul.f32 v19, v12  }
0x208: {  	v8 =	vmul.f32 v8, v14;
	v12 =	vmul.f32 v6, v20;
	v19 =	vsub.f32 $1.500000000e+00, v22  }
0x209: {  	s29 =	simm.s32 $0x80;
	v5 =	vsub.s32 $0x5F3759DF, v5;
	v6 =	vmul.f32 v13, v23;
	[tilespmem:s28+$0x13FD0] =	vst v2;
	v2 =	vmul.f32 v4, v3  }
0x20a: {  	v3 =	vmul.f32 v5, v9;
	v14 =	vmul.f32 v18, v19;
	v18 =	vld [tilespmem:s29+$0x13D50]  }
0x20b: {  	v20 =	vmul.f32 v8, v7;
	v19 =	vsub.f32 $1.500000000e+00, v21;
	v22 =	vmul.f32 v12, v15;
	v21 =	vld [tilespmem:s29+$0x13D40]  }
0x20c: {  	v6 =	vsub.f32 $1.500000000e+00, v6;
	v23 =	vld [tilespmem:s29+$0x13D60];
	v2 =	vmul.f32 v2, v4;
	v3 =	vmul.f32 v5, v3  }
0x20d: {  	v24 =	vld [tilespmem:s29+$0x13D70];
	v19 =	vmul.f32 v10, v19;
	v10 =	vmul.f32 v20, v8  }
0x20e: {  	v27 =	vld [tilespmem:s29+$0x13D10];
	v20 =	vmul.f32 v13, v6;
	v2 =	vsub.f32 $1.500000000e+00, v2  }
0x20f: {  	v13 =	vmul.f32 v22, v12;
	v3 =	vsub.f32 $1.500000000e+00, v3;
	v10 =	vsub.f32 $1.500000000e+00, v10  }
0x210: {  	v25 =	vmul.f32 v2, v4;
	v2 =	vmul.f32 v19, v17;
	v4 =	vadd.f32 $1.000000000e+00, v18  }
0x211: {  	v18 =	vmul.f32 v20, v11;
	v21 =	vadd.f32 $1.000000000e+00, v21;
	v23 =	vadd.f32 $1.000000000e+00, v23  }
0x212: {  	v22 =	vld [tilespmem:s29+$0x13D00];
	v28 =	vmul.f32 v5, v3;
	v5 =	vadd.f32 $1.000000000e+00, v24;
	v32 =	vmul.f32 v10, v8  }
0x213: {  	v8 =	vadd.f32 $1.000000000e+00, v27;
	v26 =	vmul.f32 v2, v19;
	v2 =	vmul.f32 v14, v16  }
0x214: {  	v3 =	vshra.s32 v21, $0x1;
	v31 =	vshra.s32 v4, $0x1;
	v27 =	vmul.f32 $5.000000000e-01, v4  }
0x215: {  	v7 =	vmul.f32 v32, v7;
	v18 =	vmul.f32 v18, v20;
	v6 =	vsub.s32 $0x5F3759DF, v3  }
0x216: {  	v3 =	vshra.s32 v5, $0x1;
	v24 =	vmul.f32 v2, v14;
	v2 =	vmul.f32 $5.000000000e-01, v21  }
0x217: {  	v21 =	vadd.f32 $1.000000000e+00, v22;
	v22 =	vmul.f32 v28, v9;
	v29 =	vsub.s32 $0x5F3759DF, v3  }
0x218: {  	v3 =	vmul.f32 $5.000000000e-01, v5;
	v26 =	vsub.f32 $1.500000000e+00, v26;
	v51 =	vmul.f32 v7, v32  }
0x219: {  	v7 =	vsub.f32 $1.500000000e+00, v13;
	v24 =	vsub.f32 $1.500000000e+00, v24;
	v33 =	vmul.f32 $5.000000000e-01, v21  }
0x21a: {  	v5 =	vshra.s32 v21, $0x1;
	v4 =	vmul.f32 v22, v28;
	v26 =	vmul.f32 v26, v19  }
0x21b: {  	v30 =	vld [tilespmem:s29+$0x13D20];
	v12 =	vmul.f32 v7, v12;
	v24 =	vmul.f32 v24, v14;
	v14 =	vsub.s32 $0x5F3759DF, v31  }
0x21c: {  	v7 =	vmul.f32 $5.000000000e-01, v8;
	v21 =	vsub.s32 $0x5F3759DF, v5;
	v5 =	vmul.f32 v14, v27  }
0x21d: {  	v10 =	vmul.f32 v21, v33;
	v35 =	vsub.f32 $1.500000000e+00, v4;
	v4 =	vmul.f32 $5.000000000e-01, v23  }
0x21e: {  	v19 =	vshra.s32 v23, $0x1;
	v17 =	vmul.f32 v26, v17;
	v49 =	vmul.f32 v14, v5  }
0x21f: {  	v52 =	vsub.s32 $0x5F3759DF, v19;
	v15 =	vmul.f32 v12, v15;
	v48 =	vmul.f32 v24, v16  }
0x220: {  	v22 =	vld [tilespmem:s29+$0x13D30];
	v16 =	vadd.f32 $1.000000000e+00, v30;
	v36 =	vmul.f32 v21, v10;
	v30 =	vsub.f32 $1.500000000e+00, v49  }
0x221: {  	v10 =	vmul.f32 v35, v28;
	v19 =	vmul.f32 v52, v4  }
0x222: {  	v17 =	vmul.f32 v17, v26;
	v14 =	vmul.f32 v14, v30  }
0x223: {  	v15 =	vmul.f32 v15, v12;
	v5 =	vmul.f32 $5.000000000e-01, v16  }
0x224: {  	v50 =	vsub.f32 $1.500000000e+00, v36;
	v13 =	vshra.s32 v16, $0x1;
	v16 =	vmul.f32 v14, v27  }
0x225: {  	v22 =	vadd.f32 $1.000000000e+00, v22;
	v9 =	vmul.f32 v10, v9;
	v54 =	vmul.f32 v52, v19  }
0x226: {  	v34 =	vshra.s32 v8, $0x1;
	v28 =	vmul.f32 v21, v50;
	v16 =	vmul.f32 v16, v14  }
0x227: {  	v56 =	vsub.f32 $1.500000000e+00, v17;
	v13 =	vsub.s32 $0x5F3759DF, v13;
	v8 =	vmul.f32 $5.000000000e-01, v22  }
0x228: {  	v21 =	vmul.f32 v29, v3;
	v23 =	vmul.f32 v28, v33;
	v37 =	vsub.f32 $1.500000000e+00, v16  }
0x229: {  	v53 =	vmul.f32 v13, v5;
	v19 =	vmul.f32 v9, v10;
	v9 =	vsub.f32 $1.500000000e+00, v54  }
0x22a: {  	v23 =	vmul.f32 v23, v28;
	v37 =	vmul.f32 v37, v14  }
0x22b: {  	v18 =	vsub.f32 $1.500000000e+00, v18;
	v63 =	vmul.f32 v56, v26;
	v9 =	vmul.f32 v52, v9  }
0x22c: {  	v58 =	vmul.f32 v13, v53;
	v60 =	vsub.f32 $1.500000000e+00, v23;
	v27 =	vmul.f32 v37, v27  }
0x22d: {  	v16 =	vshra.s32 v22, $0x1;
	v22 =	vmul.f32 v29, v21;
	v21 =	vmul.f32 v48, v24  }
0x22e: {  	v16 =	vsub.s32 $0x5F3759DF, v16;
	v14 =	vsub.s32 $0x5F3759DF, v34;
	v17 =	vmul.f32 v27, v37  }
0x22f: {  	v55 =	vmul.f32 v16, v8;
	v62 =	vsub.f32 $1.500000000e+00, v22;
	v27 =	vsub.f32 $1.500000000e+00, v51  }
0x230: {  	v22 =	vmul.f32 v6, v2;
	v57 =	vmul.f32 v14, v7;
	v17 =	vsub.f32 $1.500000000e+00, v17  }
0x231: {  	v23 =	vsub.f32 $1.500000000e+00, v15;
	v34 =	vmul.f32 v16, v55;
	v27 =	vmul.f32 v27, v32  }
0x232: {  	[tilespmem:s28+$0x13F80] =	vst v25;
	v59 =	vsub.f32 $1.500000000e+00, v21;
	v15 =	vmul.f32 v29, v62;
	v61 =	vmul.f32 v17, v37  }
0x233: {  	v17 =	vmul.f32 v18, v20;
	v20 =	vmul.f32 v60, v28;
	[tilespmem:s28+$0x13FF0] =	vst v27  }
0x234: {  	v21 =	vmul.f32 v14, v57;
	v25 =	vsub.f32 $1.500000000e+00, v34;
	v18 =	vmul.f32 v59, v24;
	[tilespmem:s29+$0x13FD0] =	vst v61  }
0x235: {  	s0 =	simm.s32 $0x400;
	v24 =	vsub.f32 $1.500000000e+00, v58;
	v26 =	vmul.f32 v20, v33;
	v11 =	vmul.f32 v17, v11;
	[tilespmem:s28+$0x13FA0] =	vst v63  }
.LBB2_8:
0x236: {  	s1 =	sshra.s32 s0, $0x2;
	p1 =	sne.s32 s0, $0x800;
	s0 =	sadd.s32 $0x200, s0;
	v16 =	vmul.f32 v16, v25;
	v25 =	vmul.f32 v15, v3;
	v19 =	vsub.f32 $1.500000000e+00, v19  }
0x237: {  	v27 =	vld [tilespmem:s1+$0x13D70];
	v26 =	vmul.f32 v26, v20;
	v28 =	vmul.f32 v11, v17  }
0x238: {  	v12 =	vmul.f32 v23, v12;
	v11 =	vsub.f32 $1.500000000e+00, v21;
	v21 =	vmul.f32 v6, v22;
	v29 =	vld [tilespmem:s1+$0x13D50]  }
0x239: {  	v13 =	vmul.f32 v13, v24;
	v24 =	vmul.f32 v9, v4;
	v22 =	vld [tilespmem:s1+$0x13D40];
	v23 =	vsub.f32 $1.500000000e+00, v26  }
0x23a: {  	v25 =	vmul.f32 v25, v15;
	v10 =	vmul.f32 v19, v10;
	v21 =	vsub.f32 $1.500000000e+00, v21;
	v26 =	vld [tilespmem:s1+$0x13D60];
	[tilespmem:s28+$0x13FE0] =	vst v12  }
0x23b: {  	v11 =	vmul.f32 v14, v11;
	v14 =	vmul.f32 v24, v9;
	v19 =	vsub.f32 $1.500000000e+00, v28;
	v12 =	vld [tilespmem:s1+$0x13D20];
	[tilespmem:s28+$0x13FB0] =	vst v18  }
0x23c: {  	v20 =	vmul.f32 v23, v20;
	v23 =	vmul.f32 v13, v5;
	v18 =	vld [tilespmem:s1+$0x13D00];
	[tilespmem:s28+$0x13FC0] =	vst v10  }
0x23d: {  	v28 =	vmul.f32 v11, v7;
	v17 =	vmul.f32 v19, v17;
	v10 =	vld [tilespmem:s1+$0x13D30];
	v24 =	vadd.f32 $1.000000000e+00, v29  }
0x23e: {  	v19 =	vld [tilespmem:s1+$0x13D10];
	v22 =	vadd.f32 $1.000000000e+00, v22;
	[tilespmem:s29+$0x13F80] =	vst v20;
	v20 =	vmul.f32 v23, v13;
	v23 =	vmul.f32 v16, v8  }
0x23f: {  	v25 =	vsub.f32 $1.500000000e+00, v25;
	v21 =	vmul.f32 v6, v21;
	v26 =	vadd.f32 $1.000000000e+00, v26;
	[tilespmem:s28+$0x13F90] =	vst v17;
	s28 =	smov.u32 s29;
	s29 =	smov.u32 s1  }
0x240: {  	v17 =	vadd.f32 $1.000000000e+00, v27;
	v6 =	vshra.s32 v22, $0x1;
	v23 =	vmul.f32 v23, v16  }
0x241: {  	v27 =	vmul.f32 v21, v2;
	v22 =	vmul.f32 $5.000000000e-01, v22;
	v6 =	vsub.s32 $0x5F3759DF, v6  }
0x242: {  	v18 =	vadd.f32 $1.000000000e+00, v18;
	v29 =	vshra.s32 v17, $0x1;
	v23 =	vsub.f32 $1.500000000e+00, v23  }
0x243: {  	v20 =	vsub.f32 $1.500000000e+00, v20;
	v17 =	vmul.f32 $5.000000000e-01, v17;
	v29 =	vsub.s32 $0x5F3759DF, v29  }
0x244: {  	v15 =	vmul.f32 v25, v15;
	v31 =	vshra.s32 v24, $0x1;
	v30 =	vshra.s32 v18, $0x1  }
0x245: {  	v24 =	vmul.f32 $5.000000000e-01, v24;
	v19 =	vadd.f32 $1.000000000e+00, v19;
	v32 =	vmul.f32 v23, v16  }
0x246: {  	v33 =	vmul.f32 $5.000000000e-01, v18;
	v18 =	vmul.f32 v27, v21;
	v16 =	vsub.s32 $0x5F3759DF, v31  }
0x247: {  	v23 =	vsub.s32 $0x5F3759DF, v30;
	v25 =	vmul.f32 v16, v24;
	v27 =	vmul.f32 v32, v8  }
0x248: {  	v30 =	vshra.s32 v19, $0x1;
	v18 =	vsub.f32 $1.500000000e+00, v18;
	v8 =	vmul.f32 v23, v33  }
0x249: {  	v12 =	vadd.f32 $1.000000000e+00, v12;
	v31 =	vmul.f32 $5.000000000e-01, v26;
	v25 =	vmul.f32 v16, v25  }
0x24a: {  	v35 =	vmul.f32 v15, v3;
	v34 =	vadd.f32 $1.000000000e+00, v10;
	v3 =	vmovc v17;
	v8 =	vmul.f32 v23, v8  }
0x24b: {  	v17 =	vmul.f32 $5.000000000e-01, v12;
	v10 =	vmul.f32 v18, v21;
	v25 =	vsub.f32 $1.500000000e+00, v25  }
0x24c: {  	v18 =	vshra.s32 v34, $0x1;
	v21 =	vmul.f32 v35, v15;
	v8 =	vsub.f32 $1.500000000e+00, v8  }
0x24d: {  	v14 =	vsub.f32 $1.500000000e+00, v14;
	v28 =	vmul.f32 v28, v11;
	v25 =	vmul.f32 v16, v25  }
0x24e: {  	v35 =	vmul.f32 v23, v8;
	v8 =	vshra.s32 v12, $0x1;
	v23 =	vmul.f32 v29, v3  }
0x24f: {  	v12 =	vshra.s32 v26, $0x1;
	v26 =	vmul.f32 v20, v13;
	v36 =	vmul.f32 v25, v24  }
0x250: {  	v37 =	vsub.s32 $0x5F3759DF, v12;
	v12 =	vmul.f32 v14, v9;
	v20 =	vmul.f32 v35, v33  }
0x251: {  	v16 =	vsub.s32 $0x5F3759DF, v18;
	v14 =	vmul.f32 v26, v5;
	v5 =	vmovc v17;
	v9 =	vmul.f32 v36, v25  }
0x252: {  	v13 =	vsub.s32 $0x5F3759DF, v8;
	v17 =	vmul.f32 v37, v31;
	v36 =	vmul.f32 $5.000000000e-01, v19  }
0x253: {  	v18 =	vmul.f32 v13, v5;
	v19 =	vmul.f32 v14, v26;
	v9 =	vsub.f32 $1.500000000e+00, v9  }
0x254: {  	v8 =	vmul.f32 $5.000000000e-01, v34;
	v23 =	vmul.f32 v29, v23;
	v14 =	vsub.s32 $0x5F3759DF, v30  }
0x255: {  	v28 =	vsub.f32 $1.500000000e+00, v28;
	v25 =	vmul.f32 v9, v25;
	v9 =	vmul.f32 v27, v32  }
0x256: {  	v30 =	vsub.f32 $1.500000000e+00, v19;
	v19 =	vmul.f32 v10, v2;
	v2 =	vmovc v22;
	v27 =	vmul.f32 v16, v8  }
0x257: {  	v22 =	vmul.f32 v25, v24;
	v24 =	vsub.f32 $1.500000000e+00, v9;
	v9 =	vmul.f32 v12, v4;
	v4 =	vmovc v31  }
0x258: {  	v21 =	vsub.f32 $1.500000000e+00, v21;
	v17 =	vmul.f32 v37, v17;
	v19 =	vmul.f32 v19, v10  }
0x259: {  	v27 =	vmul.f32 v16, v27;
	v31 =	vsub.f32 $1.500000000e+00, v23;
	v22 =	vmul.f32 v22, v25  }
0x25a: {  	v20 =	vmul.f32 v20, v35;
	v17 =	vsub.f32 $1.500000000e+00, v17;
	v23 =	vmul.f32 v14, v36  }
0x25b: {  	v34 =	vmul.f32 v13, v18;
	v38 =	vmul.f32 v9, v12;
	v18 =	vsub.f32 $1.500000000e+00, v22  }
0x25c: {  	v15 =	vmul.f32 v21, v15;
	v20 =	vsub.f32 $1.500000000e+00, v20;
	v9 =	vmul.f32 v37, v17  }
.Ltmp3:
0x25d: {  	v21 =	vmul.f32 v14, v23;
	v18 =	vmul.f32 v18, v25;
	(pc) =	sbr.rel @p1 .LBB2_8-.Ltmp3, $4  }
0x25e: {  	v17 =	vmul.f32 v28, v11;
	v22 =	vmul.f32 v6, v2;
	v23 =	vsub.f32 $1.500000000e+00, v38  }
0x25f: {  	v20 =	vmul.f32 v20, v35;
	v25 =	vsub.f32 $1.500000000e+00, v27;
	v27 =	vmul.f32 v30, v26;
	[tilespmem:s28+$0x13FF0] =	vst v15  }
0x260: {  	v15 =	vmul.f32 v29, v31;
	[tilespmem:s29+$0x13FD0] =	vst v18;
	v18 =	vmul.f32 v24, v32  }
0x261: {  	v11 =	vmul.f32 v17, v7;
	v7 =	vmovc v36;
	v26 =	vmul.f32 v20, v33;
	v24 =	vsub.f32 $1.500000000e+00, v34;
	[tilespmem:s28+$0x13FA0] =	vst v27  }
0x262: {  	v16 =	vmul.f32 v16, v25;
	v38 =	vmul.f32 v15, v3  }
0x263: {  	v22 =	vmul.f32 v6, v22;
	v12 =	vmul.f32 v23, v12  }
0x264: {  	v19 =	vsub.f32 $1.500000000e+00, v19;
	v39 =	vmul.f32 v9, v4;
	v26 =	vmul.f32 v26, v20  }
0x265: {  	v21 =	vsub.f32 $1.500000000e+00, v21;
	v11 =	vmul.f32 v11, v17;
	v13 =	vmul.f32 v13, v24  }
0x266: {  	v40 =	vmul.f32 v16, v8;
	v25 =	vmul.f32 v38, v15  }
0x267: {  	v22 =	vsub.f32 $1.500000000e+00, v22;
	v10 =	vmul.f32 v19, v10;
	v14 =	vmul.f32 v14, v21  }
0x268: {  	v45 =	vmul.f32 v39, v9;
	v41 =	vsub.f32 $1.500000000e+00, v26;
	v43 =	vmul.f32 v13, v5  }
0x269: {  	v11 =	vsub.f32 $1.500000000e+00, v11;
	v42 =	vmul.f32 v40, v16;
	v44 =	vmul.f32 v6, v22  }
0x26a: {  	v49 =	vmul.f32 v14, v7;
	v25 =	vsub.f32 $1.500000000e+00, v25;
	v19 =	vmul.f32 v41, v20  }
0x26b: {  	v54 =	vsub.f32 $1.500000000e+00, v45;
	v47 =	vmul.f32 v43, v13;
	v11 =	vmul.f32 v11, v17  }
0x26c: {  	v46 =	vsub.f32 $1.500000000e+00, v42;
	v48 =	vmul.f32 v44, v2;
	v52 =	vmul.f32 v25, v15  }
0x26d: {  	v55 =	vmul.f32 v49, v14;
	v56 =	vmul.f32 v54, v9  }
0x26e: {  	v50 =	vsub.f32 $1.500000000e+00, v47;
	v16 =	vmul.f32 v46, v16;
	v51 =	vmul.f32 v48, v44  }
0x26f: {  	v3 =	vmul.f32 v52, v3;
	v58 =	vsub.f32 $1.500000000e+00, v55;
	v59 =	vmul.f32 v56, v4  }
0x270: {  	v13 =	vmul.f32 v50, v13;
	v53 =	vmul.f32 v16, v8  }
0x271: {  	v20 =	vsub.f32 $1.500000000e+00, v51;
	v3 =	vmul.f32 v3, v52;
	v60 =	vmul.f32 v58, v14  }
0x272: {  	[tilespmem:s28+$0x13FB0] =	vst v18;
	v4 =	vmul.f32 v59, v56;
	v57 =	vmul.f32 v13, v5  }
0x273: {  	[tilespmem:s28+$0x13FE0] =	vst v12;
	v6 =	vmul.f32 v20, v44;
	v3 =	vsub.f32 $1.500000000e+00, v3;
	v8 =	vmul.f32 v53, v16  }
0x274: {  	[tilespmem:s28+$0x13FC0] =	vst v10;
	v61 =	vmul.f32 v60, v7;
	v5 =	vmul.f32 v57, v13  }
0x275: {  	[tilespmem:s29+$0x13F80] =	vst v19;
	v4 =	vsub.f32 $1.500000000e+00, v4;
	v2 =	vmul.f32 v6, v2;
	v3 =	vmul.f32 v3, v52  }
0x276: {  	[tilespmem:s28+$0x13F90] =	vst v11;
	v8 =	vsub.f32 $1.500000000e+00, v8;
	v7 =	vmul.f32 v61, v60  }
0x277: {  	v5 =	vsub.f32 $1.500000000e+00, v5;
	v2 =	vmul.f32 v2, v6;
	[tilespmem:s29+$0x13FF0] =	vst v3;
	v3 =	vmul.f32 v4, v56  }
0x278: {  	v62 =	vmul.f32 v8, v16;
	v63 =	vsub.f32 $1.500000000e+00, v7  }
0x279: {  	v5 =	vmul.f32 v5, v13;
	v2 =	vsub.f32 $1.500000000e+00, v2;
	[tilespmem:s29+$0x13FE0] =	vst v3  }
0x27a: {  	[tilespmem:s29+$0x13FB0] =	vst v62;
	v3 =	vmul.f32 v63, v60  }
0x27b: {  	s0 =	sld [smem:$0x7F8];
	[tilespmem:s29+$0x13FA0] =	vst v5;
	v2 =	vmul.f32 v2, v6  }
0x27c: {  	[tilespmem:s29+$0x13F90] =	vst v3  }
0x27d: {  	s1 =	simm.s32 $0x13F80;
	s6 =	simm.s32 $0x2;
	[tilespmem:s29+$0x13FC0] =	vst v2  }
0x27e: {  	[spmem:s0] =	stream.linear.scatter [tilespmem:s1], [sflag:$0x2], $0x280, $0x38;
	[tilespmem:$0x16C80] =	vst v63  }
0x27f: {  	_ =	swait.ge [sflag:s6], $0x280  }
0x280: {  	s2 =	sld [smem:$0x7F9]  }
0x281: {  	[sflag:s6] =	ssyncset.done $0x0  }
0x282: {  	s0 =	simm.s32 @!p0 $0x0;
	s1 =	simm.s32 @!p0 $0x13F80;
	[sflag:s6] =	ssyncadd.s32 $0xFFFFFD80  }
0x283: {  	[hbm4b:s2+s0] =	stream.linear.scatter @!p0 [tilespmem:s1], [sflag:$0x2], $0x280, $0x38;
	[tilespmem:$0x16C80] =	vst v63  }
0x284: {  	s0 =	simm.s32 @!p0 $0x2  }
0x285: {  	_ =	swait.ge @!p0 [sflag:s0], $0x280  }
0x286: {  	[sflag:s0] =	ssyncset.done @!p0 $0x0  }
0x287: {  	[sflag:s0] =	ssyncadd.s32 @!p0 $0xFFFFFD80  }
0x288: {  	[bflag:$0x0] =	sbarrier.arrive $0xFFFF  }
0x289: {  	s7 =	simm.s32 $0xED00;
	s31 =	rddreg [dreg:$0x4]  }
0x28a: {  	[tilespmem:s7], [sflag:$0x2] =	stream.linear.gather [spmem:s31], $0x2800, $0x38;
	[tilespmem:$0x16C80] =	vst v63  }
0x28b: {  	_ =	swait.ge [sflag:s6], $0x2800  }
0x28c: {  	s8 =	simm.s32 $0xC500;
	[sflag:s6] =	ssyncset.done $0x0  }
0x28d: {  	s0 =	simm.s32 $0x0;
	s1 =	sld [smem:$0x7FA];
	[sflag:s6] =	ssyncadd.s32 $0xFFFFD800  }
.LBB2_10:
0x28e: {  	s2 =	rddreg [dreg:$0x1c]  }
0x28f: {  	s3 =	sadd.s32 s0, s2  }
0x290: {  	s13 =	sand.u32 $0x70, s1;
	s4 =	sand.u32 $0x1FF00, s3  }
0x291: {  	s2 =	sor.u32 s13, s4  }
0x292: {  	v2 =	vld [tilespmem:s2+$0x80];
	_ =	sdelay $0x1  }
0x293: {  	v3 =	vld [tilespmem:s2+$0x0];
	_ =	sdelay $0x4  }
0x294: {  	vm0 =	vne.s32 v3, v2  }
0x295: {  	v2 =	vld.idx.msk [tilespmem:v2+s7+$0x0], $0xffff;
	_ =	sdelay $0x2  }
0x296: {  	s14 =	sadd.s32 $0x10, s1;
	s5 =	sadd.s32 $0x20, s3  }
0x297: {  	s4 =	sand.u32 $0x70, s14;
	s5 =	sand.u32 $0x7FFFFF00, s5  }
0x298: {  	s4 =	sor.u32 s4, s5;
	[tilespmem:v3+s8+$0x0] =	vst.idx.add.f32.msk vm0, v2  }
0x299: {  	v2 =	vld [tilespmem:s4+$0x80];
	_ =	sdelay $0x1  }
0x29a: {  	v3 =	vld [tilespmem:s4+$0x0];
	_ =	sdelay $0x4  }
0x29b: {  	vm4 =	vne.s32 v3, v2  }
0x29c: {  	v2 =	vld.idx.msk [tilespmem:v2+s7+$0x0], $0xffff;
	_ =	sdelay $0x2  }
0x29d: {  	s15 =	sadd.s32 $0x20, s1;
	s16 =	sadd.s32 $0x40, s3  }
0x29e: {  	s5 =	sand.u32 $0x7FFFFF00, s16;
	s4 =	sand.u32 $0x70, s15  }
0x29f: {  	s4 =	sor.u32 s4, s5;
	[tilespmem:v3+s8+$0x0] =	vst.idx.add.f32.msk vm4, v2  }
0x2a0: {  	v2 =	vld [tilespmem:s4+$0x80];
	_ =	sdelay $0x1  }
0x2a1: {  	v3 =	vld [tilespmem:s4+$0x0];
	_ =	sdelay $0x4  }
0x2a2: {  	vm5 =	vne.s32 v3, v2  }
0x2a3: {  	v2 =	vld.idx.msk [tilespmem:v2+s7+$0x0], $0xffff;
	_ =	sdelay $0x2  }
0x2a4: {  	s17 =	sadd.s32 $0x30, s1;
	s18 =	sadd.s32 $0x60, s3  }
0x2a5: {  	s5 =	sand.u32 $0x7FFFFF00, s18;
	s4 =	sand.u32 $0x70, s17  }
0x2a6: {  	s4 =	sor.u32 s4, s5;
	[tilespmem:v3+s8+$0x0] =	vst.idx.add.f32.msk vm5, v2  }
0x2a7: {  	v2 =	vld [tilespmem:s4+$0x80];
	_ =	sdelay $0x1  }
0x2a8: {  	v3 =	vld [tilespmem:s4+$0x0];
	_ =	sdelay $0x4  }
0x2a9: {  	vm6 =	vne.s32 v3, v2  }
0x2aa: {  	v2 =	vld.idx.msk [tilespmem:v2+s7+$0x0], $0xffff;
	_ =	sdelay $0x2  }
0x2ab: {  	s19 =	sadd.s32 $0x40, s1;
	s20 =	sadd.s32 $0x80, s3  }
0x2ac: {  	s5 =	sand.u32 $0x7FFFFF00, s20;
	s4 =	sand.u32 $0x70, s19  }
0x2ad: {  	s4 =	sor.u32 s4, s5;
	[tilespmem:v3+s8+$0x0] =	vst.idx.add.f32.msk vm6, v2  }
0x2ae: {  	v2 =	vld [tilespmem:s4+$0x80];
	_ =	sdelay $0x1  }
0x2af: {  	v3 =	vld [tilespmem:s4+$0x0];
	_ =	sdelay $0x4  }
0x2b0: {  	vm7 =	vne.s32 v3, v2  }
0x2b1: {  	v2 =	vld.idx.msk [tilespmem:v2+s7+$0x0], $0xffff;
	_ =	sdelay $0x2  }
0x2b2: {  	s21 =	sadd.s32 $0x50, s1;
	s22 =	sadd.s32 $0xA0, s3  }
0x2b3: {  	s5 =	sand.u32 $0x7FFFFF00, s22;
	s4 =	sand.u32 $0x70, s21  }
0x2b4: {  	s4 =	sor.u32 s4, s5;
	[tilespmem:v3+s8+$0x0] =	vst.idx.add.f32.msk vm7, v2  }
0x2b5: {  	v2 =	vld [tilespmem:s4+$0x80];
	_ =	sdelay $0x1  }
0x2b6: {  	v3 =	vld [tilespmem:s4+$0x0];
	_ =	sdelay $0x4  }
0x2b7: {  	vm8 =	vne.s32 v3, v2  }
0x2b8: {  	v2 =	vld.idx.msk [tilespmem:v2+s7+$0x0], $0xffff;
	_ =	sdelay $0x2  }
0x2b9: {  	s23 =	sadd.s32 $0x60, s1;
	s24 =	sadd.s32 $0xC0, s3  }
0x2ba: {  	s5 =	sand.u32 $0x7FFFFF00, s24;
	s4 =	sand.u32 $0x70, s23  }
0x2bb: {  	s4 =	sor.u32 s4, s5;
	[tilespmem:v3+s8+$0x0] =	vst.idx.add.f32.msk vm8, v2  }
0x2bc: {  	v2 =	vld [tilespmem:s4+$0x80];
	_ =	sdelay $0x1  }
0x2bd: {  	v3 =	vld [tilespmem:s4+$0x0];
	_ =	sdelay $0x4  }
0x2be: {  	vm9 =	vne.s32 v3, v2  }
0x2bf: {  	v2 =	vld.idx.msk [tilespmem:v2+s7+$0x0], $0xffff;
	_ =	sdelay $0x2  }
0x2c0: {  	s25 =	sadd.s32 $0x70, s1;
	s26 =	sadd.s32 $0xE0, s3  }
0x2c1: {  	s5 =	sand.u32 $0x7FFFFF00, s26;
	s4 =	sand.u32 $0x70, s25  }
0x2c2: {  	s4 =	sor.u32 s4, s5;
	[tilespmem:v3+s8+$0x0] =	vst.idx.add.f32.msk vm9, v2  }
0x2c3: {  	v2 =	vld [tilespmem:s4+$0x80];
	_ =	sdelay $0x1  }
0x2c4: {  	v3 =	vld [tilespmem:s4+$0x0];
	_ =	sdelay $0x4  }
0x2c5: {  	vm10 =	vne.s32 v3, v2  }
0x2c6: {  	v2 =	vld.idx.msk [tilespmem:v2+s7+$0x0], $0xffff;
	_ =	sdelay $0x4  }
0x2c7: {  	[tilespmem:v3+s8+$0x0] =	vst.idx.add.f32.msk vm10, v2  }
0x2c8: {  	v2 =	vld [tilespmem:s2+$0x180];
	_ =	sdelay $0x1  }
0x2c9: {  	v3 =	vld [tilespmem:s2+$0x100];
	_ =	sdelay $0x4  }
0x2ca: {  	vm11 =	vne.s32 v3, v2  }
0x2cb: {  	v2 =	vld.idx.msk [tilespmem:v2+s7+$0x0], $0xffff;
	_ =	sdelay $0x2  }
0x2cc: {  	s28 =	sadd.s32 $0x90, s1;
	s29 =	sadd.s32 $0x120, s3  }
0x2cd: {  	s5 =	sand.u32 $0x7FFFFF00, s29;
	s4 =	sand.u32 $0x70, s28  }
0x2ce: {  	s4 =	sor.u32 s4, s5;
	[tilespmem:v3+s8+$0x0] =	vst.idx.add.f32.msk vm11, v2  }
0x2cf: {  	v2 =	vld [tilespmem:s4+$0x80];
	_ =	sdelay $0x1  }
0x2d0: {  	v3 =	vld [tilespmem:s4+$0x0];
	_ =	sdelay $0x4  }
0x2d1: {  	vm12 =	vne.s32 v3, v2  }
0x2d2: {  	v2 =	vld.idx.msk [tilespmem:v2+s7+$0x0], $0xffff;
	_ =	sdelay $0x2  }
0x2d3: {  	s30 =	sadd.s32 $0xA0, s1;
	s31 =	sadd.s32 $0x140, s3  }
0x2d4: {  	s5 =	sand.u32 $0x7FFFFF00, s31;
	s4 =	sand.u32 $0x70, s30  }
0x2d5: {  	s4 =	sor.u32 s4, s5;
	[tilespmem:v3+s8+$0x0] =	vst.idx.add.f32.msk vm12, v2  }
0x2d6: {  	v2 =	vld [tilespmem:s4+$0x80];
	_ =	sdelay $0x1  }
0x2d7: {  	v3 =	vld [tilespmem:s4+$0x0];
	_ =	sdelay $0x4  }
0x2d8: {  	vm13 =	vne.s32 v3, v2  }
0x2d9: {  	v2 =	vld.idx.msk [tilespmem:v2+s7+$0x0], $0xffff;
	_ =	sdelay $0x2  }
0x2da: {  	s9 =	sadd.s32 $0x160, s3;
	s5 =	sadd.s32 $0xB0, s1  }
0x2db: {  	s4 =	sand.u32 $0x70, s5;
	s5 =	sand.u32 $0x7FFFFF00, s9  }
0x2dc: {  	s4 =	sor.u32 s4, s5;
	[tilespmem:v3+s8+$0x0] =	vst.idx.add.f32.msk vm13, v2  }
0x2dd: {  	v2 =	vld [tilespmem:s4+$0x80];
	_ =	sdelay $0x1  }
0x2de: {  	v3 =	vld [tilespmem:s4+$0x0];
	_ =	sdelay $0x4  }
0x2df: {  	vm14 =	vne.s32 v3, v2  }
0x2e0: {  	v2 =	vld.idx.msk [tilespmem:v2+s7+$0x0], $0xffff;
	_ =	sdelay $0x2  }
0x2e1: {  	s10 =	sadd.s32 $0xC0, s1;
	s11 =	sadd.s32 $0x180, s3  }
0x2e2: {  	s5 =	sand.u32 $0x7FFFFF00, s11;
	s4 =	sand.u32 $0x70, s10  }
0x2e3: {  	s4 =	sor.u32 s4, s5;
	[tilespmem:v3+s8+$0x0] =	vst.idx.add.f32.msk vm14, v2  }
0x2e4: {  	v2 =	vld [tilespmem:s4+$0x80];
	_ =	sdelay $0x1  }
0x2e5: {  	v3 =	vld [tilespmem:s4+$0x0];
	_ =	sdelay $0x4  }
0x2e6: {  	vm15 =	vne.s32 v3, v2  }
0x2e7: {  	v2 =	vld.idx.msk [tilespmem:v2+s7+$0x0], $0xffff;
	_ =	sdelay $0x2  }
0x2e8: {  	s12 =	sadd.s32 $0xD0, s1;
	s13 =	sadd.s32 $0x1A0, s3  }
0x2e9: {  	s5 =	sand.u32 $0x7FFFFF00, s13;
	s4 =	sand.u32 $0x70, s12  }
0x2ea: {  	s4 =	sor.u32 s4, s5;
	[tilespmem:v3+s8+$0x0] =	vst.idx.add.f32.msk vm15, v2  }
0x2eb: {  	v2 =	vld [tilespmem:s4+$0x80];
	_ =	sdelay $0x1  }
0x2ec: {  	v3 =	vld [tilespmem:s4+$0x0];
	_ =	sdelay $0x4  }
0x2ed: {  	vm4 =	vne.s32 v3, v2  }
0x2ee: {  	v2 =	vld.idx.msk [tilespmem:v2+s7+$0x0], $0xffff;
	_ =	sdelay $0x2  }
0x2ef: {  	s14 =	sadd.s32 $0xE0, s1;
	s15 =	sadd.s32 $0x1C0, s3  }
0x2f0: {  	s5 =	sand.u32 $0x7FFFFF00, s15;
	s4 =	sand.u32 $0x70, s14  }
0x2f1: {  	s4 =	sor.u32 s4, s5;
	[tilespmem:v3+s8+$0x0] =	vst.idx.add.f32.msk vm4, v2  }
0x2f2: {  	v2 =	vld [tilespmem:s4+$0x80];
	_ =	sdelay $0x1  }
0x2f3: {  	v3 =	vld [tilespmem:s4+$0x0];
	_ =	sdelay $0x4  }
0x2f4: {  	vm5 =	vne.s32 v3, v2  }
0x2f5: {  	v2 =	vld.idx.msk [tilespmem:v2+s7+$0x0], $0xffff;
	_ =	sdelay $0x2  }
0x2f6: {  	s16 =	sadd.s32 $0xF0, s1;
	s17 =	sadd.s32 $0x1E0, s3  }
0x2f7: {  	s5 =	sand.u32 $0x7FFFFF00, s17;
	s4 =	sand.u32 $0x70, s16  }
0x2f8: {  	s4 =	sor.u32 s4, s5;
	[tilespmem:v3+s8+$0x0] =	vst.idx.add.f32.msk vm5, v2  }
0x2f9: {  	v2 =	vld [tilespmem:s4+$0x80];
	_ =	sdelay $0x1  }
0x2fa: {  	v3 =	vld [tilespmem:s4+$0x0];
	_ =	sdelay $0x4  }
0x2fb: {  	vm6 =	vne.s32 v3, v2  }
0x2fc: {  	v2 =	vld.idx.msk [tilespmem:v2+s7+$0x0], $0xffff;
	_ =	sdelay $0x4  }
0x2fd: {  	[tilespmem:v3+s8+$0x0] =	vst.idx.add.f32.msk vm6, v2  }
0x2fe: {  	v2 =	vld [tilespmem:s2+$0x280];
	_ =	sdelay $0x1  }
0x2ff: {  	v3 =	vld [tilespmem:s2+$0x200];
	_ =	sdelay $0x4  }
0x300: {  	vm7 =	vne.s32 v3, v2  }
0x301: {  	v2 =	vld.idx.msk [tilespmem:v2+s7+$0x0], $0xffff;
	_ =	sdelay $0x2  }
0x302: {  	s18 =	sadd.s32 $0x110, s1;
	s19 =	sadd.s32 $0x220, s3  }
0x303: {  	s5 =	sand.u32 $0x7FFFFF00, s19;
	s4 =	sand.u32 $0x70, s18  }
0x304: {  	s4 =	sor.u32 s4, s5;
	[tilespmem:v3+s8+$0x0] =	vst.idx.add.f32.msk vm7, v2  }
0x305: {  	v2 =	vld [tilespmem:s4+$0x80];
	_ =	sdelay $0x1  }
0x306: {  	v3 =	vld [tilespmem:s4+$0x0];
	_ =	sdelay $0x4  }
0x307: {  	vm8 =	vne.s32 v3, v2  }
0x308: {  	v2 =	vld.idx.msk [tilespmem:v2+s7+$0x0], $0xffff;
	_ =	sdelay $0x2  }
0x309: {  	s20 =	sadd.s32 $0x120, s1;
	s21 =	sadd.s32 $0x240, s3  }
0x30a: {  	s5 =	sand.u32 $0x7FFFFF00, s21;
	s4 =	sand.u32 $0x70, s20  }
0x30b: {  	s4 =	sor.u32 s4, s5;
	[tilespmem:v3+s8+$0x0] =	vst.idx.add.f32.msk vm8, v2  }
0x30c: {  	v2 =	vld [tilespmem:s4+$0x80];
	_ =	sdelay $0x1  }
0x30d: {  	v3 =	vld [tilespmem:s4+$0x0];
	_ =	sdelay $0x4  }
0x30e: {  	vm9 =	vne.s32 v3, v2  }
0x30f: {  	v2 =	vld.idx.msk [tilespmem:v2+s7+$0x0], $0xffff;
	_ =	sdelay $0x2  }
0x310: {  	s22 =	sadd.s32 $0x130, s1;
	s23 =	sadd.s32 $0x260, s3  }
0x311: {  	s5 =	sand.u32 $0x7FFFFF00, s23;
	s4 =	sand.u32 $0x70, s22  }
0x312: {  	s4 =	sor.u32 s4, s5;
	[tilespmem:v3+s8+$0x0] =	vst.idx.add.f32.msk vm9, v2  }
0x313: {  	v2 =	vld [tilespmem:s4+$0x80];
	_ =	sdelay $0x1  }
0x314: {  	v3 =	vld [tilespmem:s4+$0x0];
	_ =	sdelay $0x4  }
0x315: {  	vm10 =	vne.s32 v3, v2  }
0x316: {  	v2 =	vld.idx.msk [tilespmem:v2+s7+$0x0], $0xffff;
	_ =	sdelay $0x2  }
0x317: {  	s24 =	sadd.s32 $0x140, s1;
	s25 =	sadd.s32 $0x280, s3  }
0x318: {  	s5 =	sand.u32 $0x7FFFFF00, s25;
	s4 =	sand.u32 $0x70, s24  }
0x319: {  	s4 =	sor.u32 s4, s5;
	[tilespmem:v3+s8+$0x0] =	vst.idx.add.f32.msk vm10, v2  }
0x31a: {  	v2 =	vld [tilespmem:s4+$0x80];
	_ =	sdelay $0x1  }
0x31b: {  	v3 =	vld [tilespmem:s4+$0x0];
	_ =	sdelay $0x4  }
0x31c: {  	vm11 =	vne.s32 v3, v2  }
0x31d: {  	v2 =	vld.idx.msk [tilespmem:v2+s7+$0x0], $0xffff;
	_ =	sdelay $0x2  }
0x31e: {  	s26 =	sadd.s32 $0x150, s1;
	s28 =	sadd.s32 $0x2A0, s3  }
0x31f: {  	s5 =	sand.u32 $0x7FFFFF00, s28;
	s4 =	sand.u32 $0x70, s26  }
0x320: {  	s4 =	sor.u32 s4, s5;
	[tilespmem:v3+s8+$0x0] =	vst.idx.add.f32.msk vm11, v2  }
0x321: {  	v2 =	vld [tilespmem:s4+$0x80];
	_ =	sdelay $0x1  }
0x322: {  	v3 =	vld [tilespmem:s4+$0x0];
	_ =	sdelay $0x4  }
0x323: {  	vm12 =	vne.s32 v3, v2  }
0x324: {  	v2 =	vld.idx.msk [tilespmem:v2+s7+$0x0], $0xffff;
	_ =	sdelay $0x2  }
0x325: {  	s29 =	sadd.s32 $0x160, s1;
	s30 =	sadd.s32 $0x2C0, s3  }
0x326: {  	s5 =	sand.u32 $0x7FFFFF00, s30;
	s4 =	sand.u32 $0x70, s29  }
0x327: {  	s4 =	sor.u32 s4, s5;
	[tilespmem:v3+s8+$0x0] =	vst.idx.add.f32.msk vm12, v2  }
0x328: {  	v2 =	vld [tilespmem:s4+$0x80];
	_ =	sdelay $0x1  }
0x329: {  	v3 =	vld [tilespmem:s4+$0x0];
	_ =	sdelay $0x4  }
0x32a: {  	vm13 =	vne.s32 v3, v2  }
0x32b: {  	v2 =	vld.idx.msk [tilespmem:v2+s7+$0x0], $0xffff;
	_ =	sdelay $0x2  }
0x32c: {  	s31 =	sadd.s32 $0x170, s1;
	s3 =	sadd.s32 $0x2E0, s3  }
0x32d: {  	s3 =	sand.u32 $0x7FFFFF00, s3;
	s4 =	sand.u32 $0x70, s31  }
0x32e: {  	s3 =	sor.u32 s4, s3;
	[tilespmem:v3+s8+$0x0] =	vst.idx.add.f32.msk vm13, v2  }
0x32f: {  	v2 =	vld [tilespmem:s3+$0x80];
	_ =	sdelay $0x1  }
0x330: {  	v3 =	vld [tilespmem:s3+$0x0];
	_ =	sdelay $0x4  }
0x331: {  	vm14 =	vne.s32 v3, v2  }
0x332: {  	v2 =	vld.idx.msk [tilespmem:v2+s7+$0x0], $0xffff;
	_ =	sdelay $0x4  }
0x333: {  	[tilespmem:v3+s8+$0x0] =	vst.idx.add.f32.msk vm14, v2  }
0x334: {  	v2 =	vld [tilespmem:s2+$0x380];
	_ =	sdelay $0x1  }
0x335: {  	v3 =	vld [tilespmem:s2+$0x300];
	_ =	sdelay $0x4  }
0x336: {  	vm15 =	vne.s32 v3, v2  }
0x337: {  	p1 =	sne.s32 s0, $0x4B00;
	v2 =	vld.idx.msk [tilespmem:v2+s7+$0x0], $0xffff  }
.Ltmp4:
0x338: {  	_ = 	snop;
	(pc) =	sbr.rel @p1 .LBB2_10-.Ltmp4, $2  }
0x339: {  	_ =	sdelay $0x2  }
0x33a: {  	s0 =	sadd.s32 $0x320, s0;
	s1 =	sadd.s32 $0x190, s1;
	[tilespmem:v3+s8+$0x0] =	vst.idx.add.f32.msk vm15, v2  }
0x33b: {  	_ =	sdelay $0x7ff  }
0x33c: {  	_ =	sdelay $0x23  }
0x33d: {  	s1 =	simm.s32 $0x80;
	s2 =	simm.s32 $0x400;
	s0 =	rddreg [dreg:$0x1f]  }
0x33e: {  	[spmem:s0] =	stream.strided.scatter [tilespmem:s8], [sflag:$0x2], $0x2800, s2, s1, $0x38;
	[tilespmem:$0x16C80] =	vst v63  }
0x33f: {  	_ =	swait.ge [sflag:s6], $0x2800  }
0x340: {  	[sflag:s6] =	ssyncset.done $0x0  }
0x341: {  	[sflag:s6] =	ssyncadd.s32 $0xFFFFD800  }
0x342: {  	[bflag:$0x0] =	sbarrier.arrive $0xFFFF  }
0x343: {  	s26 =	sld [smem:$0x7F7];
	_ =	sdelay $0x1  }
0x344: {  	s28 =	simm.s32 $0x1400;
	s29 =	simm.s32 $0x14000;
	s3 =	simm.s32 $0x11500  }
0x345: {  	[tilespmem:s3], [sflag:$0x2] =	stream.strided.gather [spmem:s26], $0x2800, s29, s28, $0x38;
	[tilespmem:$0x16C80] =	vst v63  }
0x346: {  	s26 =	simm.s32 $0x0  }
0x347: {  	_ =	swait.ge [sflag:s6], $0x2800;
	s31 =	sand.u32 $0x1C00, s26  }
0x348: {  	s1 =	sand.u32 $0x40, s26;
	[sflag:s6] =	ssyncset.done $0x0;
	s0 =	sadd.s32 $0x11500, s31  }
0x349: {  	[sflag:s6] =	ssyncadd.s32 $0xFFFFD800;
	s4 =	sor.u32 s1, s0  }
0x34a: {  	v2 =	vld [tilespmem:s4+$0x0]  }
0x34b: {  	v3 =	vld [tilespmem:s4+$0x80];
	_ =	sdelay $0x1  }
0x34c: {  	v4 =	vld [tilespmem:s4+$0x100];
	_ =	sdelay $0x1  }
0x34d: {  	v5 =	vld [tilespmem:s4+$0x180]  }
0x34e: {  	v2 =	vadd.f32 v3, v2  }
0x34f: {  	v3 =	vld [tilespmem:s4+$0x200]  }
0x350: {  	v2 =	vadd.f32 v4, v2  }
0x351: {  	v4 =	vld [tilespmem:s4+$0x280]  }
0x352: {  	v2 =	vadd.f32 v5, v2  }
0x353: {  	v5 =	vld [tilespmem:s4+$0x300]  }
0x354: {  	v2 =	vadd.f32 v3, v2  }
0x355: {  	s2 =	sadd.s32 $0x12900, s31;
	v3 =	vld [tilespmem:s4+$0x380]  }
0x356: {  	s5 =	sor.u32 s1, s2;
	v2 =	vadd.f32 v4, v2  }
0x357: {  	s10 =	sadd.s32 $0x12980, s31;
	v4 =	vld [tilespmem:s5+$0x0]  }
0x358: {  	s6 =	sor.u32 s1, s10;
	v2 =	vadd.f32 v5, v2  }
0x359: {  	s11 =	sadd.s32 $0x12A00, s31;
	v5 =	vld [tilespmem:s6+$0x0]  }
0x35a: {  	s7 =	sor.u32 s1, s11;
	v2 =	vadd.f32 v3, v2  }
0x35b: {  	s6 =	sadd.s32 $0x12A80, s31;
	v3 =	vld [tilespmem:s7+$0x0]  }
0x35c: {  	s8 =	sor.u32 s1, s6;
	v2 =	vadd.f32 v4, v2  }
0x35d: {  	s7 =	sadd.s32 $0x12B00, s31;
	v4 =	vld [tilespmem:s8+$0x0]  }
0x35e: {  	s9 =	sor.u32 s1, s7;
	v2 =	vadd.f32 v5, v2  }
0x35f: {  	s8 =	sadd.s32 $0x12B80, s31;
	v5 =	vld [tilespmem:s9+$0x0]  }
0x360: {  	s12 =	sor.u32 s1, s8;
	v2 =	vadd.f32 v3, v2  }
0x361: {  	s5 =	sadd.s32 $0x12C00, s31;
	v3 =	vld [tilespmem:s12+$0x0]  }
0x362: {  	s13 =	sor.u32 s1, s5;
	v2 =	vadd.f32 v4, v2  }
0x363: {  	s9 =	sadd.s32 $0x12C80, s31;
	v4 =	vld [tilespmem:s13+$0x0]  }
0x364: {  	s3 =	sor.u32 s1, s9;
	v2 =	vadd.f32 v5, v2  }
0x365: {  	v5 =	vld [tilespmem:s3+$0x0]  }
0x366: {  	v2 =	vadd.f32 v3, v2;
	_ =	sdelay $0x1  }
0x367: {  	v2 =	vadd.f32 v4, v2;
	_ =	sdelay $0x1  }
0x368: {  	v2 =	vadd.f32 v5, v2  }
0x369: {  	s18 =	simm.s32 $0x13D00;
	s14 =	sor.u32 $0x10, s1  }
0x36a: {  	s15 =	sor.u32 s14, s0;
	[tilespmem:s18+$0x0] =	vst v2  }
0x36b: {  	v2 =	vld [tilespmem:s15+$0x0]  }
0x36c: {  	v3 =	vld [tilespmem:s15+$0x80];
	_ =	sdelay $0x1  }
0x36d: {  	v4 =	vld [tilespmem:s15+$0x100];
	_ =	sdelay $0x1  }
0x36e: {  	v5 =	vld [tilespmem:s15+$0x180]  }
0x36f: {  	v2 =	vadd.f32 v3, v2  }
0x370: {  	v3 =	vld [tilespmem:s15+$0x200]  }
0x371: {  	v2 =	vadd.f32 v4, v2  }
0x372: {  	v4 =	vld [tilespmem:s15+$0x280]  }
0x373: {  	v2 =	vadd.f32 v5, v2  }
0x374: {  	v5 =	vld [tilespmem:s15+$0x300]  }
0x375: {  	v2 =	vadd.f32 v3, v2  }
0x376: {  	v3 =	vld [tilespmem:s15+$0x380]  }
0x377: {  	s16 =	sor.u32 s14, s2;
	v2 =	vadd.f32 v4, v2  }
0x378: {  	v4 =	vld [tilespmem:s16+$0x0]  }
0x379: {  	s17 =	sor.u32 s14, s10;
	v2 =	vadd.f32 v5, v2  }
0x37a: {  	v5 =	vld [tilespmem:s17+$0x0]  }
0x37b: {  	s19 =	sor.u32 s14, s11;
	v2 =	vadd.f32 v3, v2  }
0x37c: {  	v3 =	vld [tilespmem:s19+$0x0]  }
0x37d: {  	s20 =	sor.u32 s14, s6;
	v2 =	vadd.f32 v4, v2  }
0x37e: {  	v4 =	vld [tilespmem:s20+$0x0]  }
0x37f: {  	s21 =	sor.u32 s14, s7;
	v2 =	vadd.f32 v5, v2  }
0x380: {  	v5 =	vld [tilespmem:s21+$0x0]  }
0x381: {  	s22 =	sor.u32 s14, s8;
	v2 =	vadd.f32 v3, v2  }
0x382: {  	v3 =	vld [tilespmem:s22+$0x0]  }
0x383: {  	s23 =	sor.u32 s14, s5;
	v2 =	vadd.f32 v4, v2  }
0x384: {  	v4 =	vld [tilespmem:s23+$0x0]  }
0x385: {  	s24 =	sor.u32 s14, s9;
	v2 =	vadd.f32 v5, v2  }
0x386: {  	v5 =	vld [tilespmem:s24+$0x0]  }
0x387: {  	v2 =	vadd.f32 v3, v2;
	_ =	sdelay $0x1  }
0x388: {  	v2 =	vadd.f32 v4, v2  }
0x389: {  	s25 =	sand.u32 $0x380, s26  }
0x38a: {  	s3 =	sadd.s32 $0x13D00, s25;
	v2 =	vadd.f32 v5, v2  }
0x38b: {  	s12 =	sor.u32 $0x20, s1;
	s4 =	sor.u32 s14, s3  }
0x38c: {  	s28 =	sor.u32 s12, s0;
	[tilespmem:s4+$0x0] =	vst v2  }
0x38d: {  	v2 =	vld [tilespmem:s28+$0x0]  }
0x38e: {  	v3 =	vld [tilespmem:s28+$0x80];
	_ =	sdelay $0x1  }
0x38f: {  	v4 =	vld [tilespmem:s28+$0x100];
	_ =	sdelay $0x1  }
0x390: {  	v5 =	vld [tilespmem:s28+$0x180]  }
0x391: {  	v2 =	vadd.f32 v3, v2  }
0x392: {  	v3 =	vld [tilespmem:s28+$0x200]  }
0x393: {  	v2 =	vadd.f32 v4, v2  }
0x394: {  	v4 =	vld [tilespmem:s28+$0x280]  }
0x395: {  	v2 =	vadd.f32 v5, v2  }
0x396: {  	v5 =	vld [tilespmem:s28+$0x300]  }
0x397: {  	v2 =	vadd.f32 v3, v2  }
0x398: {  	v3 =	vld [tilespmem:s28+$0x380]  }
0x399: {  	s29 =	sor.u32 s12, s2;
	v2 =	vadd.f32 v4, v2  }
0x39a: {  	v4 =	vld [tilespmem:s29+$0x0]  }
0x39b: {  	s31 =	sor.u32 s12, s10;
	v2 =	vadd.f32 v5, v2  }
0x39c: {  	v5 =	vld [tilespmem:s31+$0x0]  }
0x39d: {  	s13 =	sor.u32 s12, s11;
	v2 =	vadd.f32 v3, v2  }
0x39e: {  	v3 =	vld [tilespmem:s13+$0x0]  }
0x39f: {  	s14 =	sor.u32 s12, s6;
	v2 =	vadd.f32 v4, v2  }
0x3a0: {  	v4 =	vld [tilespmem:s14+$0x0]  }
0x3a1: {  	s15 =	sor.u32 s12, s7;
	v2 =	vadd.f32 v5, v2  }
0x3a2: {  	v5 =	vld [tilespmem:s15+$0x0]  }
0x3a3: {  	s16 =	sor.u32 s12, s8;
	v2 =	vadd.f32 v3, v2  }
0x3a4: {  	v3 =	vld [tilespmem:s16+$0x0]  }
0x3a5: {  	s17 =	sor.u32 s12, s5;
	v2 =	vadd.f32 v4, v2  }
0x3a6: {  	v4 =	vld [tilespmem:s17+$0x0]  }
0x3a7: {  	s19 =	sor.u32 s12, s9;
	v2 =	vadd.f32 v5, v2  }
0x3a8: {  	v5 =	vld [tilespmem:s19+$0x0]  }
0x3a9: {  	v2 =	vadd.f32 v3, v2;
	_ =	sdelay $0x1  }
0x3aa: {  	v2 =	vadd.f32 v4, v2;
	_ =	sdelay $0x1  }
0x3ab: {  	v2 =	vadd.f32 v5, v2  }
0x3ac: {  	s1 =	sor.u32 $0x30, s1;
	s20 =	sor.u32 s12, s3  }
0x3ad: {  	s0 =	sor.u32 s1, s0;
	[tilespmem:s20+$0x0] =	vst v2  }
0x3ae: {  	v2 =	vld [tilespmem:s0+$0x0]  }
0x3af: {  	v3 =	vld [tilespmem:s0+$0x80];
	_ =	sdelay $0x1  }
0x3b0: {  	v4 =	vld [tilespmem:s0+$0x100];
	_ =	sdelay $0x1  }
0x3b1: {  	v5 =	vld [tilespmem:s0+$0x180]  }
0x3b2: {  	v2 =	vadd.f32 v3, v2  }
0x3b3: {  	v3 =	vld [tilespmem:s0+$0x200]  }
0x3b4: {  	v2 =	vadd.f32 v4, v2  }
0x3b5: {  	v4 =	vld [tilespmem:s0+$0x280]  }
0x3b6: {  	v2 =	vadd.f32 v5, v2  }
0x3b7: {  	v5 =	vld [tilespmem:s0+$0x300]  }
0x3b8: {  	v2 =	vadd.f32 v3, v2  }
0x3b9: {  	v3 =	vld [tilespmem:s0+$0x380]  }
0x3ba: {  	s21 =	sor.u32 s1, s2;
	v2 =	vadd.f32 v4, v2  }
0x3bb: {  	v4 =	vld [tilespmem:s21+$0x0]  }
0x3bc: {  	s22 =	sor.u32 s1, s10;
	v2 =	vadd.f32 v5, v2  }
0x3bd: {  	v5 =	vld [tilespmem:s22+$0x0]  }
0x3be: {  	s23 =	sor.u32 s1, s11;
	v2 =	vadd.f32 v3, v2  }
0x3bf: {  	v3 =	vld [tilespmem:s23+$0x0]  }
0x3c0: {  	s24 =	sor.u32 s1, s6;
	v2 =	vadd.f32 v4, v2  }
0x3c1: {  	v4 =	vld [tilespmem:s24+$0x0]  }
0x3c2: {  	s25 =	sor.u32 s1, s7;
	v2 =	vadd.f32 v5, v2  }
0x3c3: {  	v5 =	vld [tilespmem:s25+$0x0]  }
0x3c4: {  	s28 =	sor.u32 s1, s8;
	v2 =	vadd.f32 v3, v2  }
0x3c5: {  	v6 =	vld [tilespmem:s28+$0x0]  }
0x3c6: {  	v2 =	vadd.f32 v4, v2;
	_ =	sdelay $0x1  }
0x3c7: {  	s29 =	sor.u32 s1, s5;
	v4 =	vadd.f32 v5, v2  }
0x3c8: {  	s31 =	sor.u32 s1, s9;
	v3 =	vld [tilespmem:s29+$0x0]  }
0x3c9: {  	s30 =	simm.s32 $0x40;
	v2 =	vld [tilespmem:s31+$0x0];
	v4 =	vadd.f32 v6, v4  }
.LBB2_12:
0x3ca: {  	_ =	sdelay $0x2  }
0x3cb: {  	v3 =	vadd.f32 v3, v4  }
0x3cc: {  	s26 =	sadd.s32 $0x200, s26  }
0x3cd: {  	s8 =	smov.u32 s30;
	s5 =	sand.u32 $0x1C00, s26;
	v2 =	vadd.f32 v2, v3  }
0x3ce: {  	s3 =	sor.u32 s1, s3;
	s1 =	sand.u32 $0x40, s8;
	s0 =	sadd.s32 $0x11500, s5  }
0x3cf: {  	s29 =	sor.u32 s1, s0;
	[tilespmem:s3+$0x0] =	vst v2  }
0x3d0: {  	v2 =	vld [tilespmem:s29+$0x0]  }
0x3d1: {  	v3 =	vld [tilespmem:s29+$0x80];
	_ =	sdelay $0x1  }
0x3d2: {  	v4 =	vld [tilespmem:s29+$0x100];
	_ =	sdelay $0x1  }
0x3d3: {  	v5 =	vld [tilespmem:s29+$0x180]  }
0x3d4: {  	v2 =	vadd.f32 v3, v2  }
0x3d5: {  	v3 =	vld [tilespmem:s29+$0x200]  }
0x3d6: {  	v2 =	vadd.f32 v4, v2  }
0x3d7: {  	v4 =	vld [tilespmem:s29+$0x280]  }
0x3d8: {  	v2 =	vadd.f32 v5, v2  }
0x3d9: {  	v5 =	vld [tilespmem:s29+$0x300]  }
0x3da: {  	v2 =	vadd.f32 v3, v2  }
0x3db: {  	s31 =	sadd.s32 $0x12900, s5;
	v3 =	vld [tilespmem:s29+$0x380]  }
0x3dc: {  	s4 =	sor.u32 s1, s31;
	v2 =	vadd.f32 v4, v2  }
0x3dd: {  	s2 =	sadd.s32 $0x12980, s5;
	v4 =	vld [tilespmem:s4+$0x0]  }
0x3de: {  	s10 =	sor.u32 s1, s2;
	v2 =	vadd.f32 v5, v2  }
0x3df: {  	s22 =	sadd.s32 $0x12A00, s5;
	v5 =	vld [tilespmem:s10+$0x0]  }
0x3e0: {  	s14 =	sor.u32 s1, s22;
	v2 =	vadd.f32 v3, v2  }
0x3e1: {  	s25 =	sadd.s32 $0x12A80, s5;
	v3 =	vld [tilespmem:s14+$0x0]  }
0x3e2: {  	s9 =	sor.u32 s1, s25;
	v2 =	vadd.f32 v4, v2  }
0x3e3: {  	s16 =	sadd.s32 $0x12B00, s5;
	v4 =	vld [tilespmem:s9+$0x0]  }
0x3e4: {  	s12 =	sor.u32 s1, s16;
	v2 =	vadd.f32 v5, v2  }
0x3e5: {  	s17 =	sadd.s32 $0x12B80, s5;
	v5 =	vld [tilespmem:s12+$0x0]  }
0x3e6: {  	s13 =	sor.u32 s1, s17;
	v2 =	vadd.f32 v3, v2  }
0x3e7: {  	s19 =	sadd.s32 $0x12C00, s5;
	v3 =	vld [tilespmem:s13+$0x0]  }
0x3e8: {  	s21 =	sor.u32 s1, s19;
	v2 =	vadd.f32 v4, v2  }
0x3e9: {  	s20 =	sadd.s32 $0x12C80, s5;
	v4 =	vld [tilespmem:s21+$0x0]  }
0x3ea: {  	s5 =	sor.u32 s1, s20;
	v2 =	vadd.f32 v5, v2  }
0x3eb: {  	v5 =	vld [tilespmem:s5+$0x0]  }
0x3ec: {  	v2 =	vadd.f32 v3, v2;
	_ =	sdelay $0x1  }
0x3ed: {  	v2 =	vadd.f32 v4, v2;
	_ =	sdelay $0x1  }
0x3ee: {  	v2 =	vadd.f32 v5, v2  }
0x3ef: {  	s18 =	sadd.s32 $0x40, s18;
	s7 =	sor.u32 $0x10, s1  }
0x3f0: {  	s14 =	sor.u32 s7, s0;
	[tilespmem:s18+$0x0] =	vst v2  }
0x3f1: {  	v2 =	vld [tilespmem:s14+$0x0]  }
0x3f2: {  	v3 =	vld [tilespmem:s14+$0x80];
	_ =	sdelay $0x1  }
0x3f3: {  	v4 =	vld [tilespmem:s14+$0x100];
	_ =	sdelay $0x1  }
0x3f4: {  	v5 =	vld [tilespmem:s14+$0x180]  }
0x3f5: {  	v2 =	vadd.f32 v3, v2  }
0x3f6: {  	v3 =	vld [tilespmem:s14+$0x200]  }
0x3f7: {  	v2 =	vadd.f32 v4, v2  }
0x3f8: {  	v4 =	vld [tilespmem:s14+$0x280]  }
0x3f9: {  	v2 =	vadd.f32 v5, v2  }
0x3fa: {  	v5 =	vld [tilespmem:s14+$0x300]  }
0x3fb: {  	v2 =	vadd.f32 v3, v2  }
0x3fc: {  	v3 =	vld [tilespmem:s14+$0x380]  }
0x3fd: {  	s28 =	sor.u32 s7, s31;
	v2 =	vadd.f32 v4, v2  }
0x3fe: {  	v4 =	vld [tilespmem:s28+$0x0]  }
0x3ff: {  	s24 =	sor.u32 s7, s2;
	v2 =	vadd.f32 v5, v2  }
0x400: {  	v5 =	vld [tilespmem:s24+$0x0]  }
0x401: {  	s23 =	sor.u32 s7, s22;
	v2 =	vadd.f32 v3, v2  }
0x402: {  	v3 =	vld [tilespmem:s23+$0x0]  }
0x403: {  	s15 =	sor.u32 s7, s25;
	s3 =	sor.u32 s7, s17;
	v2 =	vadd.f32 v4, v2  }
0x404: {  	[dreg:$0x1b] =	wrdreg s3;
	s3 =	sor.u32 s7, s19;
	v4 =	vld [tilespmem:s15+$0x0]  }
0x405: {  	s11 =	sor.u32 s7, s16;
	[dreg:$0x19] =	wrdreg s3;
	s3 =	sor.u32 s7, s20;
	v2 =	vadd.f32 v5, v2  }
0x406: {  	s6 =	sor.u32 $0x20, s1;
	[dreg:$0x17] =	wrdreg s3;
	v5 =	vld [tilespmem:s11+$0x0]  }
0x407: {  	s3 =	sor.u32 s6, s31;
	s21 =	rddreg [dreg:$0x1b];
	v2 =	vadd.f32 v3, v2  }
0x408: {  	[dreg:$0x15] =	wrdreg s3;
	v3 =	vld [tilespmem:s21+$0x0]  }
0x409: {  	s3 =	sor.u32 s6, s2;
	s23 =	rddreg [dreg:$0x19];
	v2 =	vadd.f32 v4, v2  }
0x40a: {  	[dreg:$0x13] =	wrdreg s3;
	v4 =	vld [tilespmem:s23+$0x0]  }
0x40b: {  	s3 =	sor.u32 s6, s22;
	s24 =	rddreg [dreg:$0x17];
	v2 =	vadd.f32 v5, v2  }
0x40c: {  	[dreg:$0x11] =	wrdreg s3;
	s3 =	sor.u32 s6, s25;
	v5 =	vld [tilespmem:s24+$0x0]  }
0x40d: {  	[dreg:$0xf] =	wrdreg s3;
	s3 =	sor.u32 s6, s16;
	v2 =	vadd.f32 v3, v2  }
0x40e: {  	[dreg:$0xd] =	wrdreg s3;
	s3 =	sor.u32 s6, s17  }
0x40f: {  	[dreg:$0xb] =	wrdreg s3;
	s3 =	sor.u32 s6, s19;
	v2 =	vadd.f32 v4, v2  }
0x410: {  	[dreg:$0x9] =	wrdreg s3;
	s3 =	sor.u32 s6, s20;
	s28 =	sand.u32 $0x380, s8  }
0x411: {  	[dreg:$0x7] =	wrdreg s3;
	s3 =	sadd.s32 $0x13D00, s28;
	v2 =	vadd.f32 v5, v2  }
0x412: {  	s29 =	sor.u32 s7, s3  }
0x413: {  	s5 =	sor.u32 s6, s3;
	s6 =	sor.u32 s6, s0;
	[tilespmem:s29+$0x0] =	vst v2  }
0x414: {  	v2 =	vld [tilespmem:s6+$0x0]  }
0x415: {  	v3 =	vld [tilespmem:s6+$0x80];
	_ =	sdelay $0x1  }
0x416: {  	v4 =	vld [tilespmem:s6+$0x100];
	_ =	sdelay $0x1  }
0x417: {  	v5 =	vld [tilespmem:s6+$0x180]  }
0x418: {  	v2 =	vadd.f32 v3, v2  }
0x419: {  	v3 =	vld [tilespmem:s6+$0x200]  }
0x41a: {  	v2 =	vadd.f32 v4, v2  }
0x41b: {  	v4 =	vld [tilespmem:s6+$0x280]  }
0x41c: {  	v2 =	vadd.f32 v5, v2  }
0x41d: {  	v5 =	vld [tilespmem:s6+$0x300]  }
0x41e: {  	v2 =	vadd.f32 v3, v2  }
0x41f: {  	v3 =	vld [tilespmem:s6+$0x380]  }
0x420: {  	s8 =	rddreg [dreg:$0x15];
	v2 =	vadd.f32 v4, v2  }
0x421: {  	v4 =	vld [tilespmem:s8+$0x0]  }
0x422: {  	s9 =	rddreg [dreg:$0x13];
	v2 =	vadd.f32 v5, v2  }
0x423: {  	v5 =	vld [tilespmem:s9+$0x0]  }
0x424: {  	s10 =	rddreg [dreg:$0x11];
	v2 =	vadd.f32 v3, v2  }
0x425: {  	v3 =	vld [tilespmem:s10+$0x0]  }
0x426: {  	s11 =	rddreg [dreg:$0xf];
	v2 =	vadd.f32 v4, v2  }
0x427: {  	v4 =	vld [tilespmem:s11+$0x0]  }
0x428: {  	s12 =	rddreg [dreg:$0xd];
	v2 =	vadd.f32 v5, v2  }
0x429: {  	v5 =	vld [tilespmem:s12+$0x0]  }
0x42a: {  	s13 =	rddreg [dreg:$0xb];
	v2 =	vadd.f32 v3, v2  }
0x42b: {  	v3 =	vld [tilespmem:s13+$0x0]  }
0x42c: {  	s14 =	rddreg [dreg:$0x9];
	v2 =	vadd.f32 v4, v2  }
0x42d: {  	v4 =	vld [tilespmem:s14+$0x0]  }
0x42e: {  	s15 =	rddreg [dreg:$0x7];
	v2 =	vadd.f32 v5, v2  }
0x42f: {  	v5 =	vld [tilespmem:s15+$0x0]  }
0x430: {  	v2 =	vadd.f32 v3, v2;
	_ =	sdelay $0x1  }
0x431: {  	v2 =	vadd.f32 v4, v2;
	_ =	sdelay $0x1  }
0x432: {  	v2 =	vadd.f32 v5, v2  }
0x433: {  	s1 =	sor.u32 $0x30, s1  }
0x434: {  	s0 =	sor.u32 s1, s0;
	[tilespmem:s5+$0x0] =	vst v2  }
0x435: {  	v2 =	vld [tilespmem:s0+$0x0]  }
0x436: {  	v3 =	vld [tilespmem:s0+$0x80];
	_ =	sdelay $0x1  }
0x437: {  	v4 =	vld [tilespmem:s0+$0x100];
	_ =	sdelay $0x1  }
0x438: {  	v5 =	vld [tilespmem:s0+$0x180]  }
0x439: {  	v2 =	vadd.f32 v3, v2  }
0x43a: {  	v6 =	vld [tilespmem:s0+$0x200]  }
0x43b: {  	v2 =	vadd.f32 v4, v2  }
0x43c: {  	v7 =	vld [tilespmem:s0+$0x280]  }
0x43d: {  	v2 =	vadd.f32 v5, v2  }
0x43e: {  	v8 =	vld [tilespmem:s0+$0x300]  }
0x43f: {  	v2 =	vadd.f32 v6, v2  }
0x440: {  	v9 =	vld [tilespmem:s0+$0x380]  }
0x441: {  	s21 =	sor.u32 s1, s31;
	v7 =	vadd.f32 v7, v2  }
0x442: {  	v4 =	vld [tilespmem:s21+$0x0]  }
0x443: {  	s2 =	sor.u32 s1, s2;
	v7 =	vadd.f32 v8, v7  }
0x444: {  	v10 =	vld [tilespmem:s2+$0x0]  }
0x445: {  	s23 =	sor.u32 s1, s22;
	v7 =	vadd.f32 v9, v7  }
0x446: {  	v5 =	vld [tilespmem:s23+$0x0]  }
0x447: {  	s24 =	sor.u32 s1, s25;
	v4 =	vadd.f32 v4, v7  }
0x448: {  	v11 =	vld [tilespmem:s24+$0x0]  }
0x449: {  	s25 =	sor.u32 s1, s16;
	v4 =	vadd.f32 v10, v4  }
0x44a: {  	v6 =	vld [tilespmem:s25+$0x0]  }
0x44b: {  	s28 =	sor.u32 s1, s17;
	v4 =	vadd.f32 v5, v4  }
0x44c: {  	p1 =	sne.s32 s30, $0x240;
	v12 =	vld [tilespmem:s28+$0x0]  }
.Ltmp5:
0x44d: {  	v4 =	vadd.f32 v11, v4;
	(pc) =	sbr.rel @p1 .LBB2_12-.Ltmp5, $4  }
0x44e: {  	_ = 	snop  }
0x44f: {  	s29 =	sor.u32 s1, s19;
	v4 =	vadd.f32 v6, v4  }
0x450: {  	s31 =	sor.u32 s1, s20;
	v3 =	vld [tilespmem:s29+$0x0]  }
0x451: {  	s30 =	sadd.s32 $0x40, s30;
	v2 =	vld [tilespmem:s31+$0x0];
	v4 =	vadd.f32 v12, v4  }
0x452: {  	_ =	sdelay $0x2  }
0x453: {  	v3 =	vadd.f32 v3, v4;
	_ =	sdelay $0x1  }
0x454: {  	s28 =	sld [smem:$0x7FB];
	v2 =	vadd.f32 v2, v3  }
0x455: {  	s0 =	sor.u32 s1, s3  }
0x456: {  	s12 =	simm.s32 $0x0;
	s29 =	simm.s32 $0x13D00;
	s8 =	simm.s32 $0x2;
	[tilespmem:s0+$0x0] =	vst v2  }
0x457: {  	[hbm4b:s28+s12] =	stream.linear.scatter [tilespmem:s29], [sflag:$0x2], $0x280, $0x38;
	[tilespmem:$0x16C80] =	vst v63  }
0x458: {  	_ =	swait.ge [sflag:s8], $0x280  }
0x459: {  	s30 =	sld [smem:$0x7F6]  }
0x45a: {  	s31 =	sld [smem:$0x7FC];
	_ =	sdelay $0x1  }
0x45b: {  	s1 =	sadd.s32 $0x1, s30  }
0x45c: {  	p1 =	sne.s32 s1, s31  }
.Ltmp6:
0x45d: {  	_ = 	snop;
	(pc) =	sbr.rel @p1 .LBB2_1-.Ltmp6, $4  }
0x45e: {  	_ = 	snop  }
0x45f: {  	s7 =	sld [smem:$0x7FD]  }
0x460: {  	[sflag:s8] =	ssyncset.done $0x0  }
0x461: {  	s6 =	simm.s32 $0x9D00;
	[sflag:s8] =	ssyncadd.s32 $0xFFFFFD80  }
0x462: {  	_ =	sfence.sel $0x180000  }
0x463: {  	[bflag:$0x0] =	sbarrier.arrive $0xFFFF  }
0x464: {  	_ =	strace $0x90000047  }
0x465: {  	s0 =	stileid.u32;
	[bflag:$0x2] =	sbarrier.arrive $0xFFFF  }
0x466: {  	p0 =	sne.s32 s0, $0x0;
	s0 =	rddreg [dreg:$0x5]  }
0x467: {  	s0 =	sadd.s32 @!p0 $0x100000, s0  }
0x468: {  	[sflag:s0] =	ssyncadd.tile.s32 @!p0 $0x1;
	_ =	shalt  }
.Lfunc_end2:
_tile_overlayer_lowered:
.L_overlay_start_2:
0x469: {  	(tag) =	ssettag $0x2  }
0x46a: {  	s0 =	rddreg [dreg:$0x0];
	s2 =	stileid.u32  }
0x46b: {  	s1 =	rddreg [dreg:$0x1];
	p0 =	sne.s32 s2, $0x0  }
0x46c: {  	s3 =	rddreg [dreg:$0x2];
	[bflag:$0x3] =	sbarrier.arrive $0xFFFF;
	s2 =	simm.s32 @!p0 $0x1C02  }
0x46d: {  	[timem:s3], [sflag:s2] =	dma.local @!p0 [hbm:s0], s1  }
0x46e: {  	s0 =	simm.s32 @!p0 $0x2  }
0x46f: {  	_ =	swait.ge @!p0 [sflag:s0], s1  }
0x470: {  	s1 =	ssub.s32 @!p0 $0x0, s1;
	[sflag:s0] =	ssyncset.done @!p0 $0x0  }
0x471: {  	[sflag:s0] =	ssyncadd.s32 @!p0 s1  }
0x472: {  	[bflag:$0x3] =	sbarrier.arrive $0xFFFF  }
0x473: {  	_ =	shalt  }

</sc_bundles>
